<compile_context>
chip_gen: v7x
topology: tpu7x:2x2x1
jax: 0.10.2.dev20260603
libtpu: 0.0.44.dev20260713+nightly
codegen_flags: <defaults>
</compile_context>

<pallas_src>
import functools

import jax
import jax.numpy as jnp
from jax import lax
from jax.experimental import pallas as pl
from jax.experimental.pallas import tpu as pltpu
from jax.experimental.pallas import tpu_sc as plsc

_N = 32768
_E = 524288
_F = 128
_G = 64
_Q = 16
_C = 256
_CD = 128
_NT = 16
_CHUNKS = _E // (_NT * _C)
_CHUNKS32 = _E // (2 * _NT * _CD)
_RPT = _N // _NT

_HIGH = jax.lax.Precision.HIGHEST

_sc_mesh = plsc.VectorSubcoreMesh(core_axis_name="c", subcore_axis_name="s")
_sc_params = pltpu.CompilerParams(use_tc_tiling_on_sc=False)


@functools.partial(
    pl.kernel,
    out_type=jax.ShapeDtypeStruct((2, _N, _Q), jnp.float32),
    mesh=_sc_mesh,
    scratch_types=[
        pltpu.VMEM((_CHUNKS32, _CD), jnp.int32),
        pltpu.VMEM((_CD, _Q), jnp.float32),
        pltpu.VMEM_SHARED((_N, _Q), jnp.float32),
    ],
    compiler_params=_sc_params,
)
def _sc_deg(dst_hbm, ones_hbm, zeros_hbm, out_hbm, dst_v, ones_v, acc):
    c = lax.axis_index("c")
    s = lax.axis_index("s")
    w = c * _NT + s
    pltpu.sync_copy(zeros_hbm.at[pl.ds(s * _RPT, _RPT)],
                    acc.at[pl.ds(s * _RPT, _RPT)])
    pltpu.sync_copy(dst_hbm.at[w], dst_v)
    pltpu.sync_copy(ones_hbm, ones_v)
    plsc.subcore_barrier()

    @pl.loop(0, _CHUNKS32)
    def _(j):
        pltpu.sync_copy(ones_v, acc.at[dst_v.at[j]], add=True)

    plsc.subcore_barrier()
    pltpu.sync_copy(acc.at[pl.ds(s * _RPT, _RPT)],
                    out_hbm.at[c, pl.ds(s * _RPT, _RPT)])


_NB = 4


@functools.partial(
    pl.kernel,
    out_type=jax.ShapeDtypeStruct((_N, _G), jnp.float32),
    mesh=_sc_mesh,
    scratch_types=[
        pltpu.VMEM((_CHUNKS, _C), jnp.int32),
        pltpu.VMEM((_CHUNKS, _C), jnp.int32),
        [pltpu.VMEM((_C, _Q), jnp.float32) for _ in range(_NB)],
        pltpu.VMEM_SHARED((_N, _Q), jnp.float32),
        [pltpu.SemaphoreType.DMA for _ in range(_NB)],
        [pltpu.SemaphoreType.DMA for _ in range(_NB)],
    ],
    compiler_params=_sc_params,
)
def _sc_agg(p_hbm, src_hbm, dst_hbm, zeros_hbm, out_hbm,
            src_v, dst_v, rows, acc, gsem, ssem):
    c = lax.axis_index("c")
    s = lax.axis_index("s")
    pltpu.sync_copy(src_hbm.at[s], src_v)
    pltpu.sync_copy(dst_hbm.at[s], dst_v)
    for p in range(2):
        q = c * 2 + p
        pltpu.sync_copy(zeros_hbm.at[pl.ds(s * _RPT, _RPT)],
                        acc.at[pl.ds(s * _RPT, _RPT)])
        plsc.subcore_barrier()

        for b in range(_NB):
            pltpu.async_copy(p_hbm.at[q].at[src_v.at[b]], rows[b], gsem[b])

        @pl.loop(0, _CHUNKS // _NB)
        def _(i):
            j0 = i * _NB
            for b in range(_NB):
                pltpu.make_async_copy(
                    p_hbm.at[q].at[src_v.at[j0 + b]], rows[b],
                    gsem[b]).wait()
                pltpu.async_copy(rows[b], acc.at[dst_v.at[j0 + b]], ssem[b],
                                 add=True)
            for b in range(_NB):
                pltpu.make_async_copy(
                    rows[b], acc.at[dst_v.at[j0 + b]], ssem[b]).wait()
                nj = j0 + _NB + b

                @pl.when(nj < _CHUNKS)
                def _():
                    pltpu.async_copy(p_hbm.at[q].at[src_v.at[nj]], rows[b],
                                     gsem[b])

        plsc.subcore_barrier()
        pltpu.sync_copy(acc.at[pl.ds(s * _RPT, _RPT)],
                        out_hbm.at[pl.ds(s * _RPT, _RPT), pl.ds(q * _Q, _Q)])
        plsc.subcore_barrier()


_BN = 2048


def _split_p(pn, p_ref):
    for q in range(4):
        p_ref[q] = pn[:, q * _Q:(q + 1) * _Q]


def _dot(a, b):
    return jnp.dot(a, b, preferred_element_type=jnp.float32, precision=_HIGH)


def _tc_pre_body(h_ref, ws_ref, bs_ref, wn_ref, s_ref, p_ref):
    hb = h_ref[...]
    s_ref[...] = jnp.maximum(_dot(hb, ws_ref[...]) + bs_ref[...], 0.0)
    _split_p(_dot(hb, wn_ref[...]), p_ref)


_tc_pre = pl.pallas_call(
    _tc_pre_body,
    grid=(_N // _BN,),
    in_specs=[
        pl.BlockSpec((_BN, _F), lambda i: (i, 0)),
        pl.BlockSpec((_F, _G), lambda i: (0, 0)),
        pl.BlockSpec((1, _G), lambda i: (0, 0)),
        pl.BlockSpec((_F, _G), lambda i: (0, 0)),
    ],
    out_specs=[
        pl.BlockSpec((_BN, _G), lambda i: (i, 0)),
        pl.BlockSpec((4, _BN, _Q), lambda i: (0, i, 0)),
    ],
    out_shape=[
        jax.ShapeDtypeStruct((_N, _G), jnp.float32),
        jax.ShapeDtypeStruct((4, _N, _Q), jnp.float32),
    ],
)


def _tc_mid_body(agg_ref, deg_ref, s0_ref, bn_ref, ws_ref, bs_ref, wn_ref,
                 s1_ref, p_ref):
    deg = deg_ref[0][:, 0:1] + deg_ref[1][:, 0:1]
    inv = 1.0 / jnp.maximum(deg, 1.0)
    n0 = jnp.maximum(agg_ref[...] * inv + bn_ref[...], 0.0)
    h1 = jnp.concatenate([s0_ref[...], n0], axis=1)
    s1_ref[...] = jnp.maximum(_dot(h1, ws_ref[...]) + bs_ref[...], 0.0)
    _split_p(_dot(h1, wn_ref[...]), p_ref)


_tc_mid = pl.pallas_call(
    _tc_mid_body,
    grid=(_N // _BN,),
    in_specs=[
        pl.BlockSpec((_BN, _G), lambda i: (i, 0)),
        pl.BlockSpec((2, _BN, _Q), lambda i: (0, i, 0)),
        pl.BlockSpec((_BN, _G), lambda i: (i, 0)),
        pl.BlockSpec((1, _G), lambda i: (0, 0)),
        pl.BlockSpec((_F, _G), lambda i: (0, 0)),
        pl.BlockSpec((1, _G), lambda i: (0, 0)),
        pl.BlockSpec((_F, _G), lambda i: (0, 0)),
    ],
    out_specs=[
        pl.BlockSpec((_BN, _G), lambda i: (i, 0)),
        pl.BlockSpec((4, _BN, _Q), lambda i: (0, i, 0)),
    ],
    out_shape=[
        jax.ShapeDtypeStruct((_N, _G), jnp.float32),
        jax.ShapeDtypeStruct((4, _N, _Q), jnp.float32),
    ],
)

_BR = 1024


def _tc_head_body(sg_ref, ag_ref, ig_ref, bn_ref, m0s_ref, m0n_ref, c0_ref,
                  m1_ref, c1_ref, m2_ref, c2_ref, v_ref):
    n1 = jnp.maximum(ag_ref[...] * ig_ref[...] + bn_ref[...], 0.0)
    t = jnp.tanh(_dot(sg_ref[...], m0s_ref[...])
                 + _dot(n1, m0n_ref[...]) + c0_ref[...])
    t = jnp.tanh(_dot(t, m1_ref[...]) + c1_ref[...])
    v_ref[...] = jnp.sum(t * m2_ref[...], axis=1, keepdims=True) + c2_ref[...]


_tc_head = pl.pallas_call(
    _tc_head_body,
    grid=(_N // 4 // _BR,),
    in_specs=[
        pl.BlockSpec((_BR, 256), lambda i: (i, 0)),
        pl.BlockSpec((_BR, 256), lambda i: (i, 0)),
        pl.BlockSpec((_BR, 256), lambda i: (i, 0)),
        pl.BlockSpec((1, 256), lambda i: (0, 0)),
        pl.BlockSpec((256, 256), lambda i: (0, 0)),
        pl.BlockSpec((256, 256), lambda i: (0, 0)),
        pl.BlockSpec((1, 256), lambda i: (0, 0)),
        pl.BlockSpec((256, 256), lambda i: (0, 0)),
        pl.BlockSpec((1, 256), lambda i: (0, 0)),
        pl.BlockSpec((1, 256), lambda i: (0, 0)),
        pl.BlockSpec((1, 1), lambda i: (0, 0)),
    ],
    out_specs=pl.BlockSpec((_BR, 1), lambda i: (i, 0)),
    out_shape=jax.ShapeDtypeStruct((_N // 4, 1), jnp.float32),
)


def kernel(obs, g, Ws0, bs0, Wn0, bn0, Ws1, bs1, Wn1, bn1,
           M0, c0, M1, c1, M2, c2):
    steps = obs.shape[0]
    h = obs.reshape(_N, _F)
    src = g[0].astype(jnp.int32).reshape(_NT, _CHUNKS, _C)
    dst = g[1].astype(jnp.int32)
    dst16 = dst.reshape(_NT, _CHUNKS, _C)
    dst32 = dst.reshape(2 * _NT, _CHUNKS32, _CD)
    zeros_q = jnp.zeros((_N, _Q), jnp.float32)
    ones = jnp.ones((_CD, _Q), jnp.float32)

    m0r = M0.reshape(4, 2 * _G, 256)
    M0s = m0r[:, :_G, :].reshape(4 * _G, 256)
    M0n = m0r[:, _G:, :].reshape(4 * _G, 256)
    bn1_t = jnp.tile(bn1, 4).reshape(1, 4 * _G)

    degs = _sc_deg(dst32, ones, zeros_q)
    inv = 1.0 / jnp.maximum(degs[0, :, 0:1] + degs[1, :, 0:1], 1.0)
    inv_g = jnp.broadcast_to(inv, (_N, _G)).reshape(_N // 4, 4 * _G)

    s0, p0 = _tc_pre(h, Ws0, bs0.reshape(1, -1), Wn0)
    agg0 = _sc_agg(p0, src, dst16, zeros_q)
    s1, p1 = _tc_mid(agg0, degs, s0, bn0.reshape(1, -1),
                     Ws1, bs1.reshape(1, -1), Wn1)
    agg1 = _sc_agg(p1, src, dst16, zeros_q)
    v = _tc_head(s1.reshape(_N // 4, 4 * _G), agg1.reshape(_N // 4, 4 * _G),
                 inv_g, bn1_t, M0s, M0n, c0.reshape(1, -1),
                 M1, c1.reshape(1, -1), M2.reshape(1, -1),
                 c2.reshape(1, 1))
    return v.reshape(steps, 8, 16)

# --- scband reference (transcript-rebuilt; emitter-appended) ---
"""Pipeline reference for scband-gnncritic-42700564857465 (READ-ONLY COPY).

The authoritative reference and input builder live on the scoring server;
editing this copy changes nothing except your own understanding.
"""

import jax, jax.numpy as jnp
import numpy as np

PHASES = 4
FEATURES = 128
NUM_CPU = 8
STEPS = 64
NODES_PER_STEP = 512  # num_cpu * agents * phases = 8*16*4
N = STEPS * NODES_PER_STEP  # 32768
E = 524288
GNN_SIZE = 64
MLP_SIZE = 256


def setup_inputs(seed: int = 0) -> dict:
    key = jax.random.key(seed)
    ks = jax.random.split(key, 20)
    s = 0.05
    obs = jax.random.normal(ks[0], (STEPS, NODES_PER_STEP, FEATURES), dtype=jnp.float32)
    g = jax.random.randint(ks[1], (2, E), 0, N)
    # GNN layer 0: in=128 -> concat(64 self, 64 neigh) = 128
    Ws0 = jax.random.normal(ks[2], (FEATURES, GNN_SIZE), dtype=jnp.float32) * s
    bs0 = jnp.zeros((GNN_SIZE,), dtype=jnp.float32)
    Wn0 = jax.random.normal(ks[3], (FEATURES, GNN_SIZE), dtype=jnp.float32) * s
    bn0 = jnp.zeros((GNN_SIZE,), dtype=jnp.float32)
    # GNN layer 1: in=2*64=128 -> 128
    Ws1 = jax.random.normal(ks[4], (2 * GNN_SIZE, GNN_SIZE), dtype=jnp.float32) * s
    bs1 = jnp.zeros((GNN_SIZE,), dtype=jnp.float32)
    Wn1 = jax.random.normal(ks[5], (2 * GNN_SIZE, GNN_SIZE), dtype=jnp.float32) * s
    bn1 = jnp.zeros((GNN_SIZE,), dtype=jnp.float32)
    # MLP critic: obs_dim = 2*gnn_size*phases = 128*4 = 512
    M0 = jax.random.normal(ks[6], (2 * GNN_SIZE * PHASES, MLP_SIZE), dtype=jnp.float32) * s
    c0 = jnp.zeros((MLP_SIZE,), dtype=jnp.float32)
    M1 = jax.random.normal(ks[7], (MLP_SIZE, MLP_SIZE), dtype=jnp.float32) * s
    c1 = jnp.zeros((MLP_SIZE,), dtype=jnp.float32)
    M2 = jax.random.normal(ks[8], (MLP_SIZE, 1), dtype=jnp.float32) * s
    c2 = jnp.zeros((1,), dtype=jnp.float32)
    return {"obs": obs, "g": g, "Ws0": Ws0, "bs0": bs0, "Wn0": Wn0, "bn0": bn0,
            "Ws1": Ws1, "bs1": bs1, "Wn1": Wn1, "bn1": bn1,
            "M0": M0, "c0": c0, "M1": M1, "c1": c1, "M2": M2, "c2": c2}


def _gnn_layer(h, src, dst, n, Ws, bs, Wn, bn):
    msgs = jnp.take(h, src, axis=0)
    agg = jax.ops.segment_sum(msgs, dst, num_segments=n)
    deg = jax.ops.segment_sum(jnp.ones((src.shape[0], 1), h.dtype), dst, num_segments=n)
    agg = agg / jnp.maximum(deg, 1.0)
    h_self = jax.nn.relu(h @ Ws + bs)
    h_neigh = jax.nn.relu(agg @ Wn + bn)
    return jnp.concatenate([h_self, h_neigh], axis=-1)


def reference(obs, g, Ws0, bs0, Wn0, bn0, Ws1, bs1, Wn1, bn1, M0, c0, M1, c1, M2, c2):
    steps = obs.shape[0]
    h = obs.reshape(-1, FEATURES)
    n = h.shape[0]
    src, dst = g[0], g[1]
    h = _gnn_layer(h, src, dst, n, Ws0, bs0, Wn0, bn0)
    h = _gnn_layer(h, src, dst, n, Ws1, bs1, Wn1, bn1)
    h = h.reshape(steps, NUM_CPU, -1, h.shape[-1] * PHASES)
    x = jnp.tanh(h @ M0 + c0)
    x = jnp.tanh(x @ M1 + c1)
    v = x @ M2 + c2
    return jnp.squeeze(v, axis=-1)

if __name__ == "__main__":
    import jax
    _d = setup_inputs()
    print(jax.jit(kernel)(*tuple(_d.values())))

</pallas_src>

<mosaic_0001>
#map = affine_map<(d0, d1) -> (0, 0, 0)>
#map1 = affine_map<(d0, d1) -> (0, 0)>
module attributes {stable_mosaic.version = 14 : i64} {
  func.func @_sc_agg(%arg0: i32, %arg1: i32, %arg2: memref<4x32768x16xf32, #tpu.memory_space<hbm>>, %arg3: memref<16x128x256xi32, #tpu.memory_space<hbm>>, %arg4: memref<16x128x256xi32, #tpu.memory_space<hbm>>, %arg5: memref<32768x16xf32, #tpu.memory_space<hbm>>, %arg6: memref<32768x64xf32, #tpu.memory_space<hbm>>, %arg7: memref<128x256xi32, #tpu.memory_space<vmem>>, %arg8: memref<128x256xi32, #tpu.memory_space<vmem>>, %arg9: memref<256x16xf32, #tpu.memory_space<vmem>>, %arg10: memref<256x16xf32, #tpu.memory_space<vmem>>, %arg11: memref<256x16xf32, #tpu.memory_space<vmem>>, %arg12: memref<256x16xf32, #tpu.memory_space<vmem>>, %arg13: memref<32768x16xf32, #tpu.memory_space<vmem_shared>>, %arg14: memref<!tpu.dma_semaphore, #tpu.memory_space<semaphore_mem>>, %arg15: memref<!tpu.dma_semaphore, #tpu.memory_space<semaphore_mem>>, %arg16: memref<!tpu.dma_semaphore, #tpu.memory_space<semaphore_mem>>, %arg17: memref<!tpu.dma_semaphore, #tpu.memory_space<semaphore_mem>>, %arg18: memref<!tpu.dma_semaphore, #tpu.memory_space<semaphore_mem>>, %arg19: memref<!tpu.dma_semaphore, #tpu.memory_space<semaphore_mem>>, %arg20: memref<!tpu.dma_semaphore, #tpu.memory_space<semaphore_mem>>, %arg21: memref<!tpu.dma_semaphore, #tpu.memory_space<semaphore_mem>>) attributes {dimension_semantics = [#tpu.dimension_semantics<core_parallel>, #tpu.dimension_semantics<subcore_parallel>], iteration_bounds = array<i64: 2, 16>, scalar_prefetch = 0 : i64, scratch_operands = 15 : i64, tpu.core_type = #tpu.core_type<sc_vector_subcore>, window_params = [{transform_indices = #map}, {transform_indices = #map}, {transform_indices = #map}, {transform_indices = #map1}, {transform_indices = #map1}]} {
    "tpu.region"() ({
      %run_scoped3A = tpu.sem_alloc : memref<!tpu.dma_semaphore, #tpu.memory_space<semaphore_mem>>
      %dma_start3A_127 = arith.constant 0 : i32
      %dma_start3A_128 = arith.constant 0 : i32
      %dma_start3A_129 = tpu.memref_slice %arg3[%arg1, %dma_start3A_127, %dma_start3A_128] : memref<16x128x256xi32, #tpu.memory_space<hbm>> -> memref<1x128x256xi32, #tpu.memory_space<hbm>>
      %dma_start3A_130 = tpu.memref_squeeze %dma_start3A_129 : memref<1x128x256xi32, #tpu.memory_space<hbm>> -> memref<128x256xi32, #tpu.memory_space<hbm>>
      %dma_start3A_131 = arith.constant 0 : i32
      %dma_start3A_132 = arith.constant 0 : i32
      %dma_start3A_133 = tpu.memref_slice %arg3[%arg1, %dma_start3A_131, %dma_start3A_132] : memref<16x128x256xi32, #tpu.memory_space<hbm>> -> memref<1x128x256xi32, #tpu.memory_space<hbm>>
      %dma_start3A_134 = tpu.memref_squeeze %dma_start3A_133 : memref<1x128x256xi32, #tpu.memory_space<hbm>> -> memref<128x256xi32, #tpu.memory_space<hbm>>
      tpu.enqueue_dma source(%dma_start3A_134 : memref<128x256xi32, #tpu.memory_space<hbm>>) target(%arg7 : memref<128x256xi32, #tpu.memory_space<vmem>>) target_semaphore(%run_scoped3A : memref<!tpu.dma_semaphore, #tpu.memory_space<semaphore_mem>>)
      %dma_wait3A = arith.constant 0 : i32
      %dma_wait3A_135 = arith.constant 0 : i32
      %dma_wait3A_136 = tpu.memref_slice %arg3[%arg1, %dma_wait3A, %dma_wait3A_135] : memref<16x128x256xi32, #tpu.memory_space<hbm>> -> memref<1x128x256xi32, #tpu.memory_space<hbm>>
      %dma_wait3A_137 = tpu.memref_squeeze %dma_wait3A_136 : memref<1x128x256xi32, #tpu.memory_space<hbm>> -> memref<128x256xi32, #tpu.memory_space<hbm>>
      %dma_wait3A_138 = arith.constant 0 : i32
      %dma_wait3A_139 = arith.constant 0 : i32
      %dma_wait3A_140 = tpu.memref_slice %arg3[%arg1, %dma_wait3A_138, %dma_wait3A_139] : memref<16x128x256xi32, #tpu.memory_space<hbm>> -> memref<1x128x256xi32, #tpu.memory_space<hbm>>
      %dma_wait3A_141 = tpu.memref_squeeze %dma_wait3A_140 : memref<1x128x256xi32, #tpu.memory_space<hbm>> -> memref<128x256xi32, #tpu.memory_space<hbm>>
      tpu.wait_dma2 semaphore(%run_scoped3A : memref<!tpu.dma_semaphore, #tpu.memory_space<semaphore_mem>>) src(%dma_wait3A_141 : memref<128x256xi32, #tpu.memory_space<hbm>>) dst(%arg7 : memref<128x256xi32, #tpu.memory_space<vmem>>)
      tpu.yield
    }) : () -> ()
    "tpu.region"() ({
      %run_scoped3A = tpu.sem_alloc : memref<!tpu.dma_semaphore, #tpu.memory_space<semaphore_mem>>
      %dma_start3A_127 = arith.constant 0 : i32
      %dma_start3A_128 = arith.constant 0 : i32
      %dma_start3A_129 = tpu.memref_slice %arg4[%arg1, %dma_start3A_127, %dma_start3A_128] : memref<16x128x256xi32, #tpu.memory_space<hbm>> -> memref<1x128x256xi32, #tpu.memory_space<hbm>>
      %dma_start3A_130 = tpu.memref_squeeze %dma_start3A_129 : memref<1x128x256xi32, #tpu.memory_space<hbm>> -> memref<128x256xi32, #tpu.memory_space<hbm>>
      %dma_start3A_131 = arith.constant 0 : i32
      %dma_start3A_132 = arith.constant 0 : i32
      %dma_start3A_133 = tpu.memref_slice %arg4[%arg1, %dma_start3A_131, %dma_start3A_132] : memref<16x128x256xi32, #tpu.memory_space<hbm>> -> memref<1x128x256xi32, #tpu.memory_space<hbm>>
      %dma_start3A_134 = tpu.memref_squeeze %dma_start3A_133 : memref<1x128x256xi32, #tpu.memory_space<hbm>> -> memref<128x256xi32, #tpu.memory_space<hbm>>
      tpu.enqueue_dma source(%dma_start3A_134 : memref<128x256xi32, #tpu.memory_space<hbm>>) target(%arg8 : memref<128x256xi32, #tpu.memory_space<vmem>>) target_semaphore(%run_scoped3A : memref<!tpu.dma_semaphore, #tpu.memory_space<semaphore_mem>>)
      %dma_wait3A = arith.constant 0 : i32
      %dma_wait3A_135 = arith.constant 0 : i32
      %dma_wait3A_136 = tpu.memref_slice %arg4[%arg1, %dma_wait3A, %dma_wait3A_135] : memref<16x128x256xi32, #tpu.memory_space<hbm>> -> memref<1x128x256xi32, #tpu.memory_space<hbm>>
      %dma_wait3A_137 = tpu.memref_squeeze %dma_wait3A_136 : memref<1x128x256xi32, #tpu.memory_space<hbm>> -> memref<128x256xi32, #tpu.memory_space<hbm>>
      %dma_wait3A_138 = arith.constant 0 : i32
      %dma_wait3A_139 = arith.constant 0 : i32
      %dma_wait3A_140 = tpu.memref_slice %arg4[%arg1, %dma_wait3A_138, %dma_wait3A_139] : memref<16x128x256xi32, #tpu.memory_space<hbm>> -> memref<1x128x256xi32, #tpu.memory_space<hbm>>
      %dma_wait3A_141 = tpu.memref_squeeze %dma_wait3A_140 : memref<1x128x256xi32, #tpu.memory_space<hbm>> -> memref<128x256xi32, #tpu.memory_space<hbm>>
      tpu.wait_dma2 semaphore(%run_scoped3A : memref<!tpu.dma_semaphore, #tpu.memory_space<semaphore_mem>>) src(%dma_wait3A_141 : memref<128x256xi32, #tpu.memory_space<hbm>>) dst(%arg8 : memref<128x256xi32, #tpu.memory_space<vmem>>)
      tpu.yield
    }) : () -> ()
    %mul3A = arith.constant 2 : i32
    %mul3A_0 = arith.muli %arg0, %mul3A : i32
    %add3A = arith.constant 0 : i32
    %add3A_1 = arith.addi %mul3A_0, %add3A : i32
    %mul3A_2 = arith.constant 2048 : i32
    %mul3A_3 = arith.muli %arg1, %mul3A_2 : i32
    %mul3A_4 = arith.constant 2048 : i32
    %mul3A_5 = arith.muli %arg1, %mul3A_4 : i32
    "tpu.region"() ({
      %run_scoped3A = tpu.sem_alloc : memref<!tpu.dma_semaphore, #tpu.memory_space<semaphore_mem>>
      %dma_start3A_127 = arith.constant 0 : i32
      %dma_start3A_128 = tpu.memref_slice %arg13[%mul3A_5, %dma_start3A_127] : memref<32768x16xf32, #tpu.memory_space<vmem_shared>> -> memref<2048x16xf32, #tpu.memory_space<vmem_shared>>
      %dma_start3A_129 = arith.constant 0 : i32
      %dma_start3A_130 = tpu.memref_slice %arg5[%mul3A_3, %dma_start3A_129] : memref<32768x16xf32, #tpu.memory_space<hbm>> -> memref<2048x16xf32, #tpu.memory_space<hbm>>
      tpu.enqueue_dma source(%dma_start3A_130 : memref<2048x16xf32, #tpu.memory_space<hbm>>) target(%dma_start3A_128 : memref<2048x16xf32, #tpu.memory_space<vmem_shared>>) target_semaphore(%run_scoped3A : memref<!tpu.dma_semaphore, #tpu.memory_space<semaphore_mem>>)
      %dma_wait3A = arith.constant 0 : i32
      %dma_wait3A_131 = tpu.memref_slice %arg13[%mul3A_5, %dma_wait3A] : memref<32768x16xf32, #tpu.memory_space<vmem_shared>> -> memref<2048x16xf32, #tpu.memory_space<vmem_shared>>
      %dma_wait3A_132 = arith.constant 0 : i32
      %dma_wait3A_133 = tpu.memref_slice %arg5[%mul3A_3, %dma_wait3A_132] : memref<32768x16xf32, #tpu.memory_space<hbm>> -> memref<2048x16xf32, #tpu.memory_space<hbm>>
      tpu.wait_dma2 semaphore(%run_scoped3A : memref<!tpu.dma_semaphore, #tpu.memory_space<semaphore_mem>>) src(%dma_wait3A_133 : memref<2048x16xf32, #tpu.memory_space<hbm>>) dst(%dma_wait3A_131 : memref<2048x16xf32, #tpu.memory_space<vmem_shared>>)
      tpu.yield
    }) : () -> ()
    %barrier3A = arith.constant 0 : index
    tpu.barrier barrier_id(%barrier3A)
    %dma_start3A = arith.constant 0 : i32
    %dma_start3A_6 = arith.constant 0 : i32
    %dma_start3A_7 = tpu.memref_slice %arg7[%dma_start3A, %dma_start3A_6] : memref<128x256xi32, #tpu.memory_space<vmem>> -> memref<1x256xi32, #tpu.memory_space<vmem>>
    %dma_start3A_8 = tpu.memref_squeeze %dma_start3A_7 : memref<1x256xi32, #tpu.memory_space<vmem>> -> memref<256xi32, #tpu.memory_space<vmem>>
    %dma_start3A_9 = arith.constant 0 : i32
    %dma_start3A_10 = arith.constant 0 : i32
    %dma_start3A_11 = tpu.memref_slice %arg2[%add3A_1, %dma_start3A_9, %dma_start3A_10] : memref<4x32768x16xf32, #tpu.memory_space<hbm>> -> memref<1x32768x16xf32, #tpu.memory_space<hbm>>
    %dma_start3A_12 = tpu.memref_squeeze %dma_start3A_11 : memref<1x32768x16xf32, #tpu.memory_space<hbm>> -> memref<32768x16xf32, #tpu.memory_space<hbm>>
    %dma_start3A_13 = arith.constant 0 : i32
    %dma_start3A_14 = arith.constant 0 : i32
    %dma_start3A_15 = tpu.memref_slice %dma_start3A_12[%dma_start3A_13, %dma_start3A_14] : memref<32768x16xf32, #tpu.memory_space<hbm>> -> memref<32768x16xf32, #tpu.memory_space<hbm>>
    tpu.enqueue_indirect_dma source(%dma_start3A_15 : memref<32768x16xf32, #tpu.memory_space<hbm>>) target(%arg9 : memref<256x16xf32, #tpu.memory_space<vmem>>) offsets(%dma_start3A_8 : memref<256xi32, #tpu.memory_space<vmem>>) semaphore(%arg14 : memref<!tpu.dma_semaphore, #tpu.memory_space<semaphore_mem>>)
    %dma_start3A_16 = arith.constant 1 : i32
    %dma_start3A_17 = arith.constant 0 : i32
    %dma_start3A_18 = tpu.memref_slice %arg7[%dma_start3A_16, %dma_start3A_17] : memref<128x256xi32, #tpu.memory_space<vmem>> -> memref<1x256xi32, #tpu.memory_space<vmem>>
    %dma_start3A_19 = tpu.memref_squeeze %dma_start3A_18 : memref<1x256xi32, #tpu.memory_space<vmem>> -> memref<256xi32, #tpu.memory_space<vmem>>
    %dma_start3A_20 = arith.constant 0 : i32
    %dma_start3A_21 = arith.constant 0 : i32
    %dma_start3A_22 = tpu.memref_slice %arg2[%add3A_1, %dma_start3A_20, %dma_start3A_21] : memref<4x32768x16xf32, #tpu.memory_space<hbm>> -> memref<1x32768x16xf32, #tpu.memory_space<hbm>>
    %dma_start3A_23 = tpu.memref_squeeze %dma_start3A_22 : memref<1x32768x16xf32, #tpu.memory_space<hbm>> -> memref<32768x16xf32, #tpu.memory_space<hbm>>
    %dma_start3A_24 = arith.constant 0 : i32
    %dma_start3A_25 = arith.constant 0 : i32
    %dma_start3A_26 = tpu.memref_slice %dma_start3A_23[%dma_start3A_24, %dma_start3A_25] : memref<32768x16xf32, #tpu.memory_space<hbm>> -> memref<32768x16xf32, #tpu.memory_space<hbm>>
    tpu.enqueue_indirect_dma source(%dma_start3A_26 : memref<32768x16xf32, #tpu.memory_space<hbm>>) target(%arg10 : memref<256x16xf32, #tpu.memory_space<vmem>>) offsets(%dma_start3A_19 : memref<256xi32, #tpu.memory_space<vmem>>) semaphore(%arg15 : memref<!tpu.dma_semaphore, #tpu.memory_space<semaphore_mem>>)
    %dma_start3A_27 = arith.constant 2 : i32
    %dma_start3A_28 = arith.constant 0 : i32
    %dma_start3A_29 = tpu.memref_slice %arg7[%dma_start3A_27, %dma_start3A_28] : memref<128x256xi32, #tpu.memory_space<vmem>> -> memref<1x256xi32, #tpu.memory_space<vmem>>
    %dma_start3A_30 = tpu.memref_squeeze %dma_start3A_29 : memref<1x256xi32, #tpu.memory_space<vmem>> -> memref<256xi32, #tpu.memory_space<vmem>>
    %dma_start3A_31 = arith.constant 0 : i32
    %dma_start3A_32 = arith.constant 0 : i32
    %dma_start3A_33 = tpu.memref_slice %arg2[%add3A_1, %dma_start3A_31, %dma_start3A_32] : memref<4x32768x16xf32, #tpu.memory_space<hbm>> -> memref<1x32768x16xf32, #tpu.memory_space<hbm>>
    %dma_start3A_34 = tpu.memref_squeeze %dma_start3A_33 : memref<1x32768x16xf32, #tpu.memory_space<hbm>> -> memref<32768x16xf32, #tpu.memory_space<hbm>>
    %dma_start3A_35 = arith.constant 0 : i32
    %dma_start3A_36 = arith.constant 0 : i32
    %dma_start3A_37 = tpu.memref_slice %dma_start3A_34[%dma_start3A_35, %dma_start3A_36] : memref<32768x16xf32, #tpu.memory_space<hbm>> -> memref<32768x16xf32, #tpu.memory_space<hbm>>
    tpu.enqueue_indirect_dma source(%dma_start3A_37 : memref<32768x16xf32, #tpu.memory_space<hbm>>) target(%arg11 : memref<256x16xf32, #tpu.memory_space<vmem>>) offsets(%dma_start3A_30 : memref<256xi32, #tpu.memory_space<vmem>>) semaphore(%arg16 : memref<!tpu.dma_semaphore, #tpu.memory_space<semaphore_mem>>)
    %dma_start3A_38 = arith.constant 3 : i32
    %dma_start3A_39 = arith.constant 0 : i32
    %dma_start3A_40 = tpu.memref_slice %arg7[%dma_start3A_38, %dma_start3A_39] : memref<128x256xi32, #tpu.memory_space<vmem>> -> memref<1x256xi32, #tpu.memory_space<vmem>>
    %dma_start3A_41 = tpu.memref_squeeze %dma_start3A_40 : memref<1x256xi32, #tpu.memory_space<vmem>> -> memref<256xi32, #tpu.memory_space<vmem>>
    %dma_start3A_42 = arith.constant 0 : i32
    %dma_start3A_43 = arith.constant 0 : i32
    %dma_start3A_44 = tpu.memref_slice %arg2[%add3A_1, %dma_start3A_42, %dma_start3A_43] : memref<4x32768x16xf32, #tpu.memory_space<hbm>> -> memref<1x32768x16xf32, #tpu.memory_space<hbm>>
    %dma_start3A_45 = tpu.memref_squeeze %dma_start3A_44 : memref<1x32768x16xf32, #tpu.memory_space<hbm>> -> memref<32768x16xf32, #tpu.memory_space<hbm>>
    %dma_start3A_46 = arith.constant 0 : i32
    %dma_start3A_47 = arith.constant 0 : i32
    %dma_start3A_48 = tpu.memref_slice %dma_start3A_45[%dma_start3A_46, %dma_start3A_47] : memref<32768x16xf32, #tpu.memory_space<hbm>> -> memref<32768x16xf32, #tpu.memory_space<hbm>>
    tpu.enqueue_indirect_dma source(%dma_start3A_48 : memref<32768x16xf32, #tpu.memory_space<hbm>>) target(%arg12 : memref<256x16xf32, #tpu.memory_space<vmem>>) offsets(%dma_start3A_41 : memref<256xi32, #tpu.memory_space<vmem>>) semaphore(%arg17 : memref<!tpu.dma_semaphore, #tpu.memory_space<semaphore_mem>>)
    %scan3A = arith.constant 0 : i32
    %scan3A_49 = arith.constant 32 : i32
    %scan3A_50 = arith.addi %scan3A, %scan3A_49 : i32
    %scan3A_51 = arith.constant 1 : i32
    scf.for %scan3A_127 = %scan3A to %scan3A_50 step %scan3A_51  : i32 {
      %mul3A_128 = arith.constant 1 : i32
      %mul3A_129 = arith.muli %scan3A_127, %mul3A_128 : i32
      %add3A_130 = arith.constant 0 : i32
      %add3A_131 = arith.addi %add3A_130, %mul3A_129 : i32
      %mul3A_132 = arith.constant 4 : i32
      %mul3A_133 = arith.muli %add3A_131, %mul3A_132 : i32
      %add3A_134 = arith.constant 0 : i32
      %add3A_135 = arith.addi %mul3A_133, %add3A_134 : i32
      %dma_wait3A = arith.constant 0 : i32
      %dma_wait3A_136 = tpu.memref_slice %arg7[%add3A_135, %dma_wait3A] : memref<128x256xi32, #tpu.memory_space<vmem>> -> memref<1x256xi32, #tpu.memory_space<vmem>>
      %dma_wait3A_137 = tpu.memref_squeeze %dma_wait3A_136 : memref<1x256xi32, #tpu.memory_space<vmem>> -> memref<256xi32, #tpu.memory_space<vmem>>
      %dma_wait3A_138 = arith.constant 0 : i32
      %dma_wait3A_139 = arith.constant 0 : i32
      %dma_wait3A_140 = tpu.memref_slice %arg2[%add3A_1, %dma_wait3A_138, %dma_wait3A_139] : memref<4x32768x16xf32, #tpu.memory_space<hbm>> -> memref<1x32768x16xf32, #tpu.memory_space<hbm>>
      %dma_wait3A_141 = tpu.memref_squeeze %dma_wait3A_140 : memref<1x32768x16xf32, #tpu.memory_space<hbm>> -> memref<32768x16xf32, #tpu.memory_space<hbm>>
      %dma_wait3A_142 = arith.constant 0 : i32
      %dma_wait3A_143 = arith.constant 0 : i32
      %dma_wait3A_144 = tpu.memref_slice %dma_wait3A_141[%dma_wait3A_142, %dma_wait3A_143] : memref<32768x16xf32, #tpu.memory_space<hbm>> -> memref<32768x16xf32, #tpu.memory_space<hbm>>
      tpu.wait_indirect_dma semaphore(%arg14 : memref<!tpu.dma_semaphore, #tpu.memory_space<semaphore_mem>>) src(%dma_wait3A_144 : memref<32768x16xf32, #tpu.memory_space<hbm>>) dst(%arg9 : memref<256x16xf32, #tpu.memory_space<vmem>>)
      %add3A_145 = arith.constant 0 : i32
      %add3A_146 = arith.addi %mul3A_133, %add3A_145 : i32
      %dma_start3A_147 = arith.constant 0 : i32
      %dma_start3A_148 = tpu.memref_slice %arg8[%add3A_146, %dma_start3A_147] : memref<128x256xi32, #tpu.memory_space<vmem>> -> memref<1x256xi32, #tpu.memory_space<vmem>>
      %dma_start3A_149 = tpu.memref_squeeze %dma_start3A_148 : memref<1x256xi32, #tpu.memory_space<vmem>> -> memref<256xi32, #tpu.memory_space<vmem>>
      %dma_start3A_150 = arith.constant 0 : i32
      %dma_start3A_151 = arith.constant 0 : i32
      %dma_start3A_152 = tpu.memref_slice %arg13[%dma_start3A_150, %dma_start3A_151] : memref<32768x16xf32, #tpu.memory_space<vmem_shared>> -> memref<32768x16xf32, #tpu.memory_space<vmem_shared>>
      tpu.enqueue_indirect_dma source(%arg9 : memref<256x16xf32, #tpu.memory_space<vmem>>) target(%dma_start3A_152 : memref<32768x16xf32, #tpu.memory_space<vmem_shared>>) offsets(%dma_start3A_149 : memref<256xi32, #tpu.memory_space<vmem>>) semaphore(%arg18 : memref<!tpu.dma_semaphore, #tpu.memory_space<semaphore_mem>>) {add = true}
      %add3A_153 = arith.constant 1 : i32
      %add3A_154 = arith.addi %mul3A_133, %add3A_153 : i32
      %dma_wait3A_155 = arith.constant 0 : i32
      %dma_wait3A_156 = tpu.memref_slice %arg7[%add3A_154, %dma_wait3A_155] : memref<128x256xi32, #tpu.memory_space<vmem>> -> memref<1x256xi32, #tpu.memory_space<vmem>>
      %dma_wait3A_157 = tpu.memref_squeeze %dma_wait3A_156 : memref<1x256xi32, #tpu.memory_space<vmem>> -> memref<256xi32, #tpu.memory_space<vmem>>
      %dma_wait3A_158 = arith.constant 0 : i32
      %dma_wait3A_159 = arith.constant 0 : i32
      %dma_wait3A_160 = tpu.memref_slice %arg2[%add3A_1, %dma_wait3A_158, %dma_wait3A_159] : memref<4x32768x16xf32, #tpu.memory_space<hbm>> -> memref<1x32768x16xf32, #tpu.memory_space<hbm>>
      %dma_wait3A_161 = tpu.memref_squeeze %dma_wait3A_160 : memref<1x32768x16xf32, #tpu.memory_space<hbm>> -> memref<32768x16xf32, #tpu.memory_space<hbm>>
      %dma_wait3A_162 = arith.constant 0 : i32
      %dma_wait3A_163 = arith.constant 0 : i32
      %dma_wait3A_164 = tpu.memref_slice %dma_wait3A_161[%dma_wait3A_162, %dma_wait3A_163] : memref<32768x16xf32, #tpu.memory_space<hbm>> -> memref<32768x16xf32, #tpu.memory_space<hbm>>
      tpu.wait_indirect_dma semaphore(%arg15 : memref<!tpu.dma_semaphore, #tpu.memory_space<semaphore_mem>>) src(%dma_wait3A_164 : memref<32768x16xf32, #tpu.memory_space<hbm>>) dst(%arg10 : memref<256x16xf32, #tpu.memory_space<vmem>>)
      %add3A_165 = arith.constant 1 : i32
      %add3A_166 = arith.addi %mul3A_133, %add3A_165 : i32
      %dma_start3A_167 = arith.constant 0 : i32
      %dma_start3A_168 = tpu.memref_slice %arg8[%add3A_166, %dma_start3A_167] : memref<128x256xi32, #tpu.memory_space<vmem>> -> memref<1x256xi32, #tpu.memory_space<vmem>>
      %dma_start3A_169 = tpu.memref_squeeze %dma_start3A_168 : memref<1x256xi32, #tpu.memory_space<vmem>> -> memref<256xi32, #tpu.memory_space<vmem>>
      %dma_start3A_170 = arith.constant 0 : i32
      %dma_start3A_171 = arith.constant 0 : i32
      %dma_start3A_172 = tpu.memref_slice %arg13[%dma_start3A_170, %dma_start3A_171] : memref<32768x16xf32, #tpu.memory_space<vmem_shared>> -> memref<32768x16xf32, #tpu.memory_space<vmem_shared>>
      tpu.enqueue_indirect_dma source(%arg10 : memref<256x16xf32, #tpu.memory_space<vmem>>) target(%dma_start3A_172 : memref<32768x16xf32, #tpu.memory_space<vmem_shared>>) offsets(%dma_start3A_169 : memref<256xi32, #tpu.memory_space<vmem>>) semaphore(%arg19 : memref<!tpu.dma_semaphore, #tpu.memory_space<semaphore_mem>>) {add = true}
      %add3A_173 = arith.constant 2 : i32
      %add3A_174 = arith.addi %mul3A_133, %add3A_173 : i32
      %dma_wait3A_175 = arith.constant 0 : i32
      %dma_wait3A_176 = tpu.memref_slice %arg7[%add3A_174, %dma_wait3A_175] : memref<128x256xi32, #tpu.memory_space<vmem>> -> memref<1x256xi32, #tpu.memory_space<vmem>>
      %dma_wait3A_177 = tpu.memref_squeeze %dma_wait3A_176 : memref<1x256xi32, #tpu.memory_space<vmem>> -> memref<256xi32, #tpu.memory_space<vmem>>
      %dma_wait3A_178 = arith.constant 0 : i32
      %dma_wait3A_179 = arith.constant 0 : i32
      %dma_wait3A_180 = tpu.memref_slice %arg2[%add3A_1, %dma_wait3A_178, %dma_wait3A_179] : memref<4x32768x16xf32, #tpu.memory_space<hbm>> -> memref<1x32768x16xf32, #tpu.memory_space<hbm>>
      %dma_wait3A_181 = tpu.memref_squeeze %dma_wait3A_180 : memref<1x32768x16xf32, #tpu.memory_space<hbm>> -> memref<32768x16xf32, #tpu.memory_space<hbm>>
      %dma_wait3A_182 = arith.constant 0 : i32
      %dma_wait3A_183 = arith.constant 0 : i32
      %dma_wait3A_184 = tpu.memref_slice %dma_wait3A_181[%dma_wait3A_182, %dma_wait3A_183] : memref<32768x16xf32, #tpu.memory_space<hbm>> -> memref<32768x16xf32, #tpu.memory_space<hbm>>
      tpu.wait_indirect_dma semaphore(%arg16 : memref<!tpu.dma_semaphore, #tpu.memory_space<semaphore_mem>>) src(%dma_wait3A_184 : memref<32768x16xf32, #tpu.memory_space<hbm>>) dst(%arg11 : memref<256x16xf32, #tpu.memory_space<vmem>>)
      %add3A_185 = arith.constant 2 : i32
      %add3A_186 = arith.addi %mul3A_133, %add3A_185 : i32
      %dma_start3A_187 = arith.constant 0 : i32
      %dma_start3A_188 = tpu.memref_slice %arg8[%add3A_186, %dma_start3A_187] : memref<128x256xi32, #tpu.memory_space<vmem>> -> memref<1x256xi32, #tpu.memory_space<vmem>>
      %dma_start3A_189 = tpu.memref_squeeze %dma_start3A_188 : memref<1x256xi32, #tpu.memory_space<vmem>> -> memref<256xi32, #tpu.memory_space<vmem>>
      %dma_start3A_190 = arith.constant 0 : i32
      %dma_start3A_191 = arith.constant 0 : i32
      %dma_start3A_192 = tpu.memref_slice %arg13[%dma_start3A_190, %dma_start3A_191] : memref<32768x16xf32, #tpu.memory_space<vmem_shared>> -> memref<32768x16xf32, #tpu.memory_space<vmem_shared>>
      tpu.enqueue_indirect_dma source(%arg11 : memref<256x16xf32, #tpu.memory_space<vmem>>) target(%dma_start3A_192 : memref<32768x16xf32, #tpu.memory_space<vmem_shared>>) offsets(%dma_start3A_189 : memref<256xi32, #tpu.memory_space<vmem>>) semaphore(%arg20 : memref<!tpu.dma_semaphore, #tpu.memory_space<semaphore_mem>>) {add = true}
      %add3A_193 = arith.constant 3 : i32
      %add3A_194 = arith.addi %mul3A_133, %add3A_193 : i32
      %dma_wait3A_195 = arith.constant 0 : i32
      %dma_wait3A_196 = tpu.memref_slice %arg7[%add3A_194, %dma_wait3A_195] : memref<128x256xi32, #tpu.memory_space<vmem>> -> memref<1x256xi32, #tpu.memory_space<vmem>>
      %dma_wait3A_197 = tpu.memref_squeeze %dma_wait3A_196 : memref<1x256xi32, #tpu.memory_space<vmem>> -> memref<256xi32, #tpu.memory_space<vmem>>
      %dma_wait3A_198 = arith.constant 0 : i32
      %dma_wait3A_199 = arith.constant 0 : i32
      %dma_wait3A_200 = tpu.memref_slice %arg2[%add3A_1, %dma_wait3A_198, %dma_wait3A_199] : memref<4x32768x16xf32, #tpu.memory_space<hbm>> -> memref<1x32768x16xf32, #tpu.memory_space<hbm>>
      %dma_wait3A_201 = tpu.memref_squeeze %dma_wait3A_200 : memref<1x32768x16xf32, #tpu.memory_space<hbm>> -> memref<32768x16xf32, #tpu.memory_space<hbm>>
      %dma_wait3A_202 = arith.constant 0 : i32
      %dma_wait3A_203 = arith.constant 0 : i32
      %dma_wait3A_204 = tpu.memref_slice %dma_wait3A_201[%dma_wait3A_202, %dma_wait3A_203] : memref<32768x16xf32, #tpu.memory_space<hbm>> -> memref<32768x16xf32, #tpu.memory_space<hbm>>
      tpu.wait_indirect_dma semaphore(%arg17 : memref<!tpu.dma_semaphore, #tpu.memory_space<semaphore_mem>>) src(%dma_wait3A_204 : memref<32768x16xf32, #tpu.memory_space<hbm>>) dst(%arg12 : memref<256x16xf32, #tpu.memory_space<vmem>>)
      %add3A_205 = arith.constant 3 : i32
      %add3A_206 = arith.addi %mul3A_133, %add3A_205 : i32
      %dma_start3A_207 = arith.constant 0 : i32
      %dma_start3A_208 = tpu.memref_slice %arg8[%add3A_206, %dma_start3A_207] : memref<128x256xi32, #tpu.memory_space<vmem>> -> memref<1x256xi32, #tpu.memory_space<vmem>>
      %dma_start3A_209 = tpu.memref_squeeze %dma_start3A_208 : memref<1x256xi32, #tpu.memory_space<vmem>> -> memref<256xi32, #tpu.memory_space<vmem>>
      %dma_start3A_210 = arith.constant 0 : i32
      %dma_start3A_211 = arith.constant 0 : i32
      %dma_start3A_212 = tpu.memref_slice %arg13[%dma_start3A_210, %dma_start3A_211] : memref<32768x16xf32, #tpu.memory_space<vmem_shared>> -> memref<32768x16xf32, #tpu.memory_space<vmem_shared>>
      tpu.enqueue_indirect_dma source(%arg12 : memref<256x16xf32, #tpu.memory_space<vmem>>) target(%dma_start3A_212 : memref<32768x16xf32, #tpu.memory_space<vmem_shared>>) offsets(%dma_start3A_209 : memref<256xi32, #tpu.memory_space<vmem>>) semaphore(%arg21 : memref<!tpu.dma_semaphore, #tpu.memory_space<semaphore_mem>>) {add = true}
      %add3A_213 = arith.constant 0 : i32
      %add3A_214 = arith.addi %mul3A_133, %add3A_213 : i32
      %dma_wait3A_215 = arith.constant 0 : i32
      %dma_wait3A_216 = tpu.memref_slice %arg8[%add3A_214, %dma_wait3A_215] : memref<128x256xi32, #tpu.memory_space<vmem>> -> memref<1x256xi32, #tpu.memory_space<vmem>>
      %dma_wait3A_217 = tpu.memref_squeeze %dma_wait3A_216 : memref<1x256xi32, #tpu.memory_space<vmem>> -> memref<256xi32, #tpu.memory_space<vmem>>
      %dma_wait3A_218 = arith.constant 0 : i32
      %dma_wait3A_219 = arith.constant 0 : i32
      %dma_wait3A_220 = tpu.memref_slice %arg13[%dma_wait3A_218, %dma_wait3A_219] : memref<32768x16xf32, #tpu.memory_space<vmem_shared>> -> memref<32768x16xf32, #tpu.memory_space<vmem_shared>>
      tpu.wait_indirect_dma semaphore(%arg18 : memref<!tpu.dma_semaphore, #tpu.memory_space<semaphore_mem>>) src(%arg9 : memref<256x16xf32, #tpu.memory_space<vmem>>) dst(%dma_wait3A_220 : memref<32768x16xf32, #tpu.memory_space<vmem_shared>>)
      %add3A_221 = arith.constant 4 : i32
      %add3A_222 = arith.addi %mul3A_133, %add3A_221 : i32
      %add3A_223 = arith.constant 0 : i32
      %add3A_224 = arith.addi %add3A_222, %add3A_223 : i32
      %lt3A = arith.constant 128 : i32
      %lt3A_225 = arith.cmpi slt, %add3A_224, %lt3A : i32
      %convert_element_type3A = arith.extui %lt3A_225 : i1 to i32
      %cond3A = arith.constant 0 : i32
      %cond3A_226 = arith.cmpi ne, %convert_element_type3A, %cond3A : i32
      scf.if %cond3A_226 {
        %dma_start3A_278 = arith.constant 0 : i32
        %dma_start3A_279 = tpu.memref_slice %arg7[%add3A_224, %dma_start3A_278] : memref<128x256xi32, #tpu.memory_space<vmem>> -> memref<1x256xi32, #tpu.memory_space<vmem>>
        %dma_start3A_280 = tpu.memref_squeeze %dma_start3A_279 : memref<1x256xi32, #tpu.memory_space<vmem>> -> memref<256xi32, #tpu.memory_space<vmem>>
        %dma_start3A_281 = arith.constant 0 : i32
        %dma_start3A_282 = arith.constant 0 : i32
        %dma_start3A_283 = tpu.memref_slice %arg2[%add3A_1, %dma_start3A_281, %dma_start3A_282] : memref<4x32768x16xf32, #tpu.memory_space<hbm>> -> memref<1x32768x16xf32, #tpu.memory_space<hbm>>
        %dma_start3A_284 = tpu.memref_squeeze %dma_start3A_283 : memref<1x32768x16xf32, #tpu.memory_space<hbm>> -> memref<32768x16xf32, #tpu.memory_space<hbm>>
        %dma_start3A_285 = arith.constant 0 : i32
        %dma_start3A_286 = arith.constant 0 : i32
        %dma_start3A_287 = tpu.memref_slice %dma_start3A_284[%dma_start3A_285, %dma_start3A_286] : memref<32768x16xf32, #tpu.memory_space<hbm>> -> memref<32768x16xf32, #tpu.memory_space<hbm>>
        tpu.enqueue_indirect_dma source(%dma_start3A_287 : memref<32768x16xf32, #tpu.memory_space<hbm>>) target(%arg9 : memref<256x16xf32, #tpu.memory_space<vmem>>) offsets(%dma_start3A_280 : memref<256xi32, #tpu.memory_space<vmem>>) semaphore(%arg14 : memref<!tpu.dma_semaphore, #tpu.memory_space<semaphore_mem>>)
      } else {
      }
      %add3A_227 = arith.constant 1 : i32
      %add3A_228 = arith.addi %mul3A_133, %add3A_227 : i32
      %dma_wait3A_229 = arith.constant 0 : i32
      %dma_wait3A_230 = tpu.memref_slice %arg8[%add3A_228, %dma_wait3A_229] : memref<128x256xi32, #tpu.memory_space<vmem>> -> memref<1x256xi32, #tpu.memory_space<vmem>>
      %dma_wait3A_231 = tpu.memref_squeeze %dma_wait3A_230 : memref<1x256xi32, #tpu.memory_space<vmem>> -> memref<256xi32, #tpu.memory_space<vmem>>
      %dma_wait3A_232 = arith.constant 0 : i32
      %dma_wait3A_233 = arith.constant 0 : i32
      %dma_wait3A_234 = tpu.memref_slice %arg13[%dma_wait3A_232, %dma_wait3A_233] : memref<32768x16xf32, #tpu.memory_space<vmem_shared>> -> memref<32768x16xf32, #tpu.memory_space<vmem_shared>>
      tpu.wait_indirect_dma semaphore(%arg19 : memref<!tpu.dma_semaphore, #tpu.memory_space<semaphore_mem>>) src(%arg10 : memref<256x16xf32, #tpu.memory_space<vmem>>) dst(%dma_wait3A_234 : memref<32768x16xf32, #tpu.memory_space<vmem_shared>>)
      %add3A_235 = arith.constant 4 : i32
      %add3A_236 = arith.addi %mul3A_133, %add3A_235 : i32
      %add3A_237 = arith.constant 1 : i32
      %add3A_238 = arith.addi %add3A_236, %add3A_237 : i32
      %lt3A_239 = arith.constant 128 : i32
      %lt3A_240 = arith.cmpi slt, %add3A_238, %lt3A_239 : i32
      %convert_element_type3A_241 = arith.extui %lt3A_240 : i1 to i32
      %cond3A_242 = arith.constant 0 : i32
      %cond3A_243 = arith.cmpi ne, %convert_element_type3A_241, %cond3A_242 : i32
      scf.if %cond3A_243 {
        %dma_start3A_278 = arith.constant 0 : i32
        %dma_start3A_279 = tpu.memref_slice %arg7[%add3A_238, %dma_start3A_278] : memref<128x256xi32, #tpu.memory_space<vmem>> -> memref<1x256xi32, #tpu.memory_space<vmem>>
        %dma_start3A_280 = tpu.memref_squeeze %dma_start3A_279 : memref<1x256xi32, #tpu.memory_space<vmem>> -> memref<256xi32, #tpu.memory_space<vmem>>
        %dma_start3A_281 = arith.constant 0 : i32
        %dma_start3A_282 = arith.constant 0 : i32
        %dma_start3A_283 = tpu.memref_slice %arg2[%add3A_1, %dma_start3A_281, %dma_start3A_282] : memref<4x32768x16xf32, #tpu.memory_space<hbm>> -> memref<1x32768x16xf32, #tpu.memory_space<hbm>>
        %dma_start3A_284 = tpu.memref_squeeze %dma_start3A_283 : memref<1x32768x16xf32, #tpu.memory_space<hbm>> -> memref<32768x16xf32, #tpu.memory_space<hbm>>
        %dma_start3A_285 = arith.constant 0 : i32
        %dma_start3A_286 = arith.constant 0 : i32
        %dma_start3A_287 = tpu.memref_slice %dma_start3A_284[%dma_start3A_285, %dma_start3A_286] : memref<32768x16xf32, #tpu.memory_space<hbm>> -> memref<32768x16xf32, #tpu.memory_space<hbm>>
        tpu.enqueue_indirect_dma source(%dma_start3A_287 : memref<32768x16xf32, #tpu.memory_space<hbm>>) target(%arg10 : memref<256x16xf32, #tpu.memory_space<vmem>>) offsets(%dma_start3A_280 : memref<256xi32, #tpu.memory_space<vmem>>) semaphore(%arg15 : memref<!tpu.dma_semaphore, #tpu.memory_space<semaphore_mem>>)
      } else {
      }
      %add3A_244 = arith.constant 2 : i32
      %add3A_245 = arith.addi %mul3A_133, %add3A_244 : i32
      %dma_wait3A_246 = arith.constant 0 : i32
      %dma_wait3A_247 = tpu.memref_slice %arg8[%add3A_245, %dma_wait3A_246] : memref<128x256xi32, #tpu.memory_space<vmem>> -> memref<1x256xi32, #tpu.memory_space<vmem>>
      %dma_wait3A_248 = tpu.memref_squeeze %dma_wait3A_247 : memref<1x256xi32, #tpu.memory_space<vmem>> -> memref<256xi32, #tpu.memory_space<vmem>>
      %dma_wait3A_249 = arith.constant 0 : i32
      %dma_wait3A_250 = arith.constant 0 : i32
      %dma_wait3A_251 = tpu.memref_slice %arg13[%dma_wait3A_249, %dma_wait3A_250] : memref<32768x16xf32, #tpu.memory_space<vmem_shared>> -> memref<32768x16xf32, #tpu.memory_space<vmem_shared>>
      tpu.wait_indirect_dma semaphore(%arg20 : memref<!tpu.dma_semaphore, #tpu.memory_space<semaphore_mem>>) src(%arg11 : memref<256x16xf32, #tpu.memory_space<vmem>>) dst(%dma_wait3A_251 : memref<32768x16xf32, #tpu.memory_space<vmem_shared>>)
      %add3A_252 = arith.constant 4 : i32
      %add3A_253 = arith.addi %mul3A_133, %add3A_252 : i32
      %add3A_254 = arith.constant 2 : i32
      %add3A_255 = arith.addi %add3A_253, %add3A_254 : i32
      %lt3A_256 = arith.constant 128 : i32
      %lt3A_257 = arith.cmpi slt, %add3A_255, %lt3A_256 : i32
      %convert_element_type3A_258 = arith.extui %lt3A_257 : i1 to i32
      %cond3A_259 = arith.constant 0 : i32
      %cond3A_260 = arith.cmpi ne, %convert_element_type3A_258, %cond3A_259 : i32
      scf.if %cond3A_260 {
        %dma_start3A_278 = arith.constant 0 : i32
        %dma_start3A_279 = tpu.memref_slice %arg7[%add3A_255, %dma_start3A_278] : memref<128x256xi32, #tpu.memory_space<vmem>> -> memref<1x256xi32, #tpu.memory_space<vmem>>
        %dma_start3A_280 = tpu.memref_squeeze %dma_start3A_279 : memref<1x256xi32, #tpu.memory_space<vmem>> -> memref<256xi32, #tpu.memory_space<vmem>>
        %dma_start3A_281 = arith.constant 0 : i32
        %dma_start3A_282 = arith.constant 0 : i32
        %dma_start3A_283 = tpu.memref_slice %arg2[%add3A_1, %dma_start3A_281, %dma_start3A_282] : memref<4x32768x16xf32, #tpu.memory_space<hbm>> -> memref<1x32768x16xf32, #tpu.memory_space<hbm>>
        %dma_start3A_284 = tpu.memref_squeeze %dma_start3A_283 : memref<1x32768x16xf32, #tpu.memory_space<hbm>> -> memref<32768x16xf32, #tpu.memory_space<hbm>>
        %dma_start3A_285 = arith.constant 0 : i32
        %dma_start3A_286 = arith.constant 0 : i32
        %dma_start3A_287 = tpu.memref_slice %dma_start3A_284[%dma_start3A_285, %dma_start3A_286] : memref<32768x16xf32, #tpu.memory_space<hbm>> -> memref<32768x16xf32, #tpu.memory_space<hbm>>
        tpu.enqueue_indirect_dma source(%dma_start3A_287 : memref<32768x16xf32, #tpu.memory_space<hbm>>) target(%arg11 : memref<256x16xf32, #tpu.memory_space<vmem>>) offsets(%dma_start3A_280 : memref<256xi32, #tpu.memory_space<vmem>>) semaphore(%arg16 : memref<!tpu.dma_semaphore, #tpu.memory_space<semaphore_mem>>)
      } else {
      }
      %add3A_261 = arith.constant 3 : i32
      %add3A_262 = arith.addi %mul3A_133, %add3A_261 : i32
      %dma_wait3A_263 = arith.constant 0 : i32
      %dma_wait3A_264 = tpu.memref_slice %arg8[%add3A_262, %dma_wait3A_263] : memref<128x256xi32, #tpu.memory_space<vmem>> -> memref<1x256xi32, #tpu.memory_space<vmem>>
      %dma_wait3A_265 = tpu.memref_squeeze %dma_wait3A_264 : memref<1x256xi32, #tpu.memory_space<vmem>> -> memref<256xi32, #tpu.memory_space<vmem>>
      %dma_wait3A_266 = arith.constant 0 : i32
      %dma_wait3A_267 = arith.constant 0 : i32
      %dma_wait3A_268 = tpu.memref_slice %arg13[%dma_wait3A_266, %dma_wait3A_267] : memref<32768x16xf32, #tpu.memory_space<vmem_shared>> -> memref<32768x16xf32, #tpu.memory_space<vmem_shared>>
      tpu.wait_indirect_dma semaphore(%arg21 : memref<!tpu.dma_semaphore, #tpu.memory_space<semaphore_mem>>) src(%arg12 : memref<256x16xf32, #tpu.memory_space<vmem>>) dst(%dma_wait3A_268 : memref<32768x16xf32, #tpu.memory_space<vmem_shared>>)
      %add3A_269 = arith.constant 4 : i32
      %add3A_270 = arith.addi %mul3A_133, %add3A_269 : i32
      %add3A_271 = arith.constant 3 : i32
      %add3A_272 = arith.addi %add3A_270, %add3A_271 : i32
      %lt3A_273 = arith.constant 128 : i32
      %lt3A_274 = arith.cmpi slt, %add3A_272, %lt3A_273 : i32
      %convert_element_type3A_275 = arith.extui %lt3A_274 : i1 to i32
      %cond3A_276 = arith.constant 0 : i32
      %cond3A_277 = arith.cmpi ne, %convert_element_type3A_275, %cond3A_276 : i32
      scf.if %cond3A_277 {
        %dma_start3A_278 = arith.constant 0 : i32
        %dma_start3A_279 = tpu.memref_slice %arg7[%add3A_272, %dma_start3A_278] : memref<128x256xi32, #tpu.memory_space<vmem>> -> memref<1x256xi32, #tpu.memory_space<vmem>>
        %dma_start3A_280 = tpu.memref_squeeze %dma_start3A_279 : memref<1x256xi32, #tpu.memory_space<vmem>> -> memref<256xi32, #tpu.memory_space<vmem>>
        %dma_start3A_281 = arith.constant 0 : i32
        %dma_start3A_282 = arith.constant 0 : i32
        %dma_start3A_283 = tpu.memref_slice %arg2[%add3A_1, %dma_start3A_281, %dma_start3A_282] : memref<4x32768x16xf32, #tpu.memory_space<hbm>> -> memref<1x32768x16xf32, #tpu.memory_space<hbm>>
        %dma_start3A_284 = tpu.memref_squeeze %dma_start3A_283 : memref<1x32768x16xf32, #tpu.memory_space<hbm>> -> memref<32768x16xf32, #tpu.memory_space<hbm>>
        %dma_start3A_285 = arith.constant 0 : i32
        %dma_start3A_286 = arith.constant 0 : i32
        %dma_start3A_287 = tpu.memref_slice %dma_start3A_284[%dma_start3A_285, %dma_start3A_286] : memref<32768x16xf32, #tpu.memory_space<hbm>> -> memref<32768x16xf32, #tpu.memory_space<hbm>>
        tpu.enqueue_indirect_dma source(%dma_start3A_287 : memref<32768x16xf32, #tpu.memory_space<hbm>>) target(%arg12 : memref<256x16xf32, #tpu.memory_space<vmem>>) offsets(%dma_start3A_280 : memref<256xi32, #tpu.memory_space<vmem>>) semaphore(%arg17 : memref<!tpu.dma_semaphore, #tpu.memory_space<semaphore_mem>>)
      } else {
      }
    }
    %scan3A_52 = arith.constant 32 : i32
    %barrier3A_53 = arith.constant 0 : index
    tpu.barrier barrier_id(%barrier3A_53)
    %mul3A_54 = arith.constant 2048 : i32
    %mul3A_55 = arith.muli %arg1, %mul3A_54 : i32
    %mul3A_56 = arith.constant 2048 : i32
    %mul3A_57 = arith.muli %arg1, %mul3A_56 : i32
    %mul3A_58 = arith.constant 16 : i32
    %mul3A_59 = arith.muli %add3A_1, %mul3A_58 : i32
    "tpu.region"() ({
      %run_scoped3A = tpu.sem_alloc : memref<!tpu.dma_semaphore, #tpu.memory_space<semaphore_mem>>
      %dma_start3A_127 = tpu.memref_slice %arg6[%mul3A_57, %mul3A_59] : memref<32768x64xf32, #tpu.memory_space<hbm>> -> memref<2048x16xf32, #tpu.memory_space<hbm>>
      %dma_start3A_128 = arith.constant 0 : i32
      %dma_start3A_129 = tpu.memref_slice %arg13[%mul3A_55, %dma_start3A_128] : memref<32768x16xf32, #tpu.memory_space<vmem_shared>> -> memref<2048x16xf32, #tpu.memory_space<vmem_shared>>
      tpu.enqueue_dma source(%dma_start3A_129 : memref<2048x16xf32, #tpu.memory_space<vmem_shared>>) target(%dma_start3A_127 : memref<2048x16xf32, #tpu.memory_space<hbm>>) target_semaphore(%run_scoped3A : memref<!tpu.dma_semaphore, #tpu.memory_space<semaphore_mem>>)
      %dma_wait3A = tpu.memref_slice %arg6[%mul3A_57, %mul3A_59] : memref<32768x64xf32, #tpu.memory_space<hbm>> -> memref<2048x16xf32, #tpu.memory_space<hbm>>
      %dma_wait3A_130 = arith.constant 0 : i32
      %dma_wait3A_131 = tpu.memref_slice %arg13[%mul3A_55, %dma_wait3A_130] : memref<32768x16xf32, #tpu.memory_space<vmem_shared>> -> memref<2048x16xf32, #tpu.memory_space<vmem_shared>>
      tpu.wait_dma2 semaphore(%run_scoped3A : memref<!tpu.dma_semaphore, #tpu.memory_space<semaphore_mem>>) src(%dma_wait3A_131 : memref<2048x16xf32, #tpu.memory_space<vmem_shared>>) dst(%dma_wait3A : memref<2048x16xf32, #tpu.memory_space<hbm>>)
      tpu.yield
    }) : () -> ()
    %barrier3A_60 = arith.constant 0 : index
    tpu.barrier barrier_id(%barrier3A_60)
    %mul3A_61 = arith.constant 2 : i32
    %mul3A_62 = arith.muli %arg0, %mul3A_61 : i32
    %add3A_63 = arith.constant 1 : i32
    %add3A_64 = arith.addi %mul3A_62, %add3A_63 : i32
    %mul3A_65 = arith.constant 2048 : i32
    %mul3A_66 = arith.muli %arg1, %mul3A_65 : i32
    %mul3A_67 = arith.constant 2048 : i32
    %mul3A_68 = arith.muli %arg1, %mul3A_67 : i32
    "tpu.region"() ({
      %run_scoped3A = tpu.sem_alloc : memref<!tpu.dma_semaphore, #tpu.memory_space<semaphore_mem>>
      %dma_start3A_127 = arith.constant 0 : i32
      %dma_start3A_128 = tpu.memref_slice %arg13[%mul3A_68, %dma_start3A_127] : memref<32768x16xf32, #tpu.memory_space<vmem_shared>> -> memref<2048x16xf32, #tpu.memory_space<vmem_shared>>
      %dma_start3A_129 = arith.constant 0 : i32
      %dma_start3A_130 = tpu.memref_slice %arg5[%mul3A_66, %dma_start3A_129] : memref<32768x16xf32, #tpu.memory_space<hbm>> -> memref<2048x16xf32, #tpu.memory_space<hbm>>
      tpu.enqueue_dma source(%dma_start3A_130 : memref<2048x16xf32, #tpu.memory_space<hbm>>) target(%dma_start3A_128 : memref<2048x16xf32, #tpu.memory_space<vmem_shared>>) target_semaphore(%run_scoped3A : memref<!tpu.dma_semaphore, #tpu.memory_space<semaphore_mem>>)
      %dma_wait3A = arith.constant 0 : i32
      %dma_wait3A_131 = tpu.memref_slice %arg13[%mul3A_68, %dma_wait3A] : memref<32768x16xf32, #tpu.memory_space<vmem_shared>> -> memref<2048x16xf32, #tpu.memory_space<vmem_shared>>
      %dma_wait3A_132 = arith.constant 0 : i32
      %dma_wait3A_133 = tpu.memref_slice %arg5[%mul3A_66, %dma_wait3A_132] : memref<32768x16xf32, #tpu.memory_space<hbm>> -> memref<2048x16xf32, #tpu.memory_space<hbm>>
      tpu.wait_dma2 semaphore(%run_scoped3A : memref<!tpu.dma_semaphore, #tpu.memory_space<semaphore_mem>>) src(%dma_wait3A_133 : memref<2048x16xf32, #tpu.memory_space<hbm>>) dst(%dma_wait3A_131 : memref<2048x16xf32, #tpu.memory_space<vmem_shared>>)
      tpu.yield
    }) : () -> ()
    %barrier3A_69 = arith.constant 0 : index
    tpu.barrier barrier_id(%barrier3A_69)
    %dma_start3A_70 = arith.constant 0 : i32
    %dma_start3A_71 = arith.constant 0 : i32
    %dma_start3A_72 = tpu.memref_slice %arg7[%dma_start3A_70, %dma_start3A_71] : memref<128x256xi32, #tpu.memory_space<vmem>> -> memref<1x256xi32, #tpu.memory_space<vmem>>
    %dma_start3A_73 = tpu.memref_squeeze %dma_start3A_72 : memref<1x256xi32, #tpu.memory_space<vmem>> -> memref<256xi32, #tpu.memory_space<vmem>>
    %dma_start3A_74 = arith.constant 0 : i32
    %dma_start3A_75 = arith.constant 0 : i32
    %dma_start3A_76 = tpu.memref_slice %arg2[%add3A_64, %dma_start3A_74, %dma_start3A_75] : memref<4x32768x16xf32, #tpu.memory_space<hbm>> -> memref<1x32768x16xf32, #tpu.memory_space<hbm>>
    %dma_start3A_77 = tpu.memref_squeeze %dma_start3A_76 : memref<1x32768x16xf32, #tpu.memory_space<hbm>> -> memref<32768x16xf32, #tpu.memory_space<hbm>>
    %dma_start3A_78 = arith.constant 0 : i32
    %dma_start3A_79 = arith.constant 0 : i32
    %dma_start3A_80 = tpu.memref_slice %dma_start3A_77[%dma_start3A_78, %dma_start3A_79] : memref<32768x16xf32, #tpu.memory_space<hbm>> -> memref<32768x16xf32, #tpu.memory_space<hbm>>
    tpu.enqueue_indirect_dma source(%dma_start3A_80 : memref<32768x16xf32, #tpu.memory_space<hbm>>) target(%arg9 : memref<256x16xf32, #tpu.memory_space<vmem>>) offsets(%dma_start3A_73 : memref<256xi32, #tpu.memory_space<vmem>>) semaphore(%arg14 : memref<!tpu.dma_semaphore, #tpu.memory_space<semaphore_mem>>)
    %dma_start3A_81 = arith.constant 1 : i32
    %dma_start3A_82 = arith.constant 0 : i32
    %dma_start3A_83 = tpu.memref_slice %arg7[%dma_start3A_81, %dma_start3A_82] : memref<128x256xi32, #tpu.memory_space<vmem>> -> memref<1x256xi32, #tpu.memory_space<vmem>>
    %dma_start3A_84 = tpu.memref_squeeze %dma_start3A_83 : memref<1x256xi32, #tpu.memory_space<vmem>> -> memref<256xi32, #tpu.memory_space<vmem>>
    %dma_start3A_85 = arith.constant 0 : i32
    %dma_start3A_86 = arith.constant 0 : i32
    %dma_start3A_87 = tpu.memref_slice %arg2[%add3A_64, %dma_start3A_85, %dma_start3A_86] : memref<4x32768x16xf32, #tpu.memory_space<hbm>> -> memref<1x32768x16xf32, #tpu.memory_space<hbm>>
    %dma_start3A_88 = tpu.memref_squeeze %dma_start3A_87 : memref<1x32768x16xf32, #tpu.memory_space<hbm>> -> memref<32768x16xf32, #tpu.memory_space<hbm>>
    %dma_start3A_89 = arith.constant 0 : i32
    %dma_start3A_90 = arith.constant 0 : i32
    %dma_start3A_91 = tpu.memref_slice %dma_start3A_88[%dma_start3A_89, %dma_start3A_90] : memref<32768x16xf32, #tpu.memory_space<hbm>> -> memref<32768x16xf32, #tpu.memory_space<hbm>>
    tpu.enqueue_indirect_dma source(%dma_start3A_91 : memref<32768x16xf32, #tpu.memory_space<hbm>>) target(%arg10 : memref<256x16xf32, #tpu.memory_space<vmem>>) offsets(%dma_start3A_84 : memref<256xi32, #tpu.memory_space<vmem>>) semaphore(%arg15 : memref<!tpu.dma_semaphore, #tpu.memory_space<semaphore_mem>>)
    %dma_start3A_92 = arith.constant 2 : i32
    %dma_start3A_93 = arith.constant 0 : i32
    %dma_start3A_94 = tpu.memref_slice %arg7[%dma_start3A_92, %dma_start3A_93] : memref<128x256xi32, #tpu.memory_space<vmem>> -> memref<1x256xi32, #tpu.memory_space<vmem>>
    %dma_start3A_95 = tpu.memref_squeeze %dma_start3A_94 : memref<1x256xi32, #tpu.memory_space<vmem>> -> memref<256xi32, #tpu.memory_space<vmem>>
    %dma_start3A_96 = arith.constant 0 : i32
    %dma_start3A_97 = arith.constant 0 : i32
    %dma_start3A_98 = tpu.memref_slice %arg2[%add3A_64, %dma_start3A_96, %dma_start3A_97] : memref<4x32768x16xf32, #tpu.memory_space<hbm>> -> memref<1x32768x16xf32, #tpu.memory_space<hbm>>
    %dma_start3A_99 = tpu.memref_squeeze %dma_start3A_98 : memref<1x32768x16xf32, #tpu.memory_space<hbm>> -> memref<32768x16xf32, #tpu.memory_space<hbm>>
    %dma_start3A_100 = arith.constant 0 : i32
    %dma_start3A_101 = arith.constant 0 : i32
    %dma_start3A_102 = tpu.memref_slice %dma_start3A_99[%dma_start3A_100, %dma_start3A_101] : memref<32768x16xf32, #tpu.memory_space<hbm>> -> memref<32768x16xf32, #tpu.memory_space<hbm>>
    tpu.enqueue_indirect_dma source(%dma_start3A_102 : memref<32768x16xf32, #tpu.memory_space<hbm>>) target(%arg11 : memref<256x16xf32, #tpu.memory_space<vmem>>) offsets(%dma_start3A_95 : memref<256xi32, #tpu.memory_space<vmem>>) semaphore(%arg16 : memref<!tpu.dma_semaphore, #tpu.memory_space<semaphore_mem>>)
    %dma_start3A_103 = arith.constant 3 : i32
    %dma_start3A_104 = arith.constant 0 : i32
    %dma_start3A_105 = tpu.memref_slice %arg7[%dma_start3A_103, %dma_start3A_104] : memref<128x256xi32, #tpu.memory_space<vmem>> -> memref<1x256xi32, #tpu.memory_space<vmem>>
    %dma_start3A_106 = tpu.memref_squeeze %dma_start3A_105 : memref<1x256xi32, #tpu.memory_space<vmem>> -> memref<256xi32, #tpu.memory_space<vmem>>
    %dma_start3A_107 = arith.constant 0 : i32
    %dma_start3A_108 = arith.constant 0 : i32
    %dma_start3A_109 = tpu.memref_slice %arg2[%add3A_64, %dma_start3A_107, %dma_start3A_108] : memref<4x32768x16xf32, #tpu.memory_space<hbm>> -> memref<1x32768x16xf32, #tpu.memory_space<hbm>>
    %dma_start3A_110 = tpu.memref_squeeze %dma_start3A_109 : memref<1x32768x16xf32, #tpu.memory_space<hbm>> -> memref<32768x16xf32, #tpu.memory_space<hbm>>
    %dma_start3A_111 = arith.constant 0 : i32
    %dma_start3A_112 = arith.constant 0 : i32
    %dma_start3A_113 = tpu.memref_slice %dma_start3A_110[%dma_start3A_111, %dma_start3A_112] : memref<32768x16xf32, #tpu.memory_space<hbm>> -> memref<32768x16xf32, #tpu.memory_space<hbm>>
    tpu.enqueue_indirect_dma source(%dma_start3A_113 : memref<32768x16xf32, #tpu.memory_space<hbm>>) target(%arg12 : memref<256x16xf32, #tpu.memory_space<vmem>>) offsets(%dma_start3A_106 : memref<256xi32, #tpu.memory_space<vmem>>) semaphore(%arg17 : memref<!tpu.dma_semaphore, #tpu.memory_space<semaphore_mem>>)
    %scan3A_114 = arith.constant 0 : i32
    %scan3A_115 = arith.constant 32 : i32
    %scan3A_116 = arith.addi %scan3A_114, %scan3A_115 : i32
    %scan3A_117 = arith.constant 1 : i32
    scf.for %scan3A_127 = %scan3A_114 to %scan3A_116 step %scan3A_117  : i32 {
      %mul3A_128 = arith.constant 1 : i32
      %mul3A_129 = arith.muli %scan3A_127, %mul3A_128 : i32
      %add3A_130 = arith.constant 0 : i32
      %add3A_131 = arith.addi %add3A_130, %mul3A_129 : i32
      %mul3A_132 = arith.constant 4 : i32
      %mul3A_133 = arith.muli %add3A_131, %mul3A_132 : i32
      %add3A_134 = arith.constant 0 : i32
      %add3A_135 = arith.addi %mul3A_133, %add3A_134 : i32
      %dma_wait3A = arith.constant 0 : i32
      %dma_wait3A_136 = tpu.memref_slice %arg7[%add3A_135, %dma_wait3A] : memref<128x256xi32, #tpu.memory_space<vmem>> -> memref<1x256xi32, #tpu.memory_space<vmem>>
      %dma_wait3A_137 = tpu.memref_squeeze %dma_wait3A_136 : memref<1x256xi32, #tpu.memory_space<vmem>> -> memref<256xi32, #tpu.memory_space<vmem>>
      %dma_wait3A_138 = arith.constant 0 : i32
      %dma_wait3A_139 = arith.constant 0 : i32
      %dma_wait3A_140 = tpu.memref_slice %arg2[%add3A_64, %dma_wait3A_138, %dma_wait3A_139] : memref<4x32768x16xf32, #tpu.memory_space<hbm>> -> memref<1x32768x16xf32, #tpu.memory_space<hbm>>
      %dma_wait3A_141 = tpu.memref_squeeze %dma_wait3A_140 : memref<1x32768x16xf32, #tpu.memory_space<hbm>> -> memref<32768x16xf32, #tpu.memory_space<hbm>>
      %dma_wait3A_142 = arith.constant 0 : i32
      %dma_wait3A_143 = arith.constant 0 : i32
      %dma_wait3A_144 = tpu.memref_slice %dma_wait3A_141[%dma_wait3A_142, %dma_wait3A_143] : memref<32768x16xf32, #tpu.memory_space<hbm>> -> memref<32768x16xf32, #tpu.memory_space<hbm>>
      tpu.wait_indirect_dma semaphore(%arg14 : memref<!tpu.dma_semaphore, #tpu.memory_space<semaphore_mem>>) src(%dma_wait3A_144 : memref<32768x16xf32, #tpu.memory_space<hbm>>) dst(%arg9 : memref<256x16xf32, #tpu.memory_space<vmem>>)
      %add3A_145 = arith.constant 0 : i32
      %add3A_146 = arith.addi %mul3A_133, %add3A_145 : i32
      %dma_start3A_147 = arith.constant 0 : i32
      %dma_start3A_148 = tpu.memref_slice %arg8[%add3A_146, %dma_start3A_147] : memref<128x256xi32, #tpu.memory_space<vmem>> -> memref<1x256xi32, #tpu.memory_space<vmem>>
      %dma_start3A_149 = tpu.memref_squeeze %dma_start3A_148 : memref<1x256xi32, #tpu.memory_space<vmem>> -> memref<256xi32, #tpu.memory_space<vmem>>
      %dma_start3A_150 = arith.constant 0 : i32
      %dma_start3A_151 = arith.constant 0 : i32
      %dma_start3A_152 = tpu.memref_slice %arg13[%dma_start3A_150, %dma_start3A_151] : memref<32768x16xf32, #tpu.memory_space<vmem_shared>> -> memref<32768x16xf32, #tpu.memory_space<vmem_shared>>
      tpu.enqueue_indirect_dma source(%arg9 : memref<256x16xf32, #tpu.memory_space<vmem>>) target(%dma_start3A_152 : memref<32768x16xf32, #tpu.memory_space<vmem_shared>>) offsets(%dma_start3A_149 : memref<256xi32, #tpu.memory_space<vmem>>) semaphore(%arg18 : memref<!tpu.dma_semaphore, #tpu.memory_space<semaphore_mem>>) {add = true}
      %add3A_153 = arith.constant 1 : i32
      %add3A_154 = arith.addi %mul3A_133, %add3A_153 : i32
      %dma_wait3A_155 = arith.constant 0 : i32
      %dma_wait3A_156 = tpu.memref_slice %arg7[%add3A_154, %dma_wait3A_155] : memref<128x256xi32, #tpu.memory_space<vmem>> -> memref<1x256xi32, #tpu.memory_space<vmem>>
      %dma_wait3A_157 = tpu.memref_squeeze %dma_wait3A_156 : memref<1x256xi32, #tpu.memory_space<vmem>> -> memref<256xi32, #tpu.memory_space<vmem>>
      %dma_wait3A_158 = arith.constant 0 : i32
      %dma_wait3A_159 = arith.constant 0 : i32
      %dma_wait3A_160 = tpu.memref_slice %arg2[%add3A_64, %dma_wait3A_158, %dma_wait3A_159] : memref<4x32768x16xf32, #tpu.memory_space<hbm>> -> memref<1x32768x16xf32, #tpu.memory_space<hbm>>
      %dma_wait3A_161 = tpu.memref_squeeze %dma_wait3A_160 : memref<1x32768x16xf32, #tpu.memory_space<hbm>> -> memref<32768x16xf32, #tpu.memory_space<hbm>>
      %dma_wait3A_162 = arith.constant 0 : i32
      %dma_wait3A_163 = arith.constant 0 : i32
      %dma_wait3A_164 = tpu.memref_slice %dma_wait3A_161[%dma_wait3A_162, %dma_wait3A_163] : memref<32768x16xf32, #tpu.memory_space<hbm>> -> memref<32768x16xf32, #tpu.memory_space<hbm>>
      tpu.wait_indirect_dma semaphore(%arg15 : memref<!tpu.dma_semaphore, #tpu.memory_space<semaphore_mem>>) src(%dma_wait3A_164 : memref<32768x16xf32, #tpu.memory_space<hbm>>) dst(%arg10 : memref<256x16xf32, #tpu.memory_space<vmem>>)
      %add3A_165 = arith.constant 1 : i32
      %add3A_166 = arith.addi %mul3A_133, %add3A_165 : i32
      %dma_start3A_167 = arith.constant 0 : i32
      %dma_start3A_168 = tpu.memref_slice %arg8[%add3A_166, %dma_start3A_167] : memref<128x256xi32, #tpu.memory_space<vmem>> -> memref<1x256xi32, #tpu.memory_space<vmem>>
      %dma_start3A_169 = tpu.memref_squeeze %dma_start3A_168 : memref<1x256xi32, #tpu.memory_space<vmem>> -> memref<256xi32, #tpu.memory_space<vmem>>
      %dma_start3A_170 = arith.constant 0 : i32
      %dma_start3A_171 = arith.constant 0 : i32
      %dma_start3A_172 = tpu.memref_slice %arg13[%dma_start3A_170, %dma_start3A_171] : memref<32768x16xf32, #tpu.memory_space<vmem_shared>> -> memref<32768x16xf32, #tpu.memory_space<vmem_shared>>
      tpu.enqueue_indirect_dma source(%arg10 : memref<256x16xf32, #tpu.memory_space<vmem>>) target(%dma_start3A_172 : memref<32768x16xf32, #tpu.memory_space<vmem_shared>>) offsets(%dma_start3A_169 : memref<256xi32, #tpu.memory_space<vmem>>) semaphore(%arg19 : memref<!tpu.dma_semaphore, #tpu.memory_space<semaphore_mem>>) {add = true}
      %add3A_173 = arith.constant 2 : i32
      %add3A_174 = arith.addi %mul3A_133, %add3A_173 : i32
      %dma_wait3A_175 = arith.constant 0 : i32
      %dma_wait3A_176 = tpu.memref_slice %arg7[%add3A_174, %dma_wait3A_175] : memref<128x256xi32, #tpu.memory_space<vmem>> -> memref<1x256xi32, #tpu.memory_space<vmem>>
      %dma_wait3A_177 = tpu.memref_squeeze %dma_wait3A_176 : memref<1x256xi32, #tpu.memory_space<vmem>> -> memref<256xi32, #tpu.memory_space<vmem>>
      %dma_wait3A_178 = arith.constant 0 : i32
      %dma_wait3A_179 = arith.constant 0 : i32
      %dma_wait3A_180 = tpu.memref_slice %arg2[%add3A_64, %dma_wait3A_178, %dma_wait3A_179] : memref<4x32768x16xf32, #tpu.memory_space<hbm>> -> memref<1x32768x16xf32, #tpu.memory_space<hbm>>
      %dma_wait3A_181 = tpu.memref_squeeze %dma_wait3A_180 : memref<1x32768x16xf32, #tpu.memory_space<hbm>> -> memref<32768x16xf32, #tpu.memory_space<hbm>>
      %dma_wait3A_182 = arith.constant 0 : i32
      %dma_wait3A_183 = arith.constant 0 : i32
      %dma_wait3A_184 = tpu.memref_slice %dma_wait3A_181[%dma_wait3A_182, %dma_wait3A_183] : memref<32768x16xf32, #tpu.memory_space<hbm>> -> memref<32768x16xf32, #tpu.memory_space<hbm>>
      tpu.wait_indirect_dma semaphore(%arg16 : memref<!tpu.dma_semaphore, #tpu.memory_space<semaphore_mem>>) src(%dma_wait3A_184 : memref<32768x16xf32, #tpu.memory_space<hbm>>) dst(%arg11 : memref<256x16xf32, #tpu.memory_space<vmem>>)
      %add3A_185 = arith.constant 2 : i32
      %add3A_186 = arith.addi %mul3A_133, %add3A_185 : i32
      %dma_start3A_187 = arith.constant 0 : i32
      %dma_start3A_188 = tpu.memref_slice %arg8[%add3A_186, %dma_start3A_187] : memref<128x256xi32, #tpu.memory_space<vmem>> -> memref<1x256xi32, #tpu.memory_space<vmem>>
      %dma_start3A_189 = tpu.memref_squeeze %dma_start3A_188 : memref<1x256xi32, #tpu.memory_space<vmem>> -> memref<256xi32, #tpu.memory_space<vmem>>
      %dma_start3A_190 = arith.constant 0 : i32
      %dma_start3A_191 = arith.constant 0 : i32
      %dma_start3A_192 = tpu.memref_slice %arg13[%dma_start3A_190, %dma_start3A_191] : memref<32768x16xf32, #tpu.memory_space<vmem_shared>> -> memref<32768x16xf32, #tpu.memory_space<vmem_shared>>
      tpu.enqueue_indirect_dma source(%arg11 : memref<256x16xf32, #tpu.memory_space<vmem>>) target(%dma_start3A_192 : memref<32768x16xf32, #tpu.memory_space<vmem_shared>>) offsets(%dma_start3A_189 : memref<256xi32, #tpu.memory_space<vmem>>) semaphore(%arg20 : memref<!tpu.dma_semaphore, #tpu.memory_space<semaphore_mem>>) {add = true}
      %add3A_193 = arith.constant 3 : i32
      %add3A_194 = arith.addi %mul3A_133, %add3A_193 : i32
      %dma_wait3A_195 = arith.constant 0 : i32
      %dma_wait3A_196 = tpu.memref_slice %arg7[%add3A_194, %dma_wait3A_195] : memref<128x256xi32, #tpu.memory_space<vmem>> -> memref<1x256xi32, #tpu.memory_space<vmem>>
      %dma_wait3A_197 = tpu.memref_squeeze %dma_wait3A_196 : memref<1x256xi32, #tpu.memory_space<vmem>> -> memref<256xi32, #tpu.memory_space<vmem>>
      %dma_wait3A_198 = arith.constant 0 : i32
      %dma_wait3A_199 = arith.constant 0 : i32
      %dma_wait3A_200 = tpu.memref_slice %arg2[%add3A_64, %dma_wait3A_198, %dma_wait3A_199] : memref<4x32768x16xf32, #tpu.memory_space<hbm>> -> memref<1x32768x16xf32, #tpu.memory_space<hbm>>
      %dma_wait3A_201 = tpu.memref_squeeze %dma_wait3A_200 : memref<1x32768x16xf32, #tpu.memory_space<hbm>> -> memref<32768x16xf32, #tpu.memory_space<hbm>>
      %dma_wait3A_202 = arith.constant 0 : i32
      %dma_wait3A_203 = arith.constant 0 : i32
      %dma_wait3A_204 = tpu.memref_slice %dma_wait3A_201[%dma_wait3A_202, %dma_wait3A_203] : memref<32768x16xf32, #tpu.memory_space<hbm>> -> memref<32768x16xf32, #tpu.memory_space<hbm>>
      tpu.wait_indirect_dma semaphore(%arg17 : memref<!tpu.dma_semaphore, #tpu.memory_space<semaphore_mem>>) src(%dma_wait3A_204 : memref<32768x16xf32, #tpu.memory_space<hbm>>) dst(%arg12 : memref<256x16xf32, #tpu.memory_space<vmem>>)
      %add3A_205 = arith.constant 3 : i32
      %add3A_206 = arith.addi %mul3A_133, %add3A_205 : i32
      %dma_start3A_207 = arith.constant 0 : i32
      %dma_start3A_208 = tpu.memref_slice %arg8[%add3A_206, %dma_start3A_207] : memref<128x256xi32, #tpu.memory_space<vmem>> -> memref<1x256xi32, #tpu.memory_space<vmem>>
      %dma_start3A_209 = tpu.memref_squeeze %dma_start3A_208 : memref<1x256xi32, #tpu.memory_space<vmem>> -> memref<256xi32, #tpu.memory_space<vmem>>
      %dma_start3A_210 = arith.constant 0 : i32
      %dma_start3A_211 = arith.constant 0 : i32
      %dma_start3A_212 = tpu.memref_slice %arg13[%dma_start3A_210, %dma_start3A_211] : memref<32768x16xf32, #tpu.memory_space<vmem_shared>> -> memref<32768x16xf32, #tpu.memory_space<vmem_shared>>
      tpu.enqueue_indirect_dma source(%arg12 : memref<256x16xf32, #tpu.memory_space<vmem>>) target(%dma_start3A_212 : memref<32768x16xf32, #tpu.memory_space<vmem_shared>>) offsets(%dma_start3A_209 : memref<256xi32, #tpu.memory_space<vmem>>) semaphore(%arg21 : memref<!tpu.dma_semaphore, #tpu.memory_space<semaphore_mem>>) {add = true}
      %add3A_213 = arith.constant 0 : i32
      %add3A_214 = arith.addi %mul3A_133, %add3A_213 : i32
      %dma_wait3A_215 = arith.constant 0 : i32
      %dma_wait3A_216 = tpu.memref_slice %arg8[%add3A_214, %dma_wait3A_215] : memref<128x256xi32, #tpu.memory_space<vmem>> -> memref<1x256xi32, #tpu.memory_space<vmem>>
      %dma_wait3A_217 = tpu.memref_squeeze %dma_wait3A_216 : memref<1x256xi32, #tpu.memory_space<vmem>> -> memref<256xi32, #tpu.memory_space<vmem>>
      %dma_wait3A_218 = arith.constant 0 : i32
      %dma_wait3A_219 = arith.constant 0 : i32
      %dma_wait3A_220 = tpu.memref_slice %arg13[%dma_wait3A_218, %dma_wait3A_219] : memref<32768x16xf32, #tpu.memory_space<vmem_shared>> -> memref<32768x16xf32, #tpu.memory_space<vmem_shared>>
      tpu.wait_indirect_dma semaphore(%arg18 : memref<!tpu.dma_semaphore, #tpu.memory_space<semaphore_mem>>) src(%arg9 : memref<256x16xf32, #tpu.memory_space<vmem>>) dst(%dma_wait3A_220 : memref<32768x16xf32, #tpu.memory_space<vmem_shared>>)
      %add3A_221 = arith.constant 4 : i32
      %add3A_222 = arith.addi %mul3A_133, %add3A_221 : i32
      %add3A_223 = arith.constant 0 : i32
      %add3A_224 = arith.addi %add3A_222, %add3A_223 : i32
      %lt3A = arith.constant 128 : i32
      %lt3A_225 = arith.cmpi slt, %add3A_224, %lt3A : i32
      %convert_element_type3A = arith.extui %lt3A_225 : i1 to i32
      %cond3A = arith.constant 0 : i32
      %cond3A_226 = arith.cmpi ne, %convert_element_type3A, %cond3A : i32
      scf.if %cond3A_226 {
        %dma_start3A_278 = arith.constant 0 : i32
        %dma_start3A_279 = tpu.memref_slice %arg7[%add3A_224, %dma_start3A_278] : memref<128x256xi32, #tpu.memory_space<vmem>> -> memref<1x256xi32, #tpu.memory_space<vmem>>
        %dma_start3A_280 = tpu.memref_squeeze %dma_start3A_279 : memref<1x256xi32, #tpu.memory_space<vmem>> -> memref<256xi32, #tpu.memory_space<vmem>>
        %dma_start3A_281 = arith.constant 0 : i32
        %dma_start3A_282 = arith.constant 0 : i32
        %dma_start3A_283 = tpu.memref_slice %arg2[%add3A_64, %dma_start3A_281, %dma_start3A_282] : memref<4x32768x16xf32, #tpu.memory_space<hbm>> -> memref<1x32768x16xf32, #tpu.memory_space<hbm>>
        %dma_start3A_284 = tpu.memref_squeeze %dma_start3A_283 : memref<1x32768x16xf32, #tpu.memory_space<hbm>> -> memref<32768x16xf32, #tpu.memory_space<hbm>>
        %dma_start3A_285 = arith.constant 0 : i32
        %dma_start3A_286 = arith.constant 0 : i32
        %dma_start3A_287 = tpu.memref_slice %dma_start3A_284[%dma_start3A_285, %dma_start3A_286] : memref<32768x16xf32, #tpu.memory_space<hbm>> -> memref<32768x16xf32, #tpu.memory_space<hbm>>
        tpu.enqueue_indirect_dma source(%dma_start3A_287 : memref<32768x16xf32, #tpu.memory_space<hbm>>) target(%arg9 : memref<256x16xf32, #tpu.memory_space<vmem>>) offsets(%dma_start3A_280 : memref<256xi32, #tpu.memory_space<vmem>>) semaphore(%arg14 : memref<!tpu.dma_semaphore, #tpu.memory_space<semaphore_mem>>)
      } else {
      }
      %add3A_227 = arith.constant 1 : i32
      %add3A_228 = arith.addi %mul3A_133, %add3A_227 : i32
      %dma_wait3A_229 = arith.constant 0 : i32
      %dma_wait3A_230 = tpu.memref_slice %arg8[%add3A_228, %dma_wait3A_229] : memref<128x256xi32, #tpu.memory_space<vmem>> -> memref<1x256xi32, #tpu.memory_space<vmem>>
      %dma_wait3A_231 = tpu.memref_squeeze %dma_wait3A_230 : memref<1x256xi32, #tpu.memory_space<vmem>> -> memref<256xi32, #tpu.memory_space<vmem>>
      %dma_wait3A_232 = arith.constant 0 : i32
      %dma_wait3A_233 = arith.constant 0 : i32
      %dma_wait3A_234 = tpu.memref_slice %arg13[%dma_wait3A_232, %dma_wait3A_233] : memref<32768x16xf32, #tpu.memory_space<vmem_shared>> -> memref<32768x16xf32, #tpu.memory_space<vmem_shared>>
      tpu.wait_indirect_dma semaphore(%arg19 : memref<!tpu.dma_semaphore, #tpu.memory_space<semaphore_mem>>) src(%arg10 : memref<256x16xf32, #tpu.memory_space<vmem>>) dst(%dma_wait3A_234 : memref<32768x16xf32, #tpu.memory_space<vmem_shared>>)
      %add3A_235 = arith.constant 4 : i32
      %add3A_236 = arith.addi %mul3A_133, %add3A_235 : i32
      %add3A_237 = arith.constant 1 : i32
      %add3A_238 = arith.addi %add3A_236, %add3A_237 : i32
      %lt3A_239 = arith.constant 128 : i32
      %lt3A_240 = arith.cmpi slt, %add3A_238, %lt3A_239 : i32
      %convert_element_type3A_241 = arith.extui %lt3A_240 : i1 to i32
      %cond3A_242 = arith.constant 0 : i32
      %cond3A_243 = arith.cmpi ne, %convert_element_type3A_241, %cond3A_242 : i32
      scf.if %cond3A_243 {
        %dma_start3A_278 = arith.constant 0 : i32
        %dma_start3A_279 = tpu.memref_slice %arg7[%add3A_238, %dma_start3A_278] : memref<128x256xi32, #tpu.memory_space<vmem>> -> memref<1x256xi32, #tpu.memory_space<vmem>>
        %dma_start3A_280 = tpu.memref_squeeze %dma_start3A_279 : memref<1x256xi32, #tpu.memory_space<vmem>> -> memref<256xi32, #tpu.memory_space<vmem>>
        %dma_start3A_281 = arith.constant 0 : i32
        %dma_start3A_282 = arith.constant 0 : i32
        %dma_start3A_283 = tpu.memref_slice %arg2[%add3A_64, %dma_start3A_281, %dma_start3A_282] : memref<4x32768x16xf32, #tpu.memory_space<hbm>> -> memref<1x32768x16xf32, #tpu.memory_space<hbm>>
        %dma_start3A_284 = tpu.memref_squeeze %dma_start3A_283 : memref<1x32768x16xf32, #tpu.memory_space<hbm>> -> memref<32768x16xf32, #tpu.memory_space<hbm>>
        %dma_start3A_285 = arith.constant 0 : i32
        %dma_start3A_286 = arith.constant 0 : i32
        %dma_start3A_287 = tpu.memref_slice %dma_start3A_284[%dma_start3A_285, %dma_start3A_286] : memref<32768x16xf32, #tpu.memory_space<hbm>> -> memref<32768x16xf32, #tpu.memory_space<hbm>>
        tpu.enqueue_indirect_dma source(%dma_start3A_287 : memref<32768x16xf32, #tpu.memory_space<hbm>>) target(%arg10 : memref<256x16xf32, #tpu.memory_space<vmem>>) offsets(%dma_start3A_280 : memref<256xi32, #tpu.memory_space<vmem>>) semaphore(%arg15 : memref<!tpu.dma_semaphore, #tpu.memory_space<semaphore_mem>>)
      } else {
      }
      %add3A_244 = arith.constant 2 : i32
      %add3A_245 = arith.addi %mul3A_133, %add3A_244 : i32
      %dma_wait3A_246 = arith.constant 0 : i32
      %dma_wait3A_247 = tpu.memref_slice %arg8[%add3A_245, %dma_wait3A_246] : memref<128x256xi32, #tpu.memory_space<vmem>> -> memref<1x256xi32, #tpu.memory_space<vmem>>
      %dma_wait3A_248 = tpu.memref_squeeze %dma_wait3A_247 : memref<1x256xi32, #tpu.memory_space<vmem>> -> memref<256xi32, #tpu.memory_space<vmem>>
      %dma_wait3A_249 = arith.constant 0 : i32
      %dma_wait3A_250 = arith.constant 0 : i32
      %dma_wait3A_251 = tpu.memref_slice %arg13[%dma_wait3A_249, %dma_wait3A_250] : memref<32768x16xf32, #tpu.memory_space<vmem_shared>> -> memref<32768x16xf32, #tpu.memory_space<vmem_shared>>
      tpu.wait_indirect_dma semaphore(%arg20 : memref<!tpu.dma_semaphore, #tpu.memory_space<semaphore_mem>>) src(%arg11 : memref<256x16xf32, #tpu.memory_space<vmem>>) dst(%dma_wait3A_251 : memref<32768x16xf32, #tpu.memory_space<vmem_shared>>)
      %add3A_252 = arith.constant 4 : i32
      %add3A_253 = arith.addi %mul3A_133, %add3A_252 : i32
      %add3A_254 = arith.constant 2 : i32
      %add3A_255 = arith.addi %add3A_253, %add3A_254 : i32
      %lt3A_256 = arith.constant 128 : i32
      %lt3A_257 = arith.cmpi slt, %add3A_255, %lt3A_256 : i32
      %convert_element_type3A_258 = arith.extui %lt3A_257 : i1 to i32
      %cond3A_259 = arith.constant 0 : i32
      %cond3A_260 = arith.cmpi ne, %convert_element_type3A_258, %cond3A_259 : i32
      scf.if %cond3A_260 {
        %dma_start3A_278 = arith.constant 0 : i32
        %dma_start3A_279 = tpu.memref_slice %arg7[%add3A_255, %dma_start3A_278] : memref<128x256xi32, #tpu.memory_space<vmem>> -> memref<1x256xi32, #tpu.memory_space<vmem>>
        %dma_start3A_280 = tpu.memref_squeeze %dma_start3A_279 : memref<1x256xi32, #tpu.memory_space<vmem>> -> memref<256xi32, #tpu.memory_space<vmem>>
        %dma_start3A_281 = arith.constant 0 : i32
        %dma_start3A_282 = arith.constant 0 : i32
        %dma_start3A_283 = tpu.memref_slice %arg2[%add3A_64, %dma_start3A_281, %dma_start3A_282] : memref<4x32768x16xf32, #tpu.memory_space<hbm>> -> memref<1x32768x16xf32, #tpu.memory_space<hbm>>
        %dma_start3A_284 = tpu.memref_squeeze %dma_start3A_283 : memref<1x32768x16xf32, #tpu.memory_space<hbm>> -> memref<32768x16xf32, #tpu.memory_space<hbm>>
        %dma_start3A_285 = arith.constant 0 : i32
        %dma_start3A_286 = arith.constant 0 : i32
        %dma_start3A_287 = tpu.memref_slice %dma_start3A_284[%dma_start3A_285, %dma_start3A_286] : memref<32768x16xf32, #tpu.memory_space<hbm>> -> memref<32768x16xf32, #tpu.memory_space<hbm>>
        tpu.enqueue_indirect_dma source(%dma_start3A_287 : memref<32768x16xf32, #tpu.memory_space<hbm>>) target(%arg11 : memref<256x16xf32, #tpu.memory_space<vmem>>) offsets(%dma_start3A_280 : memref<256xi32, #tpu.memory_space<vmem>>) semaphore(%arg16 : memref<!tpu.dma_semaphore, #tpu.memory_space<semaphore_mem>>)
      } else {
      }
      %add3A_261 = arith.constant 3 : i32
      %add3A_262 = arith.addi %mul3A_133, %add3A_261 : i32
      %dma_wait3A_263 = arith.constant 0 : i32
      %dma_wait3A_264 = tpu.memref_slice %arg8[%add3A_262, %dma_wait3A_263] : memref<128x256xi32, #tpu.memory_space<vmem>> -> memref<1x256xi32, #tpu.memory_space<vmem>>
      %dma_wait3A_265 = tpu.memref_squeeze %dma_wait3A_264 : memref<1x256xi32, #tpu.memory_space<vmem>> -> memref<256xi32, #tpu.memory_space<vmem>>
      %dma_wait3A_266 = arith.constant 0 : i32
      %dma_wait3A_267 = arith.constant 0 : i32
      %dma_wait3A_268 = tpu.memref_slice %arg13[%dma_wait3A_266, %dma_wait3A_267] : memref<32768x16xf32, #tpu.memory_space<vmem_shared>> -> memref<32768x16xf32, #tpu.memory_space<vmem_shared>>
      tpu.wait_indirect_dma semaphore(%arg21 : memref<!tpu.dma_semaphore, #tpu.memory_space<semaphore_mem>>) src(%arg12 : memref<256x16xf32, #tpu.memory_space<vmem>>) dst(%dma_wait3A_268 : memref<32768x16xf32, #tpu.memory_space<vmem_shared>>)
      %add3A_269 = arith.constant 4 : i32
      %add3A_270 = arith.addi %mul3A_133, %add3A_269 : i32
      %add3A_271 = arith.constant 3 : i32
      %add3A_272 = arith.addi %add3A_270, %add3A_271 : i32
      %lt3A_273 = arith.constant 128 : i32
      %lt3A_274 = arith.cmpi slt, %add3A_272, %lt3A_273 : i32
      %convert_element_type3A_275 = arith.extui %lt3A_274 : i1 to i32
      %cond3A_276 = arith.constant 0 : i32
      %cond3A_277 = arith.cmpi ne, %convert_element_type3A_275, %cond3A_276 : i32
      scf.if %cond3A_277 {
        %dma_start3A_278 = arith.constant 0 : i32
        %dma_start3A_279 = tpu.memref_slice %arg7[%add3A_272, %dma_start3A_278] : memref<128x256xi32, #tpu.memory_space<vmem>> -> memref<1x256xi32, #tpu.memory_space<vmem>>
        %dma_start3A_280 = tpu.memref_squeeze %dma_start3A_279 : memref<1x256xi32, #tpu.memory_space<vmem>> -> memref<256xi32, #tpu.memory_space<vmem>>
        %dma_start3A_281 = arith.constant 0 : i32
        %dma_start3A_282 = arith.constant 0 : i32
        %dma_start3A_283 = tpu.memref_slice %arg2[%add3A_64, %dma_start3A_281, %dma_start3A_282] : memref<4x32768x16xf32, #tpu.memory_space<hbm>> -> memref<1x32768x16xf32, #tpu.memory_space<hbm>>
        %dma_start3A_284 = tpu.memref_squeeze %dma_start3A_283 : memref<1x32768x16xf32, #tpu.memory_space<hbm>> -> memref<32768x16xf32, #tpu.memory_space<hbm>>
        %dma_start3A_285 = arith.constant 0 : i32
        %dma_start3A_286 = arith.constant 0 : i32
        %dma_start3A_287 = tpu.memref_slice %dma_start3A_284[%dma_start3A_285, %dma_start3A_286] : memref<32768x16xf32, #tpu.memory_space<hbm>> -> memref<32768x16xf32, #tpu.memory_space<hbm>>
        tpu.enqueue_indirect_dma source(%dma_start3A_287 : memref<32768x16xf32, #tpu.memory_space<hbm>>) target(%arg12 : memref<256x16xf32, #tpu.memory_space<vmem>>) offsets(%dma_start3A_280 : memref<256xi32, #tpu.memory_space<vmem>>) semaphore(%arg17 : memref<!tpu.dma_semaphore, #tpu.memory_space<semaphore_mem>>)
      } else {
      }
    }
    %scan3A_118 = arith.constant 32 : i32
    %barrier3A_119 = arith.constant 0 : index
    tpu.barrier barrier_id(%barrier3A_119)
    %mul3A_120 = arith.constant 2048 : i32
    %mul3A_121 = arith.muli %arg1, %mul3A_120 : i32
    %mul3A_122 = arith.constant 2048 : i32
    %mul3A_123 = arith.muli %arg1, %mul3A_122 : i32
    %mul3A_124 = arith.constant 16 : i32
    %mul3A_125 = arith.muli %add3A_64, %mul3A_124 : i32
    "tpu.region"() ({
      %run_scoped3A = tpu.sem_alloc : memref<!tpu.dma_semaphore, #tpu.memory_space<semaphore_mem>>
      %dma_start3A_127 = tpu.memref_slice %arg6[%mul3A_123, %mul3A_125] : memref<32768x64xf32, #tpu.memory_space<hbm>> -> memref<2048x16xf32, #tpu.memory_space<hbm>>
      %dma_start3A_128 = arith.constant 0 : i32
      %dma_start3A_129 = tpu.memref_slice %arg13[%mul3A_121, %dma_start3A_128] : memref<32768x16xf32, #tpu.memory_space<vmem_shared>> -> memref<2048x16xf32, #tpu.memory_space<vmem_shared>>
      tpu.enqueue_dma source(%dma_start3A_129 : memref<2048x16xf32, #tpu.memory_space<vmem_shared>>) target(%dma_start3A_127 : memref<2048x16xf32, #tpu.memory_space<hbm>>) target_semaphore(%run_scoped3A : memref<!tpu.dma_semaphore, #tpu.memory_space<semaphore_mem>>)
      %dma_wait3A = tpu.memref_slice %arg6[%mul3A_123, %mul3A_125] : memref<32768x64xf32, #tpu.memory_space<hbm>> -> memref<2048x16xf32, #tpu.memory_space<hbm>>
      %dma_wait3A_130 = arith.constant 0 : i32
      %dma_wait3A_131 = tpu.memref_slice %arg13[%mul3A_121, %dma_wait3A_130] : memref<32768x16xf32, #tpu.memory_space<vmem_shared>> -> memref<2048x16xf32, #tpu.memory_space<vmem_shared>>
      tpu.wait_dma2 semaphore(%run_scoped3A : memref<!tpu.dma_semaphore, #tpu.memory_space<semaphore_mem>>) src(%dma_wait3A_131 : memref<2048x16xf32, #tpu.memory_space<vmem_shared>>) dst(%dma_wait3A : memref<2048x16xf32, #tpu.memory_space<hbm>>)
      tpu.yield
    }) : () -> ()
    %barrier3A_126 = arith.constant 0 : index
    tpu.barrier barrier_id(%barrier3A_126)
    return
  }
}

#map = affine_map<(d0, d1) -> (0, 0, 0)>
#map1 = affine_map<(d0, d1) -> (0, 0)>
module attributes {stable_mosaic.version = 14 : i64} {
  func.func @_sc_deg(%arg0: i32, %arg1: i32, %arg2: memref<32x128x128xi32, #tpu.memory_space<hbm>>, %arg3: memref<128x16xf32, #tpu.memory_space<hbm>>, %arg4: memref<32768x16xf32, #tpu.memory_space<hbm>>, %arg5: memref<2x32768x16xf32, #tpu.memory_space<hbm>>, %arg6: memref<128x128xi32, #tpu.memory_space<vmem>>, %arg7: memref<128x16xf32, #tpu.memory_space<vmem>>, %arg8: memref<32768x16xf32, #tpu.memory_space<vmem_shared>>) attributes {dimension_semantics = [#tpu.dimension_semantics<core_parallel>, #tpu.dimension_semantics<subcore_parallel>], iteration_bounds = array<i64: 2, 16>, scalar_prefetch = 0 : i64, scratch_operands = 3 : i64, tpu.core_type = #tpu.core_type<sc_vector_subcore>, window_params = [{transform_indices = #map}, {transform_indices = #map1}, {transform_indices = #map1}, {transform_indices = #map}]} {
    %mul3A = arith.constant 16 : i32
    %mul3A_0 = arith.muli %arg0, %mul3A : i32
    %add3A = arith.addi %mul3A_0, %arg1 : i32
    %mul3A_1 = arith.constant 2048 : i32
    %mul3A_2 = arith.muli %arg1, %mul3A_1 : i32
    %mul3A_3 = arith.constant 2048 : i32
    %mul3A_4 = arith.muli %arg1, %mul3A_3 : i32
    "tpu.region"() ({
      %run_scoped3A = tpu.sem_alloc : memref<!tpu.dma_semaphore, #tpu.memory_space<semaphore_mem>>
      %dma_start3A = arith.constant 0 : i32
      %dma_start3A_14 = tpu.memref_slice %arg8[%mul3A_4, %dma_start3A] : memref<32768x16xf32, #tpu.memory_space<vmem_shared>> -> memref<2048x16xf32, #tpu.memory_space<vmem_shared>>
      %dma_start3A_15 = arith.constant 0 : i32
      %dma_start3A_16 = tpu.memref_slice %arg4[%mul3A_2, %dma_start3A_15] : memref<32768x16xf32, #tpu.memory_space<hbm>> -> memref<2048x16xf32, #tpu.memory_space<hbm>>
      tpu.enqueue_dma source(%dma_start3A_16 : memref<2048x16xf32, #tpu.memory_space<hbm>>) target(%dma_start3A_14 : memref<2048x16xf32, #tpu.memory_space<vmem_shared>>) target_semaphore(%run_scoped3A : memref<!tpu.dma_semaphore, #tpu.memory_space<semaphore_mem>>)
      %dma_wait3A = arith.constant 0 : i32
      %dma_wait3A_17 = tpu.memref_slice %arg8[%mul3A_4, %dma_wait3A] : memref<32768x16xf32, #tpu.memory_space<vmem_shared>> -> memref<2048x16xf32, #tpu.memory_space<vmem_shared>>
      %dma_wait3A_18 = arith.constant 0 : i32
      %dma_wait3A_19 = tpu.memref_slice %arg4[%mul3A_2, %dma_wait3A_18] : memref<32768x16xf32, #tpu.memory_space<hbm>> -> memref<2048x16xf32, #tpu.memory_space<hbm>>
      tpu.wait_dma2 semaphore(%run_scoped3A : memref<!tpu.dma_semaphore, #tpu.memory_space<semaphore_mem>>) src(%dma_wait3A_19 : memref<2048x16xf32, #tpu.memory_space<hbm>>) dst(%dma_wait3A_17 : memref<2048x16xf32, #tpu.memory_space<vmem_shared>>)
      tpu.yield
    }) : () -> ()
    "tpu.region"() ({
      %run_scoped3A = tpu.sem_alloc : memref<!tpu.dma_semaphore, #tpu.memory_space<semaphore_mem>>
      %dma_start3A = arith.constant 0 : i32
      %dma_start3A_14 = arith.constant 0 : i32
      %dma_start3A_15 = tpu.memref_slice %arg2[%add3A, %dma_start3A, %dma_start3A_14] : memref<32x128x128xi32, #tpu.memory_space<hbm>> -> memref<1x128x128xi32, #tpu.memory_space<hbm>>
      %dma_start3A_16 = tpu.memref_squeeze %dma_start3A_15 : memref<1x128x128xi32, #tpu.memory_space<hbm>> -> memref<128x128xi32, #tpu.memory_space<hbm>>
      %dma_start3A_17 = arith.constant 0 : i32
      %dma_start3A_18 = arith.constant 0 : i32
      %dma_start3A_19 = tpu.memref_slice %arg2[%add3A, %dma_start3A_17, %dma_start3A_18] : memref<32x128x128xi32, #tpu.memory_space<hbm>> -> memref<1x128x128xi32, #tpu.memory_space<hbm>>
      %dma_start3A_20 = tpu.memref_squeeze %dma_start3A_19 : memref<1x128x128xi32, #tpu.memory_space<hbm>> -> memref<128x128xi32, #tpu.memory_space<hbm>>
      tpu.enqueue_dma source(%dma_start3A_20 : memref<128x128xi32, #tpu.memory_space<hbm>>) target(%arg6 : memref<128x128xi32, #tpu.memory_space<vmem>>) target_semaphore(%run_scoped3A : memref<!tpu.dma_semaphore, #tpu.memory_space<semaphore_mem>>)
      %dma_wait3A = arith.constant 0 : i32
      %dma_wait3A_21 = arith.constant 0 : i32
      %dma_wait3A_22 = tpu.memref_slice %arg2[%add3A, %dma_wait3A, %dma_wait3A_21] : memref<32x128x128xi32, #tpu.memory_space<hbm>> -> memref<1x128x128xi32, #tpu.memory_space<hbm>>
      %dma_wait3A_23 = tpu.memref_squeeze %dma_wait3A_22 : memref<1x128x128xi32, #tpu.memory_space<hbm>> -> memref<128x128xi32, #tpu.memory_space<hbm>>
      %dma_wait3A_24 = arith.constant 0 : i32
      %dma_wait3A_25 = arith.constant 0 : i32
      %dma_wait3A_26 = tpu.memref_slice %arg2[%add3A, %dma_wait3A_24, %dma_wait3A_25] : memref<32x128x128xi32, #tpu.memory_space<hbm>> -> memref<1x128x128xi32, #tpu.memory_space<hbm>>
      %dma_wait3A_27 = tpu.memref_squeeze %dma_wait3A_26 : memref<1x128x128xi32, #tpu.memory_space<hbm>> -> memref<128x128xi32, #tpu.memory_space<hbm>>
      tpu.wait_dma2 semaphore(%run_scoped3A : memref<!tpu.dma_semaphore, #tpu.memory_space<semaphore_mem>>) src(%dma_wait3A_27 : memref<128x128xi32, #tpu.memory_space<hbm>>) dst(%arg6 : memref<128x128xi32, #tpu.memory_space<vmem>>)
      tpu.yield
    }) : () -> ()
    "tpu.region"() ({
      %run_scoped3A = tpu.sem_alloc : memref<!tpu.dma_semaphore, #tpu.memory_space<semaphore_mem>>
      tpu.enqueue_dma source(%arg3 : memref<128x16xf32, #tpu.memory_space<hbm>>) target(%arg7 : memref<128x16xf32, #tpu.memory_space<vmem>>) target_semaphore(%run_scoped3A : memref<!tpu.dma_semaphore, #tpu.memory_space<semaphore_mem>>)
      tpu.wait_dma2 semaphore(%run_scoped3A : memref<!tpu.dma_semaphore, #tpu.memory_space<semaphore_mem>>) src(%arg3 : memref<128x16xf32, #tpu.memory_space<hbm>>) dst(%arg7 : memref<128x16xf32, #tpu.memory_space<vmem>>)
      tpu.yield
    }) : () -> ()
    %barrier3A = arith.constant 0 : index
    tpu.barrier barrier_id(%barrier3A)
    %scan3A = arith.constant 0 : i32
    %scan3A_5 = arith.constant 128 : i32
    %scan3A_6 = arith.addi %scan3A, %scan3A_5 : i32
    %scan3A_7 = arith.constant 1 : i32
    scf.for %scan3A_14 = %scan3A to %scan3A_6 step %scan3A_7  : i32 {
      %mul3A_15 = arith.constant 1 : i32
      %mul3A_16 = arith.muli %scan3A_14, %mul3A_15 : i32
      %add3A_17 = arith.constant 0 : i32
      %add3A_18 = arith.addi %add3A_17, %mul3A_16 : i32
      "tpu.region"() ({
        %run_scoped3A = tpu.sem_alloc : memref<!tpu.dma_semaphore, #tpu.memory_space<semaphore_mem>>
        %dma_start3A = arith.constant 0 : i32
        %dma_start3A_19 = tpu.memref_slice %arg6[%add3A_18, %dma_start3A] : memref<128x128xi32, #tpu.memory_space<vmem>> -> memref<1x128xi32, #tpu.memory_space<vmem>>
        %dma_start3A_20 = tpu.memref_squeeze %dma_start3A_19 : memref<1x128xi32, #tpu.memory_space<vmem>> -> memref<128xi32, #tpu.memory_space<vmem>>
        %dma_start3A_21 = arith.constant 0 : i32
        %dma_start3A_22 = arith.constant 0 : i32
        %dma_start3A_23 = tpu.memref_slice %arg8[%dma_start3A_21, %dma_start3A_22] : memref<32768x16xf32, #tpu.memory_space<vmem_shared>> -> memref<32768x16xf32, #tpu.memory_space<vmem_shared>>
        tpu.enqueue_indirect_dma source(%arg7 : memref<128x16xf32, #tpu.memory_space<vmem>>) target(%dma_start3A_23 : memref<32768x16xf32, #tpu.memory_space<vmem_shared>>) offsets(%dma_start3A_20 : memref<128xi32, #tpu.memory_space<vmem>>) semaphore(%run_scoped3A : memref<!tpu.dma_semaphore, #tpu.memory_space<semaphore_mem>>) {add = true}
        %dma_wait3A = arith.constant 0 : i32
        %dma_wait3A_24 = tpu.memref_slice %arg6[%add3A_18, %dma_wait3A] : memref<128x128xi32, #tpu.memory_space<vmem>> -> memref<1x128xi32, #tpu.memory_space<vmem>>
        %dma_wait3A_25 = tpu.memref_squeeze %dma_wait3A_24 : memref<1x128xi32, #tpu.memory_space<vmem>> -> memref<128xi32, #tpu.memory_space<vmem>>
        %dma_wait3A_26 = arith.constant 0 : i32
        %dma_wait3A_27 = arith.constant 0 : i32
        %dma_wait3A_28 = tpu.memref_slice %arg8[%dma_wait3A_26, %dma_wait3A_27] : memref<32768x16xf32, #tpu.memory_space<vmem_shared>> -> memref<32768x16xf32, #tpu.memory_space<vmem_shared>>
        tpu.wait_indirect_dma semaphore(%run_scoped3A : memref<!tpu.dma_semaphore, #tpu.memory_space<semaphore_mem>>) src(%arg7 : memref<128x16xf32, #tpu.memory_space<vmem>>) dst(%dma_wait3A_28 : memref<32768x16xf32, #tpu.memory_space<vmem_shared>>)
        tpu.yield
      }) : () -> ()
    }
    %scan3A_8 = arith.constant 128 : i32
    %barrier3A_9 = arith.constant 0 : index
    tpu.barrier barrier_id(%barrier3A_9)
    %mul3A_10 = arith.constant 2048 : i32
    %mul3A_11 = arith.muli %arg1, %mul3A_10 : i32
    %mul3A_12 = arith.constant 2048 : i32
    %mul3A_13 = arith.muli %arg1, %mul3A_12 : i32
    "tpu.region"() ({
      %run_scoped3A = tpu.sem_alloc : memref<!tpu.dma_semaphore, #tpu.memory_space<semaphore_mem>>
      %dma_start3A = arith.constant 0 : i32
      %dma_start3A_14 = tpu.memref_slice %arg5[%arg0, %mul3A_13, %dma_start3A] : memref<2x32768x16xf32, #tpu.memory_space<hbm>> -> memref<1x2048x16xf32, #tpu.memory_space<hbm>>
      %dma_start3A_15 = tpu.memref_squeeze %dma_start3A_14 : memref<1x2048x16xf32, #tpu.memory_space<hbm>> -> memref<2048x16xf32, #tpu.memory_space<hbm>>
      %dma_start3A_16 = arith.constant 0 : i32
      %dma_start3A_17 = tpu.memref_slice %arg8[%mul3A_11, %dma_start3A_16] : memref<32768x16xf32, #tpu.memory_space<vmem_shared>> -> memref<2048x16xf32, #tpu.memory_space<vmem_shared>>
      tpu.enqueue_dma source(%dma_start3A_17 : memref<2048x16xf32, #tpu.memory_space<vmem_shared>>) target(%dma_start3A_15 : memref<2048x16xf32, #tpu.memory_space<hbm>>) target_semaphore(%run_scoped3A : memref<!tpu.dma_semaphore, #tpu.memory_space<semaphore_mem>>)
      %dma_wait3A = arith.constant 0 : i32
      %dma_wait3A_18 = tpu.memref_slice %arg5[%arg0, %mul3A_13, %dma_wait3A] : memref<2x32768x16xf32, #tpu.memory_space<hbm>> -> memref<1x2048x16xf32, #tpu.memory_space<hbm>>
      %dma_wait3A_19 = tpu.memref_squeeze %dma_wait3A_18 : memref<1x2048x16xf32, #tpu.memory_space<hbm>> -> memref<2048x16xf32, #tpu.memory_space<hbm>>
      %dma_wait3A_20 = arith.constant 0 : i32
      %dma_wait3A_21 = tpu.memref_slice %arg8[%mul3A_11, %dma_wait3A_20] : memref<32768x16xf32, #tpu.memory_space<vmem_shared>> -> memref<2048x16xf32, #tpu.memory_space<vmem_shared>>
      tpu.wait_dma2 semaphore(%run_scoped3A : memref<!tpu.dma_semaphore, #tpu.memory_space<semaphore_mem>>) src(%dma_wait3A_21 : memref<2048x16xf32, #tpu.memory_space<vmem_shared>>) dst(%dma_wait3A_19 : memref<2048x16xf32, #tpu.memory_space<hbm>>)
      tpu.yield
    }) : () -> ()
    return
  }
}

#map = affine_map<(d0, d1) -> (0, 0, 0)>
#map1 = affine_map<(d0, d1) -> (0, 0)>
module attributes {stable_mosaic.version = 14 : i64} {
  func.func @_sc_agg(%arg0: i32, %arg1: i32, %arg2: memref<4x32768x16xf32, #tpu.memory_space<hbm>>, %arg3: memref<16x128x256xi32, #tpu.memory_space<hbm>>, %arg4: memref<16x128x256xi32, #tpu.memory_space<hbm>>, %arg5: memref<32768x16xf32, #tpu.memory_space<hbm>>, %arg6: memref<32768x64xf32, #tpu.memory_space<hbm>>, %arg7: memref<128x256xi32, #tpu.memory_space<vmem>>, %arg8: memref<128x256xi32, #tpu.memory_space<vmem>>, %arg9: memref<256x16xf32, #tpu.memory_space<vmem>>, %arg10: memref<256x16xf32, #tpu.memory_space<vmem>>, %arg11: memref<256x16xf32, #tpu.memory_space<vmem>>, %arg12: memref<256x16xf32, #tpu.memory_space<vmem>>, %arg13: memref<32768x16xf32, #tpu.memory_space<vmem_shared>>, %arg14: memref<!tpu.dma_semaphore, #tpu.memory_space<semaphore_mem>>, %arg15: memref<!tpu.dma_semaphore, #tpu.memory_space<semaphore_mem>>, %arg16: memref<!tpu.dma_semaphore, #tpu.memory_space<semaphore_mem>>, %arg17: memref<!tpu.dma_semaphore, #tpu.memory_space<semaphore_mem>>, %arg18: memref<!tpu.dma_semaphore, #tpu.memory_space<semaphore_mem>>, %arg19: memref<!tpu.dma_semaphore, #tpu.memory_space<semaphore_mem>>, %arg20: memref<!tpu.dma_semaphore, #tpu.memory_space<semaphore_mem>>, %arg21: memref<!tpu.dma_semaphore, #tpu.memory_space<semaphore_mem>>) attributes {dimension_semantics = [#tpu.dimension_semantics<core_parallel>, #tpu.dimension_semantics<subcore_parallel>], iteration_bounds = array<i64: 2, 16>, scalar_prefetch = 0 : i64, scratch_operands = 15 : i64, tpu.core_type = #tpu.core_type<sc_vector_subcore>, window_params = [{transform_indices = #map}, {transform_indices = #map}, {transform_indices = #map}, {transform_indices = #map1}, {transform_indices = #map1}]} {
    "tpu.region"() ({
      %run_scoped3A = tpu.sem_alloc : memref<!tpu.dma_semaphore, #tpu.memory_space<semaphore_mem>>
      %dma_start3A_127 = arith.constant 0 : i32
      %dma_start3A_128 = arith.constant 0 : i32
      %dma_start3A_129 = tpu.memref_slice %arg3[%arg1, %dma_start3A_127, %dma_start3A_128] : memref<16x128x256xi32, #tpu.memory_space<hbm>> -> memref<1x128x256xi32, #tpu.memory_space<hbm>>
      %dma_start3A_130 = tpu.memref_squeeze %dma_start3A_129 : memref<1x128x256xi32, #tpu.memory_space<hbm>> -> memref<128x256xi32, #tpu.memory_space<hbm>>
      %dma_start3A_131 = arith.constant 0 : i32
      %dma_start3A_132 = arith.constant 0 : i32
      %dma_start3A_133 = tpu.memref_slice %arg3[%arg1, %dma_start3A_131, %dma_start3A_132] : memref<16x128x256xi32, #tpu.memory_space<hbm>> -> memref<1x128x256xi32, #tpu.memory_space<hbm>>
      %dma_start3A_134 = tpu.memref_squeeze %dma_start3A_133 : memref<1x128x256xi32, #tpu.memory_space<hbm>> -> memref<128x256xi32, #tpu.memory_space<hbm>>
      tpu.enqueue_dma source(%dma_start3A_134 : memref<128x256xi32, #tpu.memory_space<hbm>>) target(%arg7 : memref<128x256xi32, #tpu.memory_space<vmem>>) target_semaphore(%run_scoped3A : memref<!tpu.dma_semaphore, #tpu.memory_space<semaphore_mem>>)
      %dma_wait3A = arith.constant 0 : i32
      %dma_wait3A_135 = arith.constant 0 : i32
      %dma_wait3A_136 = tpu.memref_slice %arg3[%arg1, %dma_wait3A, %dma_wait3A_135] : memref<16x128x256xi32, #tpu.memory_space<hbm>> -> memref<1x128x256xi32, #tpu.memory_space<hbm>>
      %dma_wait3A_137 = tpu.memref_squeeze %dma_wait3A_136 : memref<1x128x256xi32, #tpu.memory_space<hbm>> -> memref<128x256xi32, #tpu.memory_space<hbm>>
      %dma_wait3A_138 = arith.constant 0 : i32
      %dma_wait3A_139 = arith.constant 0 : i32
      %dma_wait3A_140 = tpu.memref_slice %arg3[%arg1, %dma_wait3A_138, %dma_wait3A_139] : memref<16x128x256xi32, #tpu.memory_space<hbm>> -> memref<1x128x256xi32, #tpu.memory_space<hbm>>
      %dma_wait3A_141 = tpu.memref_squeeze %dma_wait3A_140 : memref<1x128x256xi32, #tpu.memory_space<hbm>> -> memref<128x256xi32, #tpu.memory_space<hbm>>
      tpu.wait_dma2 semaphore(%run_scoped3A : memref<!tpu.dma_semaphore, #tpu.memory_space<semaphore_mem>>) src(%dma_wait3A_141 : memref<128x256xi32, #tpu.memory_space<hbm>>) dst(%arg7 : memref<128x256xi32, #tpu.memory_space<vmem>>)
      tpu.yield
    }) : () -> ()
    "tpu.region"() ({
      %run_scoped3A = tpu.sem_alloc : memref<!tpu.dma_semaphore, #tpu.memory_space<semaphore_mem>>
      %dma_start3A_127 = arith.constant 0 : i32
      %dma_start3A_128 = arith.constant 0 : i32
      %dma_start3A_129 = tpu.memref_slice %arg4[%arg1, %dma_start3A_127, %dma_start3A_128] : memref<16x128x256xi32, #tpu.memory_space<hbm>> -> memref<1x128x256xi32, #tpu.memory_space<hbm>>
      %dma_start3A_130 = tpu.memref_squeeze %dma_start3A_129 : memref<1x128x256xi32, #tpu.memory_space<hbm>> -> memref<128x256xi32, #tpu.memory_space<hbm>>
      %dma_start3A_131 = arith.constant 0 : i32
      %dma_start3A_132 = arith.constant 0 : i32
      %dma_start3A_133 = tpu.memref_slice %arg4[%arg1, %dma_start3A_131, %dma_start3A_132] : memref<16x128x256xi32, #tpu.memory_space<hbm>> -> memref<1x128x256xi32, #tpu.memory_space<hbm>>
      %dma_start3A_134 = tpu.memref_squeeze %dma_start3A_133 : memref<1x128x256xi32, #tpu.memory_space<hbm>> -> memref<128x256xi32, #tpu.memory_space<hbm>>
      tpu.enqueue_dma source(%dma_start3A_134 : memref<128x256xi32, #tpu.memory_space<hbm>>) target(%arg8 : memref<128x256xi32, #tpu.memory_space<vmem>>) target_semaphore(%run_scoped3A : memref<!tpu.dma_semaphore, #tpu.memory_space<semaphore_mem>>)
      %dma_wait3A = arith.constant 0 : i32
      %dma_wait3A_135 = arith.constant 0 : i32
      %dma_wait3A_136 = tpu.memref_slice %arg4[%arg1, %dma_wait3A, %dma_wait3A_135] : memref<16x128x256xi32, #tpu.memory_space<hbm>> -> memref<1x128x256xi32, #tpu.memory_space<hbm>>
      %dma_wait3A_137 = tpu.memref_squeeze %dma_wait3A_136 : memref<1x128x256xi32, #tpu.memory_space<hbm>> -> memref<128x256xi32, #tpu.memory_space<hbm>>
      %dma_wait3A_138 = arith.constant 0 : i32
      %dma_wait3A_139 = arith.constant 0 : i32
      %dma_wait3A_140 = tpu.memref_slice %arg4[%arg1, %dma_wait3A_138, %dma_wait3A_139] : memref<16x128x256xi32, #tpu.memory_space<hbm>> -> memref<1x128x256xi32, #tpu.memory_space<hbm>>
      %dma_wait3A_141 = tpu.memref_squeeze %dma_wait3A_140 : memref<1x128x256xi32, #tpu.memory_space<hbm>> -> memref<128x256xi32, #tpu.memory_space<hbm>>
      tpu.wait_dma2 semaphore(%run_scoped3A : memref<!tpu.dma_semaphore, #tpu.memory_space<semaphore_mem>>) src(%dma_wait3A_141 : memref<128x256xi32, #tpu.memory_space<hbm>>) dst(%arg8 : memref<128x256xi32, #tpu.memory_space<vmem>>)
      tpu.yield
    }) : () -> ()
    %mul3A = arith.constant 2 : i32
    %mul3A_0 = arith.muli %arg0, %mul3A : i32
    %add3A = arith.constant 0 : i32
    %add3A_1 = arith.addi %mul3A_0, %add3A : i32
    %mul3A_2 = arith.constant 2048 : i32
    %mul3A_3 = arith.muli %arg1, %mul3A_2 : i32
    %mul3A_4 = arith.constant 2048 : i32
    %mul3A_5 = arith.muli %arg1, %mul3A_4 : i32
    "tpu.region"() ({
      %run_scoped3A = tpu.sem_alloc : memref<!tpu.dma_semaphore, #tpu.memory_space<semaphore_mem>>
      %dma_start3A_127 = arith.constant 0 : i32
      %dma_start3A_128 = tpu.memref_slice %arg13[%mul3A_5, %dma_start3A_127] : memref<32768x16xf32, #tpu.memory_space<vmem_shared>> -> memref<2048x16xf32, #tpu.memory_space<vmem_shared>>
      %dma_start3A_129 = arith.constant 0 : i32
      %dma_start3A_130 = tpu.memref_slice %arg5[%mul3A_3, %dma_start3A_129] : memref<32768x16xf32, #tpu.memory_space<hbm>> -> memref<2048x16xf32, #tpu.memory_space<hbm>>
      tpu.enqueue_dma source(%dma_start3A_130 : memref<2048x16xf32, #tpu.memory_space<hbm>>) target(%dma_start3A_128 : memref<2048x16xf32, #tpu.memory_space<vmem_shared>>) target_semaphore(%run_scoped3A : memref<!tpu.dma_semaphore, #tpu.memory_space<semaphore_mem>>)
      %dma_wait3A = arith.constant 0 : i32
      %dma_wait3A_131 = tpu.memref_slice %arg13[%mul3A_5, %dma_wait3A] : memref<32768x16xf32, #tpu.memory_space<vmem_shared>> -> memref<2048x16xf32, #tpu.memory_space<vmem_shared>>
      %dma_wait3A_132 = arith.constant 0 : i32
      %dma_wait3A_133 = tpu.memref_slice %arg5[%mul3A_3, %dma_wait3A_132] : memref<32768x16xf32, #tpu.memory_space<hbm>> -> memref<2048x16xf32, #tpu.memory_space<hbm>>
      tpu.wait_dma2 semaphore(%run_scoped3A : memref<!tpu.dma_semaphore, #tpu.memory_space<semaphore_mem>>) src(%dma_wait3A_133 : memref<2048x16xf32, #tpu.memory_space<hbm>>) dst(%dma_wait3A_131 : memref<2048x16xf32, #tpu.memory_space<vmem_shared>>)
      tpu.yield
    }) : () -> ()
    %barrier3A = arith.constant 0 : index
    tpu.barrier barrier_id(%barrier3A)
    %dma_start3A = arith.constant 0 : i32
    %dma_start3A_6 = arith.constant 0 : i32
    %dma_start3A_7 = tpu.memref_slice %arg7[%dma_start3A, %dma_start3A_6] : memref<128x256xi32, #tpu.memory_space<vmem>> -> memref<1x256xi32, #tpu.memory_space<vmem>>
    %dma_start3A_8 = tpu.memref_squeeze %dma_start3A_7 : memref<1x256xi32, #tpu.memory_space<vmem>> -> memref<256xi32, #tpu.memory_space<vmem>>
    %dma_start3A_9 = arith.constant 0 : i32
    %dma_start3A_10 = arith.constant 0 : i32
    %dma_start3A_11 = tpu.memref_slice %arg2[%add3A_1, %dma_start3A_9, %dma_start3A_10] : memref<4x32768x16xf32, #tpu.memory_space<hbm>> -> memref<1x32768x16xf32, #tpu.memory_space<hbm>>
    %dma_start3A_12 = tpu.memref_squeeze %dma_start3A_11 : memref<1x32768x16xf32, #tpu.memory_space<hbm>> -> memref<32768x16xf32, #tpu.memory_space<hbm>>
    %dma_start3A_13 = arith.constant 0 : i32
    %dma_start3A_14 = arith.constant 0 : i32
    %dma_start3A_15 = tpu.memref_slice %dma_start3A_12[%dma_start3A_13, %dma_start3A_14] : memref<32768x16xf32, #tpu.memory_space<hbm>> -> memref<32768x16xf32, #tpu.memory_space<hbm>>
    tpu.enqueue_indirect_dma source(%dma_start3A_15 : memref<32768x16xf32, #tpu.memory_space<hbm>>) target(%arg9 : memref<256x16xf32, #tpu.memory_space<vmem>>) offsets(%dma_start3A_8 : memref<256xi32, #tpu.memory_space<vmem>>) semaphore(%arg14 : memref<!tpu.dma_semaphore, #tpu.memory_space<semaphore_mem>>)
    %dma_start3A_16 = arith.constant 1 : i32
    %dma_start3A_17 = arith.constant 0 : i32
    %dma_start3A_18 = tpu.memref_slice %arg7[%dma_start3A_16, %dma_start3A_17] : memref<128x256xi32, #tpu.memory_space<vmem>> -> memref<1x256xi32, #tpu.memory_space<vmem>>
    %dma_start3A_19 = tpu.memref_squeeze %dma_start3A_18 : memref<1x256xi32, #tpu.memory_space<vmem>> -> memref<256xi32, #tpu.memory_space<vmem>>
    %dma_start3A_20 = arith.constant 0 : i32
    %dma_start3A_21 = arith.constant 0 : i32
    %dma_start3A_22 = tpu.memref_slice %arg2[%add3A_1, %dma_start3A_20, %dma_start3A_21] : memref<4x32768x16xf32, #tpu.memory_space<hbm>> -> memref<1x32768x16xf32, #tpu.memory_space<hbm>>
    %dma_start3A_23 = tpu.memref_squeeze %dma_start3A_22 : memref<1x32768x16xf32, #tpu.memory_space<hbm>> -> memref<32768x16xf32, #tpu.memory_space<hbm>>
    %dma_start3A_24 = arith.constant 0 : i32
    %dma_start3A_25 = arith.constant 0 : i32
    %dma_start3A_26 = tpu.memref_slice %dma_start3A_23[%dma_start3A_24, %dma_start3A_25] : memref<32768x16xf32, #tpu.memory_space<hbm>> -> memref<32768x16xf32, #tpu.memory_space<hbm>>
    tpu.enqueue_indirect_dma source(%dma_start3A_26 : memref<32768x16xf32, #tpu.memory_space<hbm>>) target(%arg10 : memref<256x16xf32, #tpu.memory_space<vmem>>) offsets(%dma_start3A_19 : memref<256xi32, #tpu.memory_space<vmem>>) semaphore(%arg15 : memref<!tpu.dma_semaphore, #tpu.memory_space<semaphore_mem>>)
    %dma_start3A_27 = arith.constant 2 : i32
    %dma_start3A_28 = arith.constant 0 : i32
    %dma_start3A_29 = tpu.memref_slice %arg7[%dma_start3A_27, %dma_start3A_28] : memref<128x256xi32, #tpu.memory_space<vmem>> -> memref<1x256xi32, #tpu.memory_space<vmem>>
    %dma_start3A_30 = tpu.memref_squeeze %dma_start3A_29 : memref<1x256xi32, #tpu.memory_space<vmem>> -> memref<256xi32, #tpu.memory_space<vmem>>
    %dma_start3A_31 = arith.constant 0 : i32
    %dma_start3A_32 = arith.constant 0 : i32
    %dma_start3A_33 = tpu.memref_slice %arg2[%add3A_1, %dma_start3A_31, %dma_start3A_32] : memref<4x32768x16xf32, #tpu.memory_space<hbm>> -> memref<1x32768x16xf32, #tpu.memory_space<hbm>>
    %dma_start3A_34 = tpu.memref_squeeze %dma_start3A_33 : memref<1x32768x16xf32, #tpu.memory_space<hbm>> -> memref<32768x16xf32, #tpu.memory_space<hbm>>
    %dma_start3A_35 = arith.constant 0 : i32
    %dma_start3A_36 = arith.constant 0 : i32
    %dma_start3A_37 = tpu.memref_slice %dma_start3A_34[%dma_start3A_35, %dma_start3A_36] : memref<32768x16xf32, #tpu.memory_space<hbm>> -> memref<32768x16xf32, #tpu.memory_space<hbm>>
    tpu.enqueue_indirect_dma source(%dma_start3A_37 : memref<32768x16xf32, #tpu.memory_space<hbm>>) target(%arg11 : memref<256x16xf32, #tpu.memory_space<vmem>>) offsets(%dma_start3A_30 : memref<256xi32, #tpu.memory_space<vmem>>) semaphore(%arg16 : memref<!tpu.dma_semaphore, #tpu.memory_space<semaphore_mem>>)
    %dma_start3A_38 = arith.constant 3 : i32
    %dma_start3A_39 = arith.constant 0 : i32
    %dma_start3A_40 = tpu.memref_slice %arg7[%dma_start3A_38, %dma_start3A_39] : memref<128x256xi32, #tpu.memory_space<vmem>> -> memref<1x256xi32, #tpu.memory_space<vmem>>
    %dma_start3A_41 = tpu.memref_squeeze %dma_start3A_40 : memref<1x256xi32, #tpu.memory_space<vmem>> -> memref<256xi32, #tpu.memory_space<vmem>>
    %dma_start3A_42 = arith.constant 0 : i32
    %dma_start3A_43 = arith.constant 0 : i32
    %dma_start3A_44 = tpu.memref_slice %arg2[%add3A_1, %dma_start3A_42, %dma_start3A_43] : memref<4x32768x16xf32, #tpu.memory_space<hbm>> -> memref<1x32768x16xf32, #tpu.memory_space<hbm>>
    %dma_start3A_45 = tpu.memref_squeeze %dma_start3A_44 : memref<1x32768x16xf32, #tpu.memory_space<hbm>> -> memref<32768x16xf32, #tpu.memory_space<hbm>>
    %dma_start3A_46 = arith.constant 0 : i32
    %dma_start3A_47 = arith.constant 0 : i32
    %dma_start3A_48 = tpu.memref_slice %dma_start3A_45[%dma_start3A_46, %dma_start3A_47] : memref<32768x16xf32, #tpu.memory_space<hbm>> -> memref<32768x16xf32, #tpu.memory_space<hbm>>
    tpu.enqueue_indirect_dma source(%dma_start3A_48 : memref<32768x16xf32, #tpu.memory_space<hbm>>) target(%arg12 : memref<256x16xf32, #tpu.memory_space<vmem>>) offsets(%dma_start3A_41 : memref<256xi32, #tpu.memory_space<vmem>>) semaphore(%arg17 : memref<!tpu.dma_semaphore, #tpu.memory_space<semaphore_mem>>)
    %scan3A = arith.constant 0 : i32
    %scan3A_49 = arith.constant 32 : i32
    %scan3A_50 = arith.addi %scan3A, %scan3A_49 : i32
    %scan3A_51 = arith.constant 1 : i32
    scf.for %scan3A_127 = %scan3A to %scan3A_50 step %scan3A_51  : i32 {
      %mul3A_128 = arith.constant 1 : i32
      %mul3A_129 = arith.muli %scan3A_127, %mul3A_128 : i32
      %add3A_130 = arith.constant 0 : i32
      %add3A_131 = arith.addi %add3A_130, %mul3A_129 : i32
      %mul3A_132 = arith.constant 4 : i32
      %mul3A_133 = arith.muli %add3A_131, %mul3A_132 : i32
      %add3A_134 = arith.constant 0 : i32
      %add3A_135 = arith.addi %mul3A_133, %add3A_134 : i32
      %dma_wait3A = arith.constant 0 : i32
      %dma_wait3A_136 = tpu.memref_slice %arg7[%add3A_135, %dma_wait3A] : memref<128x256xi32, #tpu.memory_space<vmem>> -> memref<1x256xi32, #tpu.memory_space<vmem>>
      %dma_wait3A_137 = tpu.memref_squeeze %dma_wait3A_136 : memref<1x256xi32, #tpu.memory_space<vmem>> -> memref<256xi32, #tpu.memory_space<vmem>>
      %dma_wait3A_138 = arith.constant 0 : i32
      %dma_wait3A_139 = arith.constant 0 : i32
      %dma_wait3A_140 = tpu.memref_slice %arg2[%add3A_1, %dma_wait3A_138, %dma_wait3A_139] : memref<4x32768x16xf32, #tpu.memory_space<hbm>> -> memref<1x32768x16xf32, #tpu.memory_space<hbm>>
      %dma_wait3A_141 = tpu.memref_squeeze %dma_wait3A_140 : memref<1x32768x16xf32, #tpu.memory_space<hbm>> -> memref<32768x16xf32, #tpu.memory_space<hbm>>
      %dma_wait3A_142 = arith.constant 0 : i32
      %dma_wait3A_143 = arith.constant 0 : i32
      %dma_wait3A_144 = tpu.memref_slice %dma_wait3A_141[%dma_wait3A_142, %dma_wait3A_143] : memref<32768x16xf32, #tpu.memory_space<hbm>> -> memref<32768x16xf32, #tpu.memory_space<hbm>>
      tpu.wait_indirect_dma semaphore(%arg14 : memref<!tpu.dma_semaphore, #tpu.memory_space<semaphore_mem>>) src(%dma_wait3A_144 : memref<32768x16xf32, #tpu.memory_space<hbm>>) dst(%arg9 : memref<256x16xf32, #tpu.memory_space<vmem>>)
      %add3A_145 = arith.constant 0 : i32
      %add3A_146 = arith.addi %mul3A_133, %add3A_145 : i32
      %dma_start3A_147 = arith.constant 0 : i32
      %dma_start3A_148 = tpu.memref_slice %arg8[%add3A_146, %dma_start3A_147] : memref<128x256xi32, #tpu.memory_space<vmem>> -> memref<1x256xi32, #tpu.memory_space<vmem>>
      %dma_start3A_149 = tpu.memref_squeeze %dma_start3A_148 : memref<1x256xi32, #tpu.memory_space<vmem>> -> memref<256xi32, #tpu.memory_space<vmem>>
      %dma_start3A_150 = arith.constant 0 : i32
      %dma_start3A_151 = arith.constant 0 : i32
      %dma_start3A_152 = tpu.memref_slice %arg13[%dma_start3A_150, %dma_start3A_151] : memref<32768x16xf32, #tpu.memory_space<vmem_shared>> -> memref<32768x16xf32, #tpu.memory_space<vmem_shared>>
      tpu.enqueue_indirect_dma source(%arg9 : memref<256x16xf32, #tpu.memory_space<vmem>>) target(%dma_start3A_152 : memref<32768x16xf32, #tpu.memory_space<vmem_shared>>) offsets(%dma_start3A_149 : memref<256xi32, #tpu.memory_space<vmem>>) semaphore(%arg18 : memref<!tpu.dma_semaphore, #tpu.memory_space<semaphore_mem>>) {add = true}
      %add3A_153 = arith.constant 1 : i32
      %add3A_154 = arith.addi %mul3A_133, %add3A_153 : i32
      %dma_wait3A_155 = arith.constant 0 : i32
      %dma_wait3A_156 = tpu.memref_slice %arg7[%add3A_154, %dma_wait3A_155] : memref<128x256xi32, #tpu.memory_space<vmem>> -> memref<1x256xi32, #tpu.memory_space<vmem>>
      %dma_wait3A_157 = tpu.memref_squeeze %dma_wait3A_156 : memref<1x256xi32, #tpu.memory_space<vmem>> -> memref<256xi32, #tpu.memory_space<vmem>>
      %dma_wait3A_158 = arith.constant 0 : i32
      %dma_wait3A_159 = arith.constant 0 : i32
      %dma_wait3A_160 = tpu.memref_slice %arg2[%add3A_1, %dma_wait3A_158, %dma_wait3A_159] : memref<4x32768x16xf32, #tpu.memory_space<hbm>> -> memref<1x32768x16xf32, #tpu.memory_space<hbm>>
      %dma_wait3A_161 = tpu.memref_squeeze %dma_wait3A_160 : memref<1x32768x16xf32, #tpu.memory_space<hbm>> -> memref<32768x16xf32, #tpu.memory_space<hbm>>
      %dma_wait3A_162 = arith.constant 0 : i32
      %dma_wait3A_163 = arith.constant 0 : i32
      %dma_wait3A_164 = tpu.memref_slice %dma_wait3A_161[%dma_wait3A_162, %dma_wait3A_163] : memref<32768x16xf32, #tpu.memory_space<hbm>> -> memref<32768x16xf32, #tpu.memory_space<hbm>>
      tpu.wait_indirect_dma semaphore(%arg15 : memref<!tpu.dma_semaphore, #tpu.memory_space<semaphore_mem>>) src(%dma_wait3A_164 : memref<32768x16xf32, #tpu.memory_space<hbm>>) dst(%arg10 : memref<256x16xf32, #tpu.memory_space<vmem>>)
      %add3A_165 = arith.constant 1 : i32
      %add3A_166 = arith.addi %mul3A_133, %add3A_165 : i32
      %dma_start3A_167 = arith.constant 0 : i32
      %dma_start3A_168 = tpu.memref_slice %arg8[%add3A_166, %dma_start3A_167] : memref<128x256xi32, #tpu.memory_space<vmem>> -> memref<1x256xi32, #tpu.memory_space<vmem>>
      %dma_start3A_169 = tpu.memref_squeeze %dma_start3A_168 : memref<1x256xi32, #tpu.memory_space<vmem>> -> memref<256xi32, #tpu.memory_space<vmem>>
      %dma_start3A_170 = arith.constant 0 : i32
      %dma_start3A_171 = arith.constant 0 : i32
      %dma_start3A_172 = tpu.memref_slice %arg13[%dma_start3A_170, %dma_start3A_171] : memref<32768x16xf32, #tpu.memory_space<vmem_shared>> -> memref<32768x16xf32, #tpu.memory_space<vmem_shared>>
      tpu.enqueue_indirect_dma source(%arg10 : memref<256x16xf32, #tpu.memory_space<vmem>>) target(%dma_start3A_172 : memref<32768x16xf32, #tpu.memory_space<vmem_shared>>) offsets(%dma_start3A_169 : memref<256xi32, #tpu.memory_space<vmem>>) semaphore(%arg19 : memref<!tpu.dma_semaphore, #tpu.memory_space<semaphore_mem>>) {add = true}
      %add3A_173 = arith.constant 2 : i32
      %add3A_174 = arith.addi %mul3A_133, %add3A_173 : i32
      %dma_wait3A_175 = arith.constant 0 : i32
      %dma_wait3A_176 = tpu.memref_slice %arg7[%add3A_174, %dma_wait3A_175] : memref<128x256xi32, #tpu.memory_space<vmem>> -> memref<1x256xi32, #tpu.memory_space<vmem>>
      %dma_wait3A_177 = tpu.memref_squeeze %dma_wait3A_176 : memref<1x256xi32, #tpu.memory_space<vmem>> -> memref<256xi32, #tpu.memory_space<vmem>>
      %dma_wait3A_178 = arith.constant 0 : i32
      %dma_wait3A_179 = arith.constant 0 : i32
      %dma_wait3A_180 = tpu.memref_slice %arg2[%add3A_1, %dma_wait3A_178, %dma_wait3A_179] : memref<4x32768x16xf32, #tpu.memory_space<hbm>> -> memref<1x32768x16xf32, #tpu.memory_space<hbm>>
      %dma_wait3A_181 = tpu.memref_squeeze %dma_wait3A_180 : memref<1x32768x16xf32, #tpu.memory_space<hbm>> -> memref<32768x16xf32, #tpu.memory_space<hbm>>
      %dma_wait3A_182 = arith.constant 0 : i32
      %dma_wait3A_183 = arith.constant 0 : i32
      %dma_wait3A_184 = tpu.memref_slice %dma_wait3A_181[%dma_wait3A_182, %dma_wait3A_183] : memref<32768x16xf32, #tpu.memory_space<hbm>> -> memref<32768x16xf32, #tpu.memory_space<hbm>>
      tpu.wait_indirect_dma semaphore(%arg16 : memref<!tpu.dma_semaphore, #tpu.memory_space<semaphore_mem>>) src(%dma_wait3A_184 : memref<32768x16xf32, #tpu.memory_space<hbm>>) dst(%arg11 : memref<256x16xf32, #tpu.memory_space<vmem>>)
      %add3A_185 = arith.constant 2 : i32
      %add3A_186 = arith.addi %mul3A_133, %add3A_185 : i32
      %dma_start3A_187 = arith.constant 0 : i32
      %dma_start3A_188 = tpu.memref_slice %arg8[%add3A_186, %dma_start3A_187] : memref<128x256xi32, #tpu.memory_space<vmem>> -> memref<1x256xi32, #tpu.memory_space<vmem>>
      %dma_start3A_189 = tpu.memref_squeeze %dma_start3A_188 : memref<1x256xi32, #tpu.memory_space<vmem>> -> memref<256xi32, #tpu.memory_space<vmem>>
      %dma_start3A_190 = arith.constant 0 : i32
      %dma_start3A_191 = arith.constant 0 : i32
      %dma_start3A_192 = tpu.memref_slice %arg13[%dma_start3A_190, %dma_start3A_191] : memref<32768x16xf32, #tpu.memory_space<vmem_shared>> -> memref<32768x16xf32, #tpu.memory_space<vmem_shared>>
      tpu.enqueue_indirect_dma source(%arg11 : memref<256x16xf32, #tpu.memory_space<vmem>>) target(%dma_start3A_192 : memref<32768x16xf32, #tpu.memory_space<vmem_shared>>) offsets(%dma_start3A_189 : memref<256xi32, #tpu.memory_space<vmem>>) semaphore(%arg20 : memref<!tpu.dma_semaphore, #tpu.memory_space<semaphore_mem>>) {add = true}
      %add3A_193 = arith.constant 3 : i32
      %add3A_194 = arith.addi %mul3A_133, %add3A_193 : i32
      %dma_wait3A_195 = arith.constant 0 : i32
      %dma_wait3A_196 = tpu.memref_slice %arg7[%add3A_194, %dma_wait3A_195] : memref<128x256xi32, #tpu.memory_space<vmem>> -> memref<1x256xi32, #tpu.memory_space<vmem>>
      %dma_wait3A_197 = tpu.memref_squeeze %dma_wait3A_196 : memref<1x256xi32, #tpu.memory_space<vmem>> -> memref<256xi32, #tpu.memory_space<vmem>>
      %dma_wait3A_198 = arith.constant 0 : i32
      %dma_wait3A_199 = arith.constant 0 : i32
      %dma_wait3A_200 = tpu.memref_slice %arg2[%add3A_1, %dma_wait3A_198, %dma_wait3A_199] : memref<4x32768x16xf32, #tpu.memory_space<hbm>> -> memref<1x32768x16xf32, #tpu.memory_space<hbm>>
      %dma_wait3A_201 = tpu.memref_squeeze %dma_wait3A_200 : memref<1x32768x16xf32, #tpu.memory_space<hbm>> -> memref<32768x16xf32, #tpu.memory_space<hbm>>
      %dma_wait3A_202 = arith.constant 0 : i32
      %dma_wait3A_203 = arith.constant 0 : i32
      %dma_wait3A_204 = tpu.memref_slice %dma_wait3A_201[%dma_wait3A_202, %dma_wait3A_203] : memref<32768x16xf32, #tpu.memory_space<hbm>> -> memref<32768x16xf32, #tpu.memory_space<hbm>>
      tpu.wait_indirect_dma semaphore(%arg17 : memref<!tpu.dma_semaphore, #tpu.memory_space<semaphore_mem>>) src(%dma_wait3A_204 : memref<32768x16xf32, #tpu.memory_space<hbm>>) dst(%arg12 : memref<256x16xf32, #tpu.memory_space<vmem>>)
      %add3A_205 = arith.constant 3 : i32
      %add3A_206 = arith.addi %mul3A_133, %add3A_205 : i32
      %dma_start3A_207 = arith.constant 0 : i32
      %dma_start3A_208 = tpu.memref_slice %arg8[%add3A_206, %dma_start3A_207] : memref<128x256xi32, #tpu.memory_space<vmem>> -> memref<1x256xi32, #tpu.memory_space<vmem>>
      %dma_start3A_209 = tpu.memref_squeeze %dma_start3A_208 : memref<1x256xi32, #tpu.memory_space<vmem>> -> memref<256xi32, #tpu.memory_space<vmem>>
      %dma_start3A_210 = arith.constant 0 : i32
      %dma_start3A_211 = arith.constant 0 : i32
      %dma_start3A_212 = tpu.memref_slice %arg13[%dma_start3A_210, %dma_start3A_211] : memref<32768x16xf32, #tpu.memory_space<vmem_shared>> -> memref<32768x16xf32, #tpu.memory_space<vmem_shared>>
      tpu.enqueue_indirect_dma source(%arg12 : memref<256x16xf32, #tpu.memory_space<vmem>>) target(%dma_start3A_212 : memref<32768x16xf32, #tpu.memory_space<vmem_shared>>) offsets(%dma_start3A_209 : memref<256xi32, #tpu.memory_space<vmem>>) semaphore(%arg21 : memref<!tpu.dma_semaphore, #tpu.memory_space<semaphore_mem>>) {add = true}
      %add3A_213 = arith.constant 0 : i32
      %add3A_214 = arith.addi %mul3A_133, %add3A_213 : i32
      %dma_wait3A_215 = arith.constant 0 : i32
      %dma_wait3A_216 = tpu.memref_slice %arg8[%add3A_214, %dma_wait3A_215] : memref<128x256xi32, #tpu.memory_space<vmem>> -> memref<1x256xi32, #tpu.memory_space<vmem>>
      %dma_wait3A_217 = tpu.memref_squeeze %dma_wait3A_216 : memref<1x256xi32, #tpu.memory_space<vmem>> -> memref<256xi32, #tpu.memory_space<vmem>>
      %dma_wait3A_218 = arith.constant 0 : i32
      %dma_wait3A_219 = arith.constant 0 : i32
      %dma_wait3A_220 = tpu.memref_slice %arg13[%dma_wait3A_218, %dma_wait3A_219] : memref<32768x16xf32, #tpu.memory_space<vmem_shared>> -> memref<32768x16xf32, #tpu.memory_space<vmem_shared>>
      tpu.wait_indirect_dma semaphore(%arg18 : memref<!tpu.dma_semaphore, #tpu.memory_space<semaphore_mem>>) src(%arg9 : memref<256x16xf32, #tpu.memory_space<vmem>>) dst(%dma_wait3A_220 : memref<32768x16xf32, #tpu.memory_space<vmem_shared>>)
      %add3A_221 = arith.constant 4 : i32
      %add3A_222 = arith.addi %mul3A_133, %add3A_221 : i32
      %add3A_223 = arith.constant 0 : i32
      %add3A_224 = arith.addi %add3A_222, %add3A_223 : i32
      %lt3A = arith.constant 128 : i32
      %lt3A_225 = arith.cmpi slt, %add3A_224, %lt3A : i32
      %convert_element_type3A = arith.extui %lt3A_225 : i1 to i32
      %cond3A = arith.constant 0 : i32
      %cond3A_226 = arith.cmpi ne, %convert_element_type3A, %cond3A : i32
      scf.if %cond3A_226 {
        %dma_start3A_278 = arith.constant 0 : i32
        %dma_start3A_279 = tpu.memref_slice %arg7[%add3A_224, %dma_start3A_278] : memref<128x256xi32, #tpu.memory_space<vmem>> -> memref<1x256xi32, #tpu.memory_space<vmem>>
        %dma_start3A_280 = tpu.memref_squeeze %dma_start3A_279 : memref<1x256xi32, #tpu.memory_space<vmem>> -> memref<256xi32, #tpu.memory_space<vmem>>
        %dma_start3A_281 = arith.constant 0 : i32
        %dma_start3A_282 = arith.constant 0 : i32
        %dma_start3A_283 = tpu.memref_slice %arg2[%add3A_1, %dma_start3A_281, %dma_start3A_282] : memref<4x32768x16xf32, #tpu.memory_space<hbm>> -> memref<1x32768x16xf32, #tpu.memory_space<hbm>>
        %dma_start3A_284 = tpu.memref_squeeze %dma_start3A_283 : memref<1x32768x16xf32, #tpu.memory_space<hbm>> -> memref<32768x16xf32, #tpu.memory_space<hbm>>
        %dma_start3A_285 = arith.constant 0 : i32
        %dma_start3A_286 = arith.constant 0 : i32
        %dma_start3A_287 = tpu.memref_slice %dma_start3A_284[%dma_start3A_285, %dma_start3A_286] : memref<32768x16xf32, #tpu.memory_space<hbm>> -> memref<32768x16xf32, #tpu.memory_space<hbm>>
        tpu.enqueue_indirect_dma source(%dma_start3A_287 : memref<32768x16xf32, #tpu.memory_space<hbm>>) target(%arg9 : memref<256x16xf32, #tpu.memory_space<vmem>>) offsets(%dma_start3A_280 : memref<256xi32, #tpu.memory_space<vmem>>) semaphore(%arg14 : memref<!tpu.dma_semaphore, #tpu.memory_space<semaphore_mem>>)
      } else {
      }
      %add3A_227 = arith.constant 1 : i32
      %add3A_228 = arith.addi %mul3A_133, %add3A_227 : i32
      %dma_wait3A_229 = arith.constant 0 : i32
      %dma_wait3A_230 = tpu.memref_slice %arg8[%add3A_228, %dma_wait3A_229] : memref<128x256xi32, #tpu.memory_space<vmem>> -> memref<1x256xi32, #tpu.memory_space<vmem>>
      %dma_wait3A_231 = tpu.memref_squeeze %dma_wait3A_230 : memref<1x256xi32, #tpu.memory_space<vmem>> -> memref<256xi32, #tpu.memory_space<vmem>>
      %dma_wait3A_232 = arith.constant 0 : i32
      %dma_wait3A_233 = arith.constant 0 : i32
      %dma_wait3A_234 = tpu.memref_slice %arg13[%dma_wait3A_232, %dma_wait3A_233] : memref<32768x16xf32, #tpu.memory_space<vmem_shared>> -> memref<32768x16xf32, #tpu.memory_space<vmem_shared>>
      tpu.wait_indirect_dma semaphore(%arg19 : memref<!tpu.dma_semaphore, #tpu.memory_space<semaphore_mem>>) src(%arg10 : memref<256x16xf32, #tpu.memory_space<vmem>>) dst(%dma_wait3A_234 : memref<32768x16xf32, #tpu.memory_space<vmem_shared>>)
      %add3A_235 = arith.constant 4 : i32
      %add3A_236 = arith.addi %mul3A_133, %add3A_235 : i32
      %add3A_237 = arith.constant 1 : i32
      %add3A_238 = arith.addi %add3A_236, %add3A_237 : i32
      %lt3A_239 = arith.constant 128 : i32
      %lt3A_240 = arith.cmpi slt, %add3A_238, %lt3A_239 : i32
      %convert_element_type3A_241 = arith.extui %lt3A_240 : i1 to i32
      %cond3A_242 = arith.constant 0 : i32
      %cond3A_243 = arith.cmpi ne, %convert_element_type3A_241, %cond3A_242 : i32
      scf.if %cond3A_243 {
        %dma_start3A_278 = arith.constant 0 : i32
        %dma_start3A_279 = tpu.memref_slice %arg7[%add3A_238, %dma_start3A_278] : memref<128x256xi32, #tpu.memory_space<vmem>> -> memref<1x256xi32, #tpu.memory_space<vmem>>
        %dma_start3A_280 = tpu.memref_squeeze %dma_start3A_279 : memref<1x256xi32, #tpu.memory_space<vmem>> -> memref<256xi32, #tpu.memory_space<vmem>>
        %dma_start3A_281 = arith.constant 0 : i32
        %dma_start3A_282 = arith.constant 0 : i32
        %dma_start3A_283 = tpu.memref_slice %arg2[%add3A_1, %dma_start3A_281, %dma_start3A_282] : memref<4x32768x16xf32, #tpu.memory_space<hbm>> -> memref<1x32768x16xf32, #tpu.memory_space<hbm>>
        %dma_start3A_284 = tpu.memref_squeeze %dma_start3A_283 : memref<1x32768x16xf32, #tpu.memory_space<hbm>> -> memref<32768x16xf32, #tpu.memory_space<hbm>>
        %dma_start3A_285 = arith.constant 0 : i32
        %dma_start3A_286 = arith.constant 0 : i32
        %dma_start3A_287 = tpu.memref_slice %dma_start3A_284[%dma_start3A_285, %dma_start3A_286] : memref<32768x16xf32, #tpu.memory_space<hbm>> -> memref<32768x16xf32, #tpu.memory_space<hbm>>
        tpu.enqueue_indirect_dma source(%dma_start3A_287 : memref<32768x16xf32, #tpu.memory_space<hbm>>) target(%arg10 : memref<256x16xf32, #tpu.memory_space<vmem>>) offsets(%dma_start3A_280 : memref<256xi32, #tpu.memory_space<vmem>>) semaphore(%arg15 : memref<!tpu.dma_semaphore, #tpu.memory_space<semaphore_mem>>)
      } else {
      }
      %add3A_244 = arith.constant 2 : i32
      %add3A_245 = arith.addi %mul3A_133, %add3A_244 : i32
      %dma_wait3A_246 = arith.constant 0 : i32
      %dma_wait3A_247 = tpu.memref_slice %arg8[%add3A_245, %dma_wait3A_246] : memref<128x256xi32, #tpu.memory_space<vmem>> -> memref<1x256xi32, #tpu.memory_space<vmem>>
      %dma_wait3A_248 = tpu.memref_squeeze %dma_wait3A_247 : memref<1x256xi32, #tpu.memory_space<vmem>> -> memref<256xi32, #tpu.memory_space<vmem>>
      %dma_wait3A_249 = arith.constant 0 : i32
      %dma_wait3A_250 = arith.constant 0 : i32
      %dma_wait3A_251 = tpu.memref_slice %arg13[%dma_wait3A_249, %dma_wait3A_250] : memref<32768x16xf32, #tpu.memory_space<vmem_shared>> -> memref<32768x16xf32, #tpu.memory_space<vmem_shared>>
      tpu.wait_indirect_dma semaphore(%arg20 : memref<!tpu.dma_semaphore, #tpu.memory_space<semaphore_mem>>) src(%arg11 : memref<256x16xf32, #tpu.memory_space<vmem>>) dst(%dma_wait3A_251 : memref<32768x16xf32, #tpu.memory_space<vmem_shared>>)
      %add3A_252 = arith.constant 4 : i32
      %add3A_253 = arith.addi %mul3A_133, %add3A_252 : i32
      %add3A_254 = arith.constant 2 : i32
      %add3A_255 = arith.addi %add3A_253, %add3A_254 : i32
      %lt3A_256 = arith.constant 128 : i32
      %lt3A_257 = arith.cmpi slt, %add3A_255, %lt3A_256 : i32
      %convert_element_type3A_258 = arith.extui %lt3A_257 : i1 to i32
      %cond3A_259 = arith.constant 0 : i32
      %cond3A_260 = arith.cmpi ne, %convert_element_type3A_258, %cond3A_259 : i32
      scf.if %cond3A_260 {
        %dma_start3A_278 = arith.constant 0 : i32
        %dma_start3A_279 = tpu.memref_slice %arg7[%add3A_255, %dma_start3A_278] : memref<128x256xi32, #tpu.memory_space<vmem>> -> memref<1x256xi32, #tpu.memory_space<vmem>>
        %dma_start3A_280 = tpu.memref_squeeze %dma_start3A_279 : memref<1x256xi32, #tpu.memory_space<vmem>> -> memref<256xi32, #tpu.memory_space<vmem>>
        %dma_start3A_281 = arith.constant 0 : i32
        %dma_start3A_282 = arith.constant 0 : i32
        %dma_start3A_283 = tpu.memref_slice %arg2[%add3A_1, %dma_start3A_281, %dma_start3A_282] : memref<4x32768x16xf32, #tpu.memory_space<hbm>> -> memref<1x32768x16xf32, #tpu.memory_space<hbm>>
        %dma_start3A_284 = tpu.memref_squeeze %dma_start3A_283 : memref<1x32768x16xf32, #tpu.memory_space<hbm>> -> memref<32768x16xf32, #tpu.memory_space<hbm>>
        %dma_start3A_285 = arith.constant 0 : i32
        %dma_start3A_286 = arith.constant 0 : i32
        %dma_start3A_287 = tpu.memref_slice %dma_start3A_284[%dma_start3A_285, %dma_start3A_286] : memref<32768x16xf32, #tpu.memory_space<hbm>> -> memref<32768x16xf32, #tpu.memory_space<hbm>>
        tpu.enqueue_indirect_dma source(%dma_start3A_287 : memref<32768x16xf32, #tpu.memory_space<hbm>>) target(%arg11 : memref<256x16xf32, #tpu.memory_space<vmem>>) offsets(%dma_start3A_280 : memref<256xi32, #tpu.memory_space<vmem>>) semaphore(%arg16 : memref<!tpu.dma_semaphore, #tpu.memory_space<semaphore_mem>>)
      } else {
      }
      %add3A_261 = arith.constant 3 : i32
      %add3A_262 = arith.addi %mul3A_133, %add3A_261 : i32
      %dma_wait3A_263 = arith.constant 0 : i32
      %dma_wait3A_264 = tpu.memref_slice %arg8[%add3A_262, %dma_wait3A_263] : memref<128x256xi32, #tpu.memory_space<vmem>> -> memref<1x256xi32, #tpu.memory_space<vmem>>
      %dma_wait3A_265 = tpu.memref_squeeze %dma_wait3A_264 : memref<1x256xi32, #tpu.memory_space<vmem>> -> memref<256xi32, #tpu.memory_space<vmem>>
      %dma_wait3A_266 = arith.constant 0 : i32
      %dma_wait3A_267 = arith.constant 0 : i32
      %dma_wait3A_268 = tpu.memref_slice %arg13[%dma_wait3A_266, %dma_wait3A_267] : memref<32768x16xf32, #tpu.memory_space<vmem_shared>> -> memref<32768x16xf32, #tpu.memory_space<vmem_shared>>
      tpu.wait_indirect_dma semaphore(%arg21 : memref<!tpu.dma_semaphore, #tpu.memory_space<semaphore_mem>>) src(%arg12 : memref<256x16xf32, #tpu.memory_space<vmem>>) dst(%dma_wait3A_268 : memref<32768x16xf32, #tpu.memory_space<vmem_shared>>)
      %add3A_269 = arith.constant 4 : i32
      %add3A_270 = arith.addi %mul3A_133, %add3A_269 : i32
      %add3A_271 = arith.constant 3 : i32
      %add3A_272 = arith.addi %add3A_270, %add3A_271 : i32
      %lt3A_273 = arith.constant 128 : i32
      %lt3A_274 = arith.cmpi slt, %add3A_272, %lt3A_273 : i32
      %convert_element_type3A_275 = arith.extui %lt3A_274 : i1 to i32
      %cond3A_276 = arith.constant 0 : i32
      %cond3A_277 = arith.cmpi ne, %convert_element_type3A_275, %cond3A_276 : i32
      scf.if %cond3A_277 {
        %dma_start3A_278 = arith.constant 0 : i32
        %dma_start3A_279 = tpu.memref_slice %arg7[%add3A_272, %dma_start3A_278] : memref<128x256xi32, #tpu.memory_space<vmem>> -> memref<1x256xi32, #tpu.memory_space<vmem>>
        %dma_start3A_280 = tpu.memref_squeeze %dma_start3A_279 : memref<1x256xi32, #tpu.memory_space<vmem>> -> memref<256xi32, #tpu.memory_space<vmem>>
        %dma_start3A_281 = arith.constant 0 : i32
        %dma_start3A_282 = arith.constant 0 : i32
        %dma_start3A_283 = tpu.memref_slice %arg2[%add3A_1, %dma_start3A_281, %dma_start3A_282] : memref<4x32768x16xf32, #tpu.memory_space<hbm>> -> memref<1x32768x16xf32, #tpu.memory_space<hbm>>
        %dma_start3A_284 = tpu.memref_squeeze %dma_start3A_283 : memref<1x32768x16xf32, #tpu.memory_space<hbm>> -> memref<32768x16xf32, #tpu.memory_space<hbm>>
        %dma_start3A_285 = arith.constant 0 : i32
        %dma_start3A_286 = arith.constant 0 : i32
        %dma_start3A_287 = tpu.memref_slice %dma_start3A_284[%dma_start3A_285, %dma_start3A_286] : memref<32768x16xf32, #tpu.memory_space<hbm>> -> memref<32768x16xf32, #tpu.memory_space<hbm>>
        tpu.enqueue_indirect_dma source(%dma_start3A_287 : memref<32768x16xf32, #tpu.memory_space<hbm>>) target(%arg12 : memref<256x16xf32, #tpu.memory_space<vmem>>) offsets(%dma_start3A_280 : memref<256xi32, #tpu.memory_space<vmem>>) semaphore(%arg17 : memref<!tpu.dma_semaphore, #tpu.memory_space<semaphore_mem>>)
      } else {
      }
    }
    %scan3A_52 = arith.constant 32 : i32
    %barrier3A_53 = arith.constant 0 : index
    tpu.barrier barrier_id(%barrier3A_53)
    %mul3A_54 = arith.constant 2048 : i32
    %mul3A_55 = arith.muli %arg1, %mul3A_54 : i32
    %mul3A_56 = arith.constant 2048 : i32
    %mul3A_57 = arith.muli %arg1, %mul3A_56 : i32
    %mul3A_58 = arith.constant 16 : i32
    %mul3A_59 = arith.muli %add3A_1, %mul3A_58 : i32
    "tpu.region"() ({
      %run_scoped3A = tpu.sem_alloc : memref<!tpu.dma_semaphore, #tpu.memory_space<semaphore_mem>>
      %dma_start3A_127 = tpu.memref_slice %arg6[%mul3A_57, %mul3A_59] : memref<32768x64xf32, #tpu.memory_space<hbm>> -> memref<2048x16xf32, #tpu.memory_space<hbm>>
      %dma_start3A_128 = arith.constant 0 : i32
      %dma_start3A_129 = tpu.memref_slice %arg13[%mul3A_55, %dma_start3A_128] : memref<32768x16xf32, #tpu.memory_space<vmem_shared>> -> memref<2048x16xf32, #tpu.memory_space<vmem_shared>>
      tpu.enqueue_dma source(%dma_start3A_129 : memref<2048x16xf32, #tpu.memory_space<vmem_shared>>) target(%dma_start3A_127 : memref<2048x16xf32, #tpu.memory_space<hbm>>) target_semaphore(%run_scoped3A : memref<!tpu.dma_semaphore, #tpu.memory_space<semaphore_mem>>)
      %dma_wait3A = tpu.memref_slice %arg6[%mul3A_57, %mul3A_59] : memref<32768x64xf32, #tpu.memory_space<hbm>> -> memref<2048x16xf32, #tpu.memory_space<hbm>>
      %dma_wait3A_130 = arith.constant 0 : i32
      %dma_wait3A_131 = tpu.memref_slice %arg13[%mul3A_55, %dma_wait3A_130] : memref<32768x16xf32, #tpu.memory_space<vmem_shared>> -> memref<2048x16xf32, #tpu.memory_space<vmem_shared>>
      tpu.wait_dma2 semaphore(%run_scoped3A : memref<!tpu.dma_semaphore, #tpu.memory_space<semaphore_mem>>) src(%dma_wait3A_131 : memref<2048x16xf32, #tpu.memory_space<vmem_shared>>) dst(%dma_wait3A : memref<2048x16xf32, #tpu.memory_space<hbm>>)
      tpu.yield
    }) : () -> ()
    %barrier3A_60 = arith.constant 0 : index
    tpu.barrier barrier_id(%barrier3A_60)
    %mul3A_61 = arith.constant 2 : i32
    %mul3A_62 = arith.muli %arg0, %mul3A_61 : i32
    %add3A_63 = arith.constant 1 : i32
    %add3A_64 = arith.addi %mul3A_62, %add3A_63 : i32
    %mul3A_65 = arith.constant 2048 : i32
    %mul3A_66 = arith.muli %arg1, %mul3A_65 : i32
    %mul3A_67 = arith.constant 2048 : i32
    %mul3A_68 = arith.muli %arg1, %mul3A_67 : i32
    "tpu.region"() ({
      %run_scoped3A = tpu.sem_alloc : memref<!tpu.dma_semaphore, #tpu.memory_space<semaphore_mem>>
      %dma_start3A_127 = arith.constant 0 : i32
      %dma_start3A_128 = tpu.memref_slice %arg13[%mul3A_68, %dma_start3A_127] : memref<32768x16xf32, #tpu.memory_space<vmem_shared>> -> memref<2048x16xf32, #tpu.memory_space<vmem_shared>>
      %dma_start3A_129 = arith.constant 0 : i32
      %dma_start3A_130 = tpu.memref_slice %arg5[%mul3A_66, %dma_start3A_129] : memref<32768x16xf32, #tpu.memory_space<hbm>> -> memref<2048x16xf32, #tpu.memory_space<hbm>>
      tpu.enqueue_dma source(%dma_start3A_130 : memref<2048x16xf32, #tpu.memory_space<hbm>>) target(%dma_start3A_128 : memref<2048x16xf32, #tpu.memory_space<vmem_shared>>) target_semaphore(%run_scoped3A : memref<!tpu.dma_semaphore, #tpu.memory_space<semaphore_mem>>)
      %dma_wait3A = arith.constant 0 : i32
      %dma_wait3A_131 = tpu.memref_slice %arg13[%mul3A_68, %dma_wait3A] : memref<32768x16xf32, #tpu.memory_space<vmem_shared>> -> memref<2048x16xf32, #tpu.memory_space<vmem_shared>>
      %dma_wait3A_132 = arith.constant 0 : i32
      %dma_wait3A_133 = tpu.memref_slice %arg5[%mul3A_66, %dma_wait3A_132] : memref<32768x16xf32, #tpu.memory_space<hbm>> -> memref<2048x16xf32, #tpu.memory_space<hbm>>
      tpu.wait_dma2 semaphore(%run_scoped3A : memref<!tpu.dma_semaphore, #tpu.memory_space<semaphore_mem>>) src(%dma_wait3A_133 : memref<2048x16xf32, #tpu.memory_space<hbm>>) dst(%dma_wait3A_131 : memref<2048x16xf32, #tpu.memory_space<vmem_shared>>)
      tpu.yield
    }) : () -> ()
    %barrier3A_69 = arith.constant 0 : index
    tpu.barrier barrier_id(%barrier3A_69)
    %dma_start3A_70 = arith.constant 0 : i32
    %dma_start3A_71 = arith.constant 0 : i32
    %dma_start3A_72 = tpu.memref_slice %arg7[%dma_start3A_70, %dma_start3A_71] : memref<128x256xi32, #tpu.memory_space<vmem>> -> memref<1x256xi32, #tpu.memory_space<vmem>>
    %dma_start3A_73 = tpu.memref_squeeze %dma_start3A_72 : memref<1x256xi32, #tpu.memory_space<vmem>> -> memref<256xi32, #tpu.memory_space<vmem>>
    %dma_start3A_74 = arith.constant 0 : i32
    %dma_start3A_75 = arith.constant 0 : i32
    %dma_start3A_76 = tpu.memref_slice %arg2[%add3A_64, %dma_start3A_74, %dma_start3A_75] : memref<4x32768x16xf32, #tpu.memory_space<hbm>> -> memref<1x32768x16xf32, #tpu.memory_space<hbm>>
    %dma_start3A_77 = tpu.memref_squeeze %dma_start3A_76 : memref<1x32768x16xf32, #tpu.memory_space<hbm>> -> memref<32768x16xf32, #tpu.memory_space<hbm>>
    %dma_start3A_78 = arith.constant 0 : i32
    %dma_start3A_79 = arith.constant 0 : i32
    %dma_start3A_80 = tpu.memref_slice %dma_start3A_77[%dma_start3A_78, %dma_start3A_79] : memref<32768x16xf32, #tpu.memory_space<hbm>> -> memref<32768x16xf32, #tpu.memory_space<hbm>>
    tpu.enqueue_indirect_dma source(%dma_start3A_80 : memref<32768x16xf32, #tpu.memory_space<hbm>>) target(%arg9 : memref<256x16xf32, #tpu.memory_space<vmem>>) offsets(%dma_start3A_73 : memref<256xi32, #tpu.memory_space<vmem>>) semaphore(%arg14 : memref<!tpu.dma_semaphore, #tpu.memory_space<semaphore_mem>>)
    %dma_start3A_81 = arith.constant 1 : i32
    %dma_start3A_82 = arith.constant 0 : i32
    %dma_start3A_83 = tpu.memref_slice %arg7[%dma_start3A_81, %dma_start3A_82] : memref<128x256xi32, #tpu.memory_space<vmem>> -> memref<1x256xi32, #tpu.memory_space<vmem>>
    %dma_start3A_84 = tpu.memref_squeeze %dma_start3A_83 : memref<1x256xi32, #tpu.memory_space<vmem>> -> memref<256xi32, #tpu.memory_space<vmem>>
    %dma_start3A_85 = arith.constant 0 : i32
    %dma_start3A_86 = arith.constant 0 : i32
    %dma_start3A_87 = tpu.memref_slice %arg2[%add3A_64, %dma_start3A_85, %dma_start3A_86] : memref<4x32768x16xf32, #tpu.memory_space<hbm>> -> memref<1x32768x16xf32, #tpu.memory_space<hbm>>
    %dma_start3A_88 = tpu.memref_squeeze %dma_start3A_87 : memref<1x32768x16xf32, #tpu.memory_space<hbm>> -> memref<32768x16xf32, #tpu.memory_space<hbm>>
    %dma_start3A_89 = arith.constant 0 : i32
    %dma_start3A_90 = arith.constant 0 : i32
    %dma_start3A_91 = tpu.memref_slice %dma_start3A_88[%dma_start3A_89, %dma_start3A_90] : memref<32768x16xf32, #tpu.memory_space<hbm>> -> memref<32768x16xf32, #tpu.memory_space<hbm>>
    tpu.enqueue_indirect_dma source(%dma_start3A_91 : memref<32768x16xf32, #tpu.memory_space<hbm>>) target(%arg10 : memref<256x16xf32, #tpu.memory_space<vmem>>) offsets(%dma_start3A_84 : memref<256xi32, #tpu.memory_space<vmem>>) semaphore(%arg15 : memref<!tpu.dma_semaphore, #tpu.memory_space<semaphore_mem>>)
    %dma_start3A_92 = arith.constant 2 : i32
    %dma_start3A_93 = arith.constant 0 : i32
    %dma_start3A_94 = tpu.memref_slice %arg7[%dma_start3A_92, %dma_start3A_93] : memref<128x256xi32, #tpu.memory_space<vmem>> -> memref<1x256xi32, #tpu.memory_space<vmem>>
    %dma_start3A_95 = tpu.memref_squeeze %dma_start3A_94 : memref<1x256xi32, #tpu.memory_space<vmem>> -> memref<256xi32, #tpu.memory_space<vmem>>
    %dma_start3A_96 = arith.constant 0 : i32
    %dma_start3A_97 = arith.constant 0 : i32
    %dma_start3A_98 = tpu.memref_slice %arg2[%add3A_64, %dma_start3A_96, %dma_start3A_97] : memref<4x32768x16xf32, #tpu.memory_space<hbm>> -> memref<1x32768x16xf32, #tpu.memory_space<hbm>>
    %dma_start3A_99 = tpu.memref_squeeze %dma_start3A_98 : memref<1x32768x16xf32, #tpu.memory_space<hbm>> -> memref<32768x16xf32, #tpu.memory_space<hbm>>
    %dma_start3A_100 = arith.constant 0 : i32
    %dma_start3A_101 = arith.constant 0 : i32
    %dma_start3A_102 = tpu.memref_slice %dma_start3A_99[%dma_start3A_100, %dma_start3A_101] : memref<32768x16xf32, #tpu.memory_space<hbm>> -> memref<32768x16xf32, #tpu.memory_space<hbm>>
    tpu.enqueue_indirect_dma source(%dma_start3A_102 : memref<32768x16xf32, #tpu.memory_space<hbm>>) target(%arg11 : memref<256x16xf32, #tpu.memory_space<vmem>>) offsets(%dma_start3A_95 : memref<256xi32, #tpu.memory_space<vmem>>) semaphore(%arg16 : memref<!tpu.dma_semaphore, #tpu.memory_space<semaphore_mem>>)
    %dma_start3A_103 = arith.constant 3 : i32
    %dma_start3A_104 = arith.constant 0 : i32
    %dma_start3A_105 = tpu.memref_slice %arg7[%dma_start3A_103, %dma_start3A_104] : memref<128x256xi32, #tpu.memory_space<vmem>> -> memref<1x256xi32, #tpu.memory_space<vmem>>
    %dma_start3A_106 = tpu.memref_squeeze %dma_start3A_105 : memref<1x256xi32, #tpu.memory_space<vmem>> -> memref<256xi32, #tpu.memory_space<vmem>>
    %dma_start3A_107 = arith.constant 0 : i32
    %dma_start3A_108 = arith.constant 0 : i32
    %dma_start3A_109 = tpu.memref_slice %arg2[%add3A_64, %dma_start3A_107, %dma_start3A_108] : memref<4x32768x16xf32, #tpu.memory_space<hbm>> -> memref<1x32768x16xf32, #tpu.memory_space<hbm>>
    %dma_start3A_110 = tpu.memref_squeeze %dma_start3A_109 : memref<1x32768x16xf32, #tpu.memory_space<hbm>> -> memref<32768x16xf32, #tpu.memory_space<hbm>>
    %dma_start3A_111 = arith.constant 0 : i32
    %dma_start3A_112 = arith.constant 0 : i32
    %dma_start3A_113 = tpu.memref_slice %dma_start3A_110[%dma_start3A_111, %dma_start3A_112] : memref<32768x16xf32, #tpu.memory_space<hbm>> -> memref<32768x16xf32, #tpu.memory_space<hbm>>
    tpu.enqueue_indirect_dma source(%dma_start3A_113 : memref<32768x16xf32, #tpu.memory_space<hbm>>) target(%arg12 : memref<256x16xf32, #tpu.memory_space<vmem>>) offsets(%dma_start3A_106 : memref<256xi32, #tpu.memory_space<vmem>>) semaphore(%arg17 : memref<!tpu.dma_semaphore, #tpu.memory_space<semaphore_mem>>)
    %scan3A_114 = arith.constant 0 : i32
    %scan3A_115 = arith.constant 32 : i32
    %scan3A_116 = arith.addi %scan3A_114, %scan3A_115 : i32
    %scan3A_117 = arith.constant 1 : i32
    scf.for %scan3A_127 = %scan3A_114 to %scan3A_116 step %scan3A_117  : i32 {
      %mul3A_128 = arith.constant 1 : i32
      %mul3A_129 = arith.muli %scan3A_127, %mul3A_128 : i32
      %add3A_130 = arith.constant 0 : i32
      %add3A_131 = arith.addi %add3A_130, %mul3A_129 : i32
      %mul3A_132 = arith.constant 4 : i32
      %mul3A_133 = arith.muli %add3A_131, %mul3A_132 : i32
      %add3A_134 = arith.constant 0 : i32
      %add3A_135 = arith.addi %mul3A_133, %add3A_134 : i32
      %dma_wait3A = arith.constant 0 : i32
      %dma_wait3A_136 = tpu.memref_slice %arg7[%add3A_135, %dma_wait3A] : memref<128x256xi32, #tpu.memory_space<vmem>> -> memref<1x256xi32, #tpu.memory_space<vmem>>
      %dma_wait3A_137 = tpu.memref_squeeze %dma_wait3A_136 : memref<1x256xi32, #tpu.memory_space<vmem>> -> memref<256xi32, #tpu.memory_space<vmem>>
      %dma_wait3A_138 = arith.constant 0 : i32
      %dma_wait3A_139 = arith.constant 0 : i32
      %dma_wait3A_140 = tpu.memref_slice %arg2[%add3A_64, %dma_wait3A_138, %dma_wait3A_139] : memref<4x32768x16xf32, #tpu.memory_space<hbm>> -> memref<1x32768x16xf32, #tpu.memory_space<hbm>>
      %dma_wait3A_141 = tpu.memref_squeeze %dma_wait3A_140 : memref<1x32768x16xf32, #tpu.memory_space<hbm>> -> memref<32768x16xf32, #tpu.memory_space<hbm>>
      %dma_wait3A_142 = arith.constant 0 : i32
      %dma_wait3A_143 = arith.constant 0 : i32
      %dma_wait3A_144 = tpu.memref_slice %dma_wait3A_141[%dma_wait3A_142, %dma_wait3A_143] : memref<32768x16xf32, #tpu.memory_space<hbm>> -> memref<32768x16xf32, #tpu.memory_space<hbm>>
      tpu.wait_indirect_dma semaphore(%arg14 : memref<!tpu.dma_semaphore, #tpu.memory_space<semaphore_mem>>) src(%dma_wait3A_144 : memref<32768x16xf32, #tpu.memory_space<hbm>>) dst(%arg9 : memref<256x16xf32, #tpu.memory_space<vmem>>)
      %add3A_145 = arith.constant 0 : i32
      %add3A_146 = arith.addi %mul3A_133, %add3A_145 : i32
      %dma_start3A_147 = arith.constant 0 : i32
      %dma_start3A_148 = tpu.memref_slice %arg8[%add3A_146, %dma_start3A_147] : memref<128x256xi32, #tpu.memory_space<vmem>> -> memref<1x256xi32, #tpu.memory_space<vmem>>
      %dma_start3A_149 = tpu.memref_squeeze %dma_start3A_148 : memref<1x256xi32, #tpu.memory_space<vmem>> -> memref<256xi32, #tpu.memory_space<vmem>>
      %dma_start3A_150 = arith.constant 0 : i32
      %dma_start3A_151 = arith.constant 0 : i32
      %dma_start3A_152 = tpu.memref_slice %arg13[%dma_start3A_150, %dma_start3A_151] : memref<32768x16xf32, #tpu.memory_space<vmem_shared>> -> memref<32768x16xf32, #tpu.memory_space<vmem_shared>>
      tpu.enqueue_indirect_dma source(%arg9 : memref<256x16xf32, #tpu.memory_space<vmem>>) target(%dma_start3A_152 : memref<32768x16xf32, #tpu.memory_space<vmem_shared>>) offsets(%dma_start3A_149 : memref<256xi32, #tpu.memory_space<vmem>>) semaphore(%arg18 : memref<!tpu.dma_semaphore, #tpu.memory_space<semaphore_mem>>) {add = true}
      %add3A_153 = arith.constant 1 : i32
      %add3A_154 = arith.addi %mul3A_133, %add3A_153 : i32
      %dma_wait3A_155 = arith.constant 0 : i32
      %dma_wait3A_156 = tpu.memref_slice %arg7[%add3A_154, %dma_wait3A_155] : memref<128x256xi32, #tpu.memory_space<vmem>> -> memref<1x256xi32, #tpu.memory_space<vmem>>
      %dma_wait3A_157 = tpu.memref_squeeze %dma_wait3A_156 : memref<1x256xi32, #tpu.memory_space<vmem>> -> memref<256xi32, #tpu.memory_space<vmem>>
      %dma_wait3A_158 = arith.constant 0 : i32
      %dma_wait3A_159 = arith.constant 0 : i32
      %dma_wait3A_160 = tpu.memref_slice %arg2[%add3A_64, %dma_wait3A_158, %dma_wait3A_159] : memref<4x32768x16xf32, #tpu.memory_space<hbm>> -> memref<1x32768x16xf32, #tpu.memory_space<hbm>>
      %dma_wait3A_161 = tpu.memref_squeeze %dma_wait3A_160 : memref<1x32768x16xf32, #tpu.memory_space<hbm>> -> memref<32768x16xf32, #tpu.memory_space<hbm>>
      %dma_wait3A_162 = arith.constant 0 : i32
      %dma_wait3A_163 = arith.constant 0 : i32
      %dma_wait3A_164 = tpu.memref_slice %dma_wait3A_161[%dma_wait3A_162, %dma_wait3A_163] : memref<32768x16xf32, #tpu.memory_space<hbm>> -> memref<32768x16xf32, #tpu.memory_space<hbm>>
      tpu.wait_indirect_dma semaphore(%arg15 : memref<!tpu.dma_semaphore, #tpu.memory_space<semaphore_mem>>) src(%dma_wait3A_164 : memref<32768x16xf32, #tpu.memory_space<hbm>>) dst(%arg10 : memref<256x16xf32, #tpu.memory_space<vmem>>)
      %add3A_165 = arith.constant 1 : i32
      %add3A_166 = arith.addi %mul3A_133, %add3A_165 : i32
      %dma_start3A_167 = arith.constant 0 : i32
      %dma_start3A_168 = tpu.memref_slice %arg8[%add3A_166, %dma_start3A_167] : memref<128x256xi32, #tpu.memory_space<vmem>> -> memref<1x256xi32, #tpu.memory_space<vmem>>
      %dma_start3A_169 = tpu.memref_squeeze %dma_start3A_168 : memref<1x256xi32, #tpu.memory_space<vmem>> -> memref<256xi32, #tpu.memory_space<vmem>>
      %dma_start3A_170 = arith.constant 0 : i32
      %dma_start3A_171 = arith.constant 0 : i32
      %dma_start3A_172 = tpu.memref_slice %arg13[%dma_start3A_170, %dma_start3A_171] : memref<32768x16xf32, #tpu.memory_space<vmem_shared>> -> memref<32768x16xf32, #tpu.memory_space<vmem_shared>>
      tpu.enqueue_indirect_dma source(%arg10 : memref<256x16xf32, #tpu.memory_space<vmem>>) target(%dma_start3A_172 : memref<32768x16xf32, #tpu.memory_space<vmem_shared>>) offsets(%dma_start3A_169 : memref<256xi32, #tpu.memory_space<vmem>>) semaphore(%arg19 : memref<!tpu.dma_semaphore, #tpu.memory_space<semaphore_mem>>) {add = true}
      %add3A_173 = arith.constant 2 : i32
      %add3A_174 = arith.addi %mul3A_133, %add3A_173 : i32
      %dma_wait3A_175 = arith.constant 0 : i32
      %dma_wait3A_176 = tpu.memref_slice %arg7[%add3A_174, %dma_wait3A_175] : memref<128x256xi32, #tpu.memory_space<vmem>> -> memref<1x256xi32, #tpu.memory_space<vmem>>
      %dma_wait3A_177 = tpu.memref_squeeze %dma_wait3A_176 : memref<1x256xi32, #tpu.memory_space<vmem>> -> memref<256xi32, #tpu.memory_space<vmem>>
      %dma_wait3A_178 = arith.constant 0 : i32
      %dma_wait3A_179 = arith.constant 0 : i32
      %dma_wait3A_180 = tpu.memref_slice %arg2[%add3A_64, %dma_wait3A_178, %dma_wait3A_179] : memref<4x32768x16xf32, #tpu.memory_space<hbm>> -> memref<1x32768x16xf32, #tpu.memory_space<hbm>>
      %dma_wait3A_181 = tpu.memref_squeeze %dma_wait3A_180 : memref<1x32768x16xf32, #tpu.memory_space<hbm>> -> memref<32768x16xf32, #tpu.memory_space<hbm>>
      %dma_wait3A_182 = arith.constant 0 : i32
      %dma_wait3A_183 = arith.constant 0 : i32
      %dma_wait3A_184 = tpu.memref_slice %dma_wait3A_181[%dma_wait3A_182, %dma_wait3A_183] : memref<32768x16xf32, #tpu.memory_space<hbm>> -> memref<32768x16xf32, #tpu.memory_space<hbm>>
      tpu.wait_indirect_dma semaphore(%arg16 : memref<!tpu.dma_semaphore, #tpu.memory_space<semaphore_mem>>) src(%dma_wait3A_184 : memref<32768x16xf32, #tpu.memory_space<hbm>>) dst(%arg11 : memref<256x16xf32, #tpu.memory_space<vmem>>)
      %add3A_185 = arith.constant 2 : i32
      %add3A_186 = arith.addi %mul3A_133, %add3A_185 : i32
      %dma_start3A_187 = arith.constant 0 : i32
      %dma_start3A_188 = tpu.memref_slice %arg8[%add3A_186, %dma_start3A_187] : memref<128x256xi32, #tpu.memory_space<vmem>> -> memref<1x256xi32, #tpu.memory_space<vmem>>
      %dma_start3A_189 = tpu.memref_squeeze %dma_start3A_188 : memref<1x256xi32, #tpu.memory_space<vmem>> -> memref<256xi32, #tpu.memory_space<vmem>>
      %dma_start3A_190 = arith.constant 0 : i32
      %dma_start3A_191 = arith.constant 0 : i32
      %dma_start3A_192 = tpu.memref_slice %arg13[%dma_start3A_190, %dma_start3A_191] : memref<32768x16xf32, #tpu.memory_space<vmem_shared>> -> memref<32768x16xf32, #tpu.memory_space<vmem_shared>>
      tpu.enqueue_indirect_dma source(%arg11 : memref<256x16xf32, #tpu.memory_space<vmem>>) target(%dma_start3A_192 : memref<32768x16xf32, #tpu.memory_space<vmem_shared>>) offsets(%dma_start3A_189 : memref<256xi32, #tpu.memory_space<vmem>>) semaphore(%arg20 : memref<!tpu.dma_semaphore, #tpu.memory_space<semaphore_mem>>) {add = true}
      %add3A_193 = arith.constant 3 : i32
      %add3A_194 = arith.addi %mul3A_133, %add3A_193 : i32
      %dma_wait3A_195 = arith.constant 0 : i32
      %dma_wait3A_196 = tpu.memref_slice %arg7[%add3A_194, %dma_wait3A_195] : memref<128x256xi32, #tpu.memory_space<vmem>> -> memref<1x256xi32, #tpu.memory_space<vmem>>
      %dma_wait3A_197 = tpu.memref_squeeze %dma_wait3A_196 : memref<1x256xi32, #tpu.memory_space<vmem>> -> memref<256xi32, #tpu.memory_space<vmem>>
      %dma_wait3A_198 = arith.constant 0 : i32
      %dma_wait3A_199 = arith.constant 0 : i32
      %dma_wait3A_200 = tpu.memref_slice %arg2[%add3A_64, %dma_wait3A_198, %dma_wait3A_199] : memref<4x32768x16xf32, #tpu.memory_space<hbm>> -> memref<1x32768x16xf32, #tpu.memory_space<hbm>>
      %dma_wait3A_201 = tpu.memref_squeeze %dma_wait3A_200 : memref<1x32768x16xf32, #tpu.memory_space<hbm>> -> memref<32768x16xf32, #tpu.memory_space<hbm>>
      %dma_wait3A_202 = arith.constant 0 : i32
      %dma_wait3A_203 = arith.constant 0 : i32
      %dma_wait3A_204 = tpu.memref_slice %dma_wait3A_201[%dma_wait3A_202, %dma_wait3A_203] : memref<32768x16xf32, #tpu.memory_space<hbm>> -> memref<32768x16xf32, #tpu.memory_space<hbm>>
      tpu.wait_indirect_dma semaphore(%arg17 : memref<!tpu.dma_semaphore, #tpu.memory_space<semaphore_mem>>) src(%dma_wait3A_204 : memref<32768x16xf32, #tpu.memory_space<hbm>>) dst(%arg12 : memref<256x16xf32, #tpu.memory_space<vmem>>)
      %add3A_205 = arith.constant 3 : i32
      %add3A_206 = arith.addi %mul3A_133, %add3A_205 : i32
      %dma_start3A_207 = arith.constant 0 : i32
      %dma_start3A_208 = tpu.memref_slice %arg8[%add3A_206, %dma_start3A_207] : memref<128x256xi32, #tpu.memory_space<vmem>> -> memref<1x256xi32, #tpu.memory_space<vmem>>
      %dma_start3A_209 = tpu.memref_squeeze %dma_start3A_208 : memref<1x256xi32, #tpu.memory_space<vmem>> -> memref<256xi32, #tpu.memory_space<vmem>>
      %dma_start3A_210 = arith.constant 0 : i32
      %dma_start3A_211 = arith.constant 0 : i32
      %dma_start3A_212 = tpu.memref_slice %arg13[%dma_start3A_210, %dma_start3A_211] : memref<32768x16xf32, #tpu.memory_space<vmem_shared>> -> memref<32768x16xf32, #tpu.memory_space<vmem_shared>>
      tpu.enqueue_indirect_dma source(%arg12 : memref<256x16xf32, #tpu.memory_space<vmem>>) target(%dma_start3A_212 : memref<32768x16xf32, #tpu.memory_space<vmem_shared>>) offsets(%dma_start3A_209 : memref<256xi32, #tpu.memory_space<vmem>>) semaphore(%arg21 : memref<!tpu.dma_semaphore, #tpu.memory_space<semaphore_mem>>) {add = true}
      %add3A_213 = arith.constant 0 : i32
      %add3A_214 = arith.addi %mul3A_133, %add3A_213 : i32
      %dma_wait3A_215 = arith.constant 0 : i32
      %dma_wait3A_216 = tpu.memref_slice %arg8[%add3A_214, %dma_wait3A_215] : memref<128x256xi32, #tpu.memory_space<vmem>> -> memref<1x256xi32, #tpu.memory_space<vmem>>
      %dma_wait3A_217 = tpu.memref_squeeze %dma_wait3A_216 : memref<1x256xi32, #tpu.memory_space<vmem>> -> memref<256xi32, #tpu.memory_space<vmem>>
      %dma_wait3A_218 = arith.constant 0 : i32
      %dma_wait3A_219 = arith.constant 0 : i32
      %dma_wait3A_220 = tpu.memref_slice %arg13[%dma_wait3A_218, %dma_wait3A_219] : memref<32768x16xf32, #tpu.memory_space<vmem_shared>> -> memref<32768x16xf32, #tpu.memory_space<vmem_shared>>
      tpu.wait_indirect_dma semaphore(%arg18 : memref<!tpu.dma_semaphore, #tpu.memory_space<semaphore_mem>>) src(%arg9 : memref<256x16xf32, #tpu.memory_space<vmem>>) dst(%dma_wait3A_220 : memref<32768x16xf32, #tpu.memory_space<vmem_shared>>)
      %add3A_221 = arith.constant 4 : i32
      %add3A_222 = arith.addi %mul3A_133, %add3A_221 : i32
      %add3A_223 = arith.constant 0 : i32
      %add3A_224 = arith.addi %add3A_222, %add3A_223 : i32
      %lt3A = arith.constant 128 : i32
      %lt3A_225 = arith.cmpi slt, %add3A_224, %lt3A : i32
      %convert_element_type3A = arith.extui %lt3A_225 : i1 to i32
      %cond3A = arith.constant 0 : i32
      %cond3A_226 = arith.cmpi ne, %convert_element_type3A, %cond3A : i32
      scf.if %cond3A_226 {
        %dma_start3A_278 = arith.constant 0 : i32
        %dma_start3A_279 = tpu.memref_slice %arg7[%add3A_224, %dma_start3A_278] : memref<128x256xi32, #tpu.memory_space<vmem>> -> memref<1x256xi32, #tpu.memory_space<vmem>>
        %dma_start3A_280 = tpu.memref_squeeze %dma_start3A_279 : memref<1x256xi32, #tpu.memory_space<vmem>> -> memref<256xi32, #tpu.memory_space<vmem>>
        %dma_start3A_281 = arith.constant 0 : i32
        %dma_start3A_282 = arith.constant 0 : i32
        %dma_start3A_283 = tpu.memref_slice %arg2[%add3A_64, %dma_start3A_281, %dma_start3A_282] : memref<4x32768x16xf32, #tpu.memory_space<hbm>> -> memref<1x32768x16xf32, #tpu.memory_space<hbm>>
        %dma_start3A_284 = tpu.memref_squeeze %dma_start3A_283 : memref<1x32768x16xf32, #tpu.memory_space<hbm>> -> memref<32768x16xf32, #tpu.memory_space<hbm>>
        %dma_start3A_285 = arith.constant 0 : i32
        %dma_start3A_286 = arith.constant 0 : i32
        %dma_start3A_287 = tpu.memref_slice %dma_start3A_284[%dma_start3A_285, %dma_start3A_286] : memref<32768x16xf32, #tpu.memory_space<hbm>> -> memref<32768x16xf32, #tpu.memory_space<hbm>>
        tpu.enqueue_indirect_dma source(%dma_start3A_287 : memref<32768x16xf32, #tpu.memory_space<hbm>>) target(%arg9 : memref<256x16xf32, #tpu.memory_space<vmem>>) offsets(%dma_start3A_280 : memref<256xi32, #tpu.memory_space<vmem>>) semaphore(%arg14 : memref<!tpu.dma_semaphore, #tpu.memory_space<semaphore_mem>>)
      } else {
      }
      %add3A_227 = arith.constant 1 : i32
      %add3A_228 = arith.addi %mul3A_133, %add3A_227 : i32
      %dma_wait3A_229 = arith.constant 0 : i32
      %dma_wait3A_230 = tpu.memref_slice %arg8[%add3A_228, %dma_wait3A_229] : memref<128x256xi32, #tpu.memory_space<vmem>> -> memref<1x256xi32, #tpu.memory_space<vmem>>
      %dma_wait3A_231 = tpu.memref_squeeze %dma_wait3A_230 : memref<1x256xi32, #tpu.memory_space<vmem>> -> memref<256xi32, #tpu.memory_space<vmem>>
      %dma_wait3A_232 = arith.constant 0 : i32
      %dma_wait3A_233 = arith.constant 0 : i32
      %dma_wait3A_234 = tpu.memref_slice %arg13[%dma_wait3A_232, %dma_wait3A_233] : memref<32768x16xf32, #tpu.memory_space<vmem_shared>> -> memref<32768x16xf32, #tpu.memory_space<vmem_shared>>
      tpu.wait_indirect_dma semaphore(%arg19 : memref<!tpu.dma_semaphore, #tpu.memory_space<semaphore_mem>>) src(%arg10 : memref<256x16xf32, #tpu.memory_space<vmem>>) dst(%dma_wait3A_234 : memref<32768x16xf32, #tpu.memory_space<vmem_shared>>)
      %add3A_235 = arith.constant 4 : i32
      %add3A_236 = arith.addi %mul3A_133, %add3A_235 : i32
      %add3A_237 = arith.constant 1 : i32
      %add3A_238 = arith.addi %add3A_236, %add3A_237 : i32
      %lt3A_239 = arith.constant 128 : i32
      %lt3A_240 = arith.cmpi slt, %add3A_238, %lt3A_239 : i32
      %convert_element_type3A_241 = arith.extui %lt3A_240 : i1 to i32
      %cond3A_242 = arith.constant 0 : i32
      %cond3A_243 = arith.cmpi ne, %convert_element_type3A_241, %cond3A_242 : i32
      scf.if %cond3A_243 {
        %dma_start3A_278 = arith.constant 0 : i32
        %dma_start3A_279 = tpu.memref_slice %arg7[%add3A_238, %dma_start3A_278] : memref<128x256xi32, #tpu.memory_space<vmem>> -> memref<1x256xi32, #tpu.memory_space<vmem>>
        %dma_start3A_280 = tpu.memref_squeeze %dma_start3A_279 : memref<1x256xi32, #tpu.memory_space<vmem>> -> memref<256xi32, #tpu.memory_space<vmem>>
        %dma_start3A_281 = arith.constant 0 : i32
        %dma_start3A_282 = arith.constant 0 : i32
        %dma_start3A_283 = tpu.memref_slice %arg2[%add3A_64, %dma_start3A_281, %dma_start3A_282] : memref<4x32768x16xf32, #tpu.memory_space<hbm>> -> memref<1x32768x16xf32, #tpu.memory_space<hbm>>
        %dma_start3A_284 = tpu.memref_squeeze %dma_start3A_283 : memref<1x32768x16xf32, #tpu.memory_space<hbm>> -> memref<32768x16xf32, #tpu.memory_space<hbm>>
        %dma_start3A_285 = arith.constant 0 : i32
        %dma_start3A_286 = arith.constant 0 : i32
        %dma_start3A_287 = tpu.memref_slice %dma_start3A_284[%dma_start3A_285, %dma_start3A_286] : memref<32768x16xf32, #tpu.memory_space<hbm>> -> memref<32768x16xf32, #tpu.memory_space<hbm>>
        tpu.enqueue_indirect_dma source(%dma_start3A_287 : memref<32768x16xf32, #tpu.memory_space<hbm>>) target(%arg10 : memref<256x16xf32, #tpu.memory_space<vmem>>) offsets(%dma_start3A_280 : memref<256xi32, #tpu.memory_space<vmem>>) semaphore(%arg15 : memref<!tpu.dma_semaphore, #tpu.memory_space<semaphore_mem>>)
      } else {
      }
      %add3A_244 = arith.constant 2 : i32
      %add3A_245 = arith.addi %mul3A_133, %add3A_244 : i32
      %dma_wait3A_246 = arith.constant 0 : i32
      %dma_wait3A_247 = tpu.memref_slice %arg8[%add3A_245, %dma_wait3A_246] : memref<128x256xi32, #tpu.memory_space<vmem>> -> memref<1x256xi32, #tpu.memory_space<vmem>>
      %dma_wait3A_248 = tpu.memref_squeeze %dma_wait3A_247 : memref<1x256xi32, #tpu.memory_space<vmem>> -> memref<256xi32, #tpu.memory_space<vmem>>
      %dma_wait3A_249 = arith.constant 0 : i32
      %dma_wait3A_250 = arith.constant 0 : i32
      %dma_wait3A_251 = tpu.memref_slice %arg13[%dma_wait3A_249, %dma_wait3A_250] : memref<32768x16xf32, #tpu.memory_space<vmem_shared>> -> memref<32768x16xf32, #tpu.memory_space<vmem_shared>>
      tpu.wait_indirect_dma semaphore(%arg20 : memref<!tpu.dma_semaphore, #tpu.memory_space<semaphore_mem>>) src(%arg11 : memref<256x16xf32, #tpu.memory_space<vmem>>) dst(%dma_wait3A_251 : memref<32768x16xf32, #tpu.memory_space<vmem_shared>>)
      %add3A_252 = arith.constant 4 : i32
      %add3A_253 = arith.addi %mul3A_133, %add3A_252 : i32
      %add3A_254 = arith.constant 2 : i32
      %add3A_255 = arith.addi %add3A_253, %add3A_254 : i32
      %lt3A_256 = arith.constant 128 : i32
      %lt3A_257 = arith.cmpi slt, %add3A_255, %lt3A_256 : i32
      %convert_element_type3A_258 = arith.extui %lt3A_257 : i1 to i32
      %cond3A_259 = arith.constant 0 : i32
      %cond3A_260 = arith.cmpi ne, %convert_element_type3A_258, %cond3A_259 : i32
      scf.if %cond3A_260 {
        %dma_start3A_278 = arith.constant 0 : i32
        %dma_start3A_279 = tpu.memref_slice %arg7[%add3A_255, %dma_start3A_278] : memref<128x256xi32, #tpu.memory_space<vmem>> -> memref<1x256xi32, #tpu.memory_space<vmem>>
        %dma_start3A_280 = tpu.memref_squeeze %dma_start3A_279 : memref<1x256xi32, #tpu.memory_space<vmem>> -> memref<256xi32, #tpu.memory_space<vmem>>
        %dma_start3A_281 = arith.constant 0 : i32
        %dma_start3A_282 = arith.constant 0 : i32
        %dma_start3A_283 = tpu.memref_slice %arg2[%add3A_64, %dma_start3A_281, %dma_start3A_282] : memref<4x32768x16xf32, #tpu.memory_space<hbm>> -> memref<1x32768x16xf32, #tpu.memory_space<hbm>>
        %dma_start3A_284 = tpu.memref_squeeze %dma_start3A_283 : memref<1x32768x16xf32, #tpu.memory_space<hbm>> -> memref<32768x16xf32, #tpu.memory_space<hbm>>
        %dma_start3A_285 = arith.constant 0 : i32
        %dma_start3A_286 = arith.constant 0 : i32
        %dma_start3A_287 = tpu.memref_slice %dma_start3A_284[%dma_start3A_285, %dma_start3A_286] : memref<32768x16xf32, #tpu.memory_space<hbm>> -> memref<32768x16xf32, #tpu.memory_space<hbm>>
        tpu.enqueue_indirect_dma source(%dma_start3A_287 : memref<32768x16xf32, #tpu.memory_space<hbm>>) target(%arg11 : memref<256x16xf32, #tpu.memory_space<vmem>>) offsets(%dma_start3A_280 : memref<256xi32, #tpu.memory_space<vmem>>) semaphore(%arg16 : memref<!tpu.dma_semaphore, #tpu.memory_space<semaphore_mem>>)
      } else {
      }
      %add3A_261 = arith.constant 3 : i32
      %add3A_262 = arith.addi %mul3A_133, %add3A_261 : i32
      %dma_wait3A_263 = arith.constant 0 : i32
      %dma_wait3A_264 = tpu.memref_slice %arg8[%add3A_262, %dma_wait3A_263] : memref<128x256xi32, #tpu.memory_space<vmem>> -> memref<1x256xi32, #tpu.memory_space<vmem>>
      %dma_wait3A_265 = tpu.memref_squeeze %dma_wait3A_264 : memref<1x256xi32, #tpu.memory_space<vmem>> -> memref<256xi32, #tpu.memory_space<vmem>>
      %dma_wait3A_266 = arith.constant 0 : i32
      %dma_wait3A_267 = arith.constant 0 : i32
      %dma_wait3A_268 = tpu.memref_slice %arg13[%dma_wait3A_266, %dma_wait3A_267] : memref<32768x16xf32, #tpu.memory_space<vmem_shared>> -> memref<32768x16xf32, #tpu.memory_space<vmem_shared>>
      tpu.wait_indirect_dma semaphore(%arg21 : memref<!tpu.dma_semaphore, #tpu.memory_space<semaphore_mem>>) src(%arg12 : memref<256x16xf32, #tpu.memory_space<vmem>>) dst(%dma_wait3A_268 : memref<32768x16xf32, #tpu.memory_space<vmem_shared>>)
      %add3A_269 = arith.constant 4 : i32
      %add3A_270 = arith.addi %mul3A_133, %add3A_269 : i32
      %add3A_271 = arith.constant 3 : i32
      %add3A_272 = arith.addi %add3A_270, %add3A_271 : i32
      %lt3A_273 = arith.constant 128 : i32
      %lt3A_274 = arith.cmpi slt, %add3A_272, %lt3A_273 : i32
      %convert_element_type3A_275 = arith.extui %lt3A_274 : i1 to i32
      %cond3A_276 = arith.constant 0 : i32
      %cond3A_277 = arith.cmpi ne, %convert_element_type3A_275, %cond3A_276 : i32
      scf.if %cond3A_277 {
        %dma_start3A_278 = arith.constant 0 : i32
        %dma_start3A_279 = tpu.memref_slice %arg7[%add3A_272, %dma_start3A_278] : memref<128x256xi32, #tpu.memory_space<vmem>> -> memref<1x256xi32, #tpu.memory_space<vmem>>
        %dma_start3A_280 = tpu.memref_squeeze %dma_start3A_279 : memref<1x256xi32, #tpu.memory_space<vmem>> -> memref<256xi32, #tpu.memory_space<vmem>>
        %dma_start3A_281 = arith.constant 0 : i32
        %dma_start3A_282 = arith.constant 0 : i32
        %dma_start3A_283 = tpu.memref_slice %arg2[%add3A_64, %dma_start3A_281, %dma_start3A_282] : memref<4x32768x16xf32, #tpu.memory_space<hbm>> -> memref<1x32768x16xf32, #tpu.memory_space<hbm>>
        %dma_start3A_284 = tpu.memref_squeeze %dma_start3A_283 : memref<1x32768x16xf32, #tpu.memory_space<hbm>> -> memref<32768x16xf32, #tpu.memory_space<hbm>>
        %dma_start3A_285 = arith.constant 0 : i32
        %dma_start3A_286 = arith.constant 0 : i32
        %dma_start3A_287 = tpu.memref_slice %dma_start3A_284[%dma_start3A_285, %dma_start3A_286] : memref<32768x16xf32, #tpu.memory_space<hbm>> -> memref<32768x16xf32, #tpu.memory_space<hbm>>
        tpu.enqueue_indirect_dma source(%dma_start3A_287 : memref<32768x16xf32, #tpu.memory_space<hbm>>) target(%arg12 : memref<256x16xf32, #tpu.memory_space<vmem>>) offsets(%dma_start3A_280 : memref<256xi32, #tpu.memory_space<vmem>>) semaphore(%arg17 : memref<!tpu.dma_semaphore, #tpu.memory_space<semaphore_mem>>)
      } else {
      }
    }
    %scan3A_118 = arith.constant 32 : i32
    %barrier3A_119 = arith.constant 0 : index
    tpu.barrier barrier_id(%barrier3A_119)
    %mul3A_120 = arith.constant 2048 : i32
    %mul3A_121 = arith.muli %arg1, %mul3A_120 : i32
    %mul3A_122 = arith.constant 2048 : i32
    %mul3A_123 = arith.muli %arg1, %mul3A_122 : i32
    %mul3A_124 = arith.constant 16 : i32
    %mul3A_125 = arith.muli %add3A_64, %mul3A_124 : i32
    "tpu.region"() ({
      %run_scoped3A = tpu.sem_alloc : memref<!tpu.dma_semaphore, #tpu.memory_space<semaphore_mem>>
      %dma_start3A_127 = tpu.memref_slice %arg6[%mul3A_123, %mul3A_125] : memref<32768x64xf32, #tpu.memory_space<hbm>> -> memref<2048x16xf32, #tpu.memory_space<hbm>>
      %dma_start3A_128 = arith.constant 0 : i32
      %dma_start3A_129 = tpu.memref_slice %arg13[%mul3A_121, %dma_start3A_128] : memref<32768x16xf32, #tpu.memory_space<vmem_shared>> -> memref<2048x16xf32, #tpu.memory_space<vmem_shared>>
      tpu.enqueue_dma source(%dma_start3A_129 : memref<2048x16xf32, #tpu.memory_space<vmem_shared>>) target(%dma_start3A_127 : memref<2048x16xf32, #tpu.memory_space<hbm>>) target_semaphore(%run_scoped3A : memref<!tpu.dma_semaphore, #tpu.memory_space<semaphore_mem>>)
      %dma_wait3A = tpu.memref_slice %arg6[%mul3A_123, %mul3A_125] : memref<32768x64xf32, #tpu.memory_space<hbm>> -> memref<2048x16xf32, #tpu.memory_space<hbm>>
      %dma_wait3A_130 = arith.constant 0 : i32
      %dma_wait3A_131 = tpu.memref_slice %arg13[%mul3A_121, %dma_wait3A_130] : memref<32768x16xf32, #tpu.memory_space<vmem_shared>> -> memref<2048x16xf32, #tpu.memory_space<vmem_shared>>
      tpu.wait_dma2 semaphore(%run_scoped3A : memref<!tpu.dma_semaphore, #tpu.memory_space<semaphore_mem>>) src(%dma_wait3A_131 : memref<2048x16xf32, #tpu.memory_space<vmem_shared>>) dst(%dma_wait3A : memref<2048x16xf32, #tpu.memory_space<hbm>>)
      tpu.yield
    }) : () -> ()
    %barrier3A_126 = arith.constant 0 : index
    tpu.barrier barrier_id(%barrier3A_126)
    return
  }
}

module attributes {stable_mosaic.version = 14 : i64} {
  func.func @_tc_pre_body(%arg0: i32, %arg1: memref<2048x128xf32, #tpu.memory_space<vmem>>, %arg2: memref<128x64xf32, #tpu.memory_space<vmem>>, %arg3: memref<1x64xf32, #tpu.memory_space<vmem>>, %arg4: memref<128x64xf32, #tpu.memory_space<vmem>>, %arg5: memref<2048x64xf32, #tpu.memory_space<vmem>>, %arg6: memref<4x2048x16xf32, #tpu.memory_space<vmem>>) attributes {dimension_semantics = [#tpu.dimension_semantics<arbitrary>], iteration_bounds = array<i64: 16>, scalar_prefetch = 0 : i64, scratch_operands = 0 : i64, tpu.core_type = #tpu.core_type<tc>, window_params = [{transform_indices = @transform_0, window_bounds = array<i64: 2048, 128>}, {pipeline_mode = #tpu.pipeline_mode<synchronous>, transform_indices = @transform_1, window_bounds = array<i64: 128, 64>}, {pipeline_mode = #tpu.pipeline_mode<synchronous>, transform_indices = @transform_2, window_bounds = array<i64: 1, 64>}, {pipeline_mode = #tpu.pipeline_mode<synchronous>, transform_indices = @transform_3, window_bounds = array<i64: 128, 64>}, {transform_indices = @transform_4, window_bounds = array<i64: 2048, 64>}, {transform_indices = @transform_5, window_bounds = array<i64: 4, 2048, 16>}]} {
    %get3A = arith.constant 0 : index
    %get3A_0 = arith.constant 0 : index
    %get3A_1 = vector.load %arg1[%get3A, %get3A_0] : memref<2048x128xf32, #tpu.memory_space<vmem>>, vector<2048x128xf32>
    %get3A_2 = arith.constant 0 : index
    %get3A_3 = arith.constant 0 : index
    %get3A_4 = vector.load %arg2[%get3A_2, %get3A_3] : memref<128x64xf32, #tpu.memory_space<vmem>>, vector<128x64xf32>
    %dot_general3A = arith.constant dense<0.000000e+00> : vector<2048x64xf32>
    %dot_general3A_5 = tpu.matmul %get3A_1, %get3A_4, %dot_general3A {dimension_numbers = #tpu.dot_dimension_numbers<[1], [0], [0], [1], [0, 0, 1, 1], [], []>, precision = #tpu.contract_precision<fp32>, transpose_lhs_hint = false} : vector<2048x128xf32>, vector<128x64xf32>, vector<2048x64xf32> -> vector<2048x64xf32>
    %get3A_6 = arith.constant 0 : index
    %get3A_7 = arith.constant 0 : index
    %get3A_8 = vector.load %arg3[%get3A_6, %get3A_7] : memref<1x64xf32, #tpu.memory_space<vmem>>, vector<1x64xf32>
    %add3A = vector.broadcast %get3A_8 : vector<1x64xf32> to vector<2048x64xf32>
    %add3A_9 = arith.addf %dot_general3A_5, %add3A : vector<2048x64xf32>
    %max3A = arith.constant 0.000000e+00 : f32
    %max3A_10 = vector.broadcast %max3A : f32 to vector<2048x64xf32>
    %max3A_11 = arith.maximumf %add3A_9, %max3A_10 : vector<2048x64xf32>
    %swap3A = arith.constant 0 : index
    %swap3A_12 = arith.constant 0 : index
    %swap3A_13 = vector.load %arg5[%swap3A, %swap3A_12] : memref<2048x64xf32, #tpu.memory_space<vmem>>, vector<2048x64xf32>
    tpu.vector_store %arg5[%swap3A, %swap3A_12], %max3A_11 {strides = array<i32>} : memref<2048x64xf32, #tpu.memory_space<vmem>>, vector<2048x64xf32>,
    %get3A_14 = arith.constant 0 : index
    %get3A_15 = arith.constant 0 : index
    %get3A_16 = vector.load %arg4[%get3A_14, %get3A_15] : memref<128x64xf32, #tpu.memory_space<vmem>>, vector<128x64xf32>
    %dot_general3A_17 = arith.constant dense<0.000000e+00> : vector<2048x64xf32>
    %dot_general3A_18 = tpu.matmul %get3A_1, %get3A_16, %dot_general3A_17 {dimension_numbers = #tpu.dot_dimension_numbers<[1], [0], [0], [1], [0, 0, 1, 1], [], []>, precision = #tpu.contract_precision<fp32>, transpose_lhs_hint = false} : vector<2048x128xf32>, vector<128x64xf32>, vector<2048x64xf32> -> vector<2048x64xf32>
    %slice3A = vector.extract_strided_slice %dot_general3A_18 {offsets = [0, 0], sizes = [2048, 16], strides = [1, 1]} : vector<2048x64xf32> to vector<2048x16xf32>
    %swap3A_19 = arith.constant 0 : index
    %swap3A_20 = arith.constant 0 : index
    %swap3A_21 = arith.constant 0 : index
    %swap3A_22 = vector.load %arg6[%swap3A_19, %swap3A_20, %swap3A_21] : memref<4x2048x16xf32, #tpu.memory_space<vmem>>, vector<1x2048x16xf32>
    %swap3A_23 = vector.shape_cast %swap3A_22 : vector<1x2048x16xf32> to vector<2048x16xf32>
    %swap3A_24 = vector.shape_cast %slice3A : vector<2048x16xf32> to vector<1x2048x16xf32>
    tpu.vector_store %arg6[%swap3A_19, %swap3A_20, %swap3A_21], %swap3A_24 {strides = array<i32>} : memref<4x2048x16xf32, #tpu.memory_space<vmem>>, vector<1x2048x16xf32>,
    %slice3A_25 = vector.extract_strided_slice %dot_general3A_18 {offsets = [0, 16], sizes = [2048, 16], strides = [1, 1]} : vector<2048x64xf32> to vector<2048x16xf32>
    %swap3A_26 = arith.constant 1 : index
    %swap3A_27 = arith.constant 0 : index
    %swap3A_28 = arith.constant 0 : index
    %swap3A_29 = vector.load %arg6[%swap3A_26, %swap3A_27, %swap3A_28] : memref<4x2048x16xf32, #tpu.memory_space<vmem>>, vector<1x2048x16xf32>
    %swap3A_30 = vector.shape_cast %swap3A_29 : vector<1x2048x16xf32> to vector<2048x16xf32>
    %swap3A_31 = vector.shape_cast %slice3A_25 : vector<2048x16xf32> to vector<1x2048x16xf32>
    tpu.vector_store %arg6[%swap3A_26, %swap3A_27, %swap3A_28], %swap3A_31 {strides = array<i32>} : memref<4x2048x16xf32, #tpu.memory_space<vmem>>, vector<1x2048x16xf32>,
    %slice3A_32 = vector.extract_strided_slice %dot_general3A_18 {offsets = [0, 32], sizes = [2048, 16], strides = [1, 1]} : vector<2048x64xf32> to vector<2048x16xf32>
    %swap3A_33 = arith.constant 2 : index
    %swap3A_34 = arith.constant 0 : index
    %swap3A_35 = arith.constant 0 : index
    %swap3A_36 = vector.load %arg6[%swap3A_33, %swap3A_34, %swap3A_35] : memref<4x2048x16xf32, #tpu.memory_space<vmem>>, vector<1x2048x16xf32>
    %swap3A_37 = vector.shape_cast %swap3A_36 : vector<1x2048x16xf32> to vector<2048x16xf32>
    %swap3A_38 = vector.shape_cast %slice3A_32 : vector<2048x16xf32> to vector<1x2048x16xf32>
    tpu.vector_store %arg6[%swap3A_33, %swap3A_34, %swap3A_35], %swap3A_38 {strides = array<i32>} : memref<4x2048x16xf32, #tpu.memory_space<vmem>>, vector<1x2048x16xf32>,
    %slice3A_39 = vector.extract_strided_slice %dot_general3A_18 {offsets = [0, 48], sizes = [2048, 16], strides = [1, 1]} : vector<2048x64xf32> to vector<2048x16xf32>
    %swap3A_40 = arith.constant 3 : index
    %swap3A_41 = arith.constant 0 : index
    %swap3A_42 = arith.constant 0 : index
    %swap3A_43 = vector.load %arg6[%swap3A_40, %swap3A_41, %swap3A_42] : memref<4x2048x16xf32, #tpu.memory_space<vmem>>, vector<1x2048x16xf32>
    %swap3A_44 = vector.shape_cast %swap3A_43 : vector<1x2048x16xf32> to vector<2048x16xf32>
    %swap3A_45 = vector.shape_cast %slice3A_39 : vector<2048x16xf32> to vector<1x2048x16xf32>
    tpu.vector_store %arg6[%swap3A_40, %swap3A_41, %swap3A_42], %swap3A_45 {strides = array<i32>} : memref<4x2048x16xf32, #tpu.memory_space<vmem>>, vector<1x2048x16xf32>,
    return
  }
  func.func @transform_0(%arg0: i32) -> (i32, i32) {
    %c0_i32 = arith.constant 0 : i32
    %c0_i32_0 = arith.constant 0 : i32
    return %arg0, %c0_i32 : i32, i32
  }
  func.func @transform_1(%arg0: i32) -> (i32, i32) {
    %c0_i32 = arith.constant 0 : i32
    %c0_i32_0 = arith.constant 0 : i32
    %c0_i32_1 = arith.constant 0 : i32
    return %c0_i32, %c0_i32_0 : i32, i32
  }
  func.func @transform_2(%arg0: i32) -> (i32, i32) {
    %c0_i32 = arith.constant 0 : i32
    %c0_i32_0 = arith.constant 0 : i32
    %c0_i32_1 = arith.constant 0 : i32
    return %c0_i32, %c0_i32_0 : i32, i32
  }
  func.func @transform_3(%arg0: i32) -> (i32, i32) {
    %c0_i32 = arith.constant 0 : i32
    %c0_i32_0 = arith.constant 0 : i32
    %c0_i32_1 = arith.constant 0 : i32
    return %c0_i32, %c0_i32_0 : i32, i32
  }
  func.func @transform_4(%arg0: i32) -> (i32, i32) {
    %c0_i32 = arith.constant 0 : i32
    %c0_i32_0 = arith.constant 0 : i32
    return %arg0, %c0_i32 : i32, i32
  }
  func.func @transform_5(%arg0: i32) -> (i32, i32, i32) {
    %c0_i32 = arith.constant 0 : i32
    %c0_i32_0 = arith.constant 0 : i32
    %c0_i32_1 = arith.constant 0 : i32
    return %c0_i32, %arg0, %c0_i32_0 : i32, i32, i32
  }
}

module attributes {stable_mosaic.version = 14 : i64} {
  func.func @_tc_mid_body(%arg0: i32, %arg1: memref<2048x64xf32, #tpu.memory_space<vmem>>, %arg2: memref<2x2048x16xf32, #tpu.memory_space<vmem>>, %arg3: memref<2048x64xf32, #tpu.memory_space<vmem>>, %arg4: memref<1x64xf32, #tpu.memory_space<vmem>>, %arg5: memref<128x64xf32, #tpu.memory_space<vmem>>, %arg6: memref<1x64xf32, #tpu.memory_space<vmem>>, %arg7: memref<128x64xf32, #tpu.memory_space<vmem>>, %arg8: memref<2048x64xf32, #tpu.memory_space<vmem>>, %arg9: memref<4x2048x16xf32, #tpu.memory_space<vmem>>) attributes {dimension_semantics = [#tpu.dimension_semantics<arbitrary>], iteration_bounds = array<i64: 16>, scalar_prefetch = 0 : i64, scratch_operands = 0 : i64, tpu.core_type = #tpu.core_type<tc>, window_params = [{transform_indices = @transform_0, window_bounds = array<i64: 2048, 64>}, {transform_indices = @transform_1, window_bounds = array<i64: 2, 2048, 16>}, {transform_indices = @transform_2, window_bounds = array<i64: 2048, 64>}, {pipeline_mode = #tpu.pipeline_mode<synchronous>, transform_indices = @transform_3, window_bounds = array<i64: 1, 64>}, {pipeline_mode = #tpu.pipeline_mode<synchronous>, transform_indices = @transform_4, window_bounds = array<i64: 128, 64>}, {pipeline_mode = #tpu.pipeline_mode<synchronous>, transform_indices = @transform_5, window_bounds = array<i64: 1, 64>}, {pipeline_mode = #tpu.pipeline_mode<synchronous>, transform_indices = @transform_6, window_bounds = array<i64: 128, 64>}, {transform_indices = @transform_7, window_bounds = array<i64: 2048, 64>}, {transform_indices = @transform_8, window_bounds = array<i64: 4, 2048, 16>}]} {
    %get3A = arith.constant 0 : index
    %get3A_0 = arith.constant 0 : index
    %get3A_1 = arith.constant 0 : index
    %get3A_2 = vector.load %arg2[%get3A, %get3A_0, %get3A_1] : memref<2x2048x16xf32, #tpu.memory_space<vmem>>, vector<1x2048x16xf32>
    %get3A_3 = vector.shape_cast %get3A_2 : vector<1x2048x16xf32> to vector<2048x16xf32>
    %slice3A = vector.extract_strided_slice %get3A_3 {offsets = [0, 0], sizes = [2048, 1], strides = [1, 1]} : vector<2048x16xf32> to vector<2048x1xf32>
    %get3A_4 = arith.constant 1 : index
    %get3A_5 = arith.constant 0 : index
    %get3A_6 = arith.constant 0 : index
    %get3A_7 = vector.load %arg2[%get3A_4, %get3A_5, %get3A_6] : memref<2x2048x16xf32, #tpu.memory_space<vmem>>, vector<1x2048x16xf32>
    %get3A_8 = vector.shape_cast %get3A_7 : vector<1x2048x16xf32> to vector<2048x16xf32>
    %slice3A_9 = vector.extract_strided_slice %get3A_8 {offsets = [0, 0], sizes = [2048, 1], strides = [1, 1]} : vector<2048x16xf32> to vector<2048x1xf32>
    %add3A = arith.addf %slice3A, %slice3A_9 : vector<2048x1xf32>
    %max3A = arith.constant 1.000000e+00 : f32
    %max3A_10 = vector.broadcast %max3A : f32 to vector<2048x1xf32>
    %max3A_11 = arith.maximumf %add3A, %max3A_10 : vector<2048x1xf32>
    %div3A = arith.constant 1.000000e+00 : f32
    %div3A_12 = vector.broadcast %div3A : f32 to vector<2048x1xf32>
    %div3A_13 = arith.divf %div3A_12, %max3A_11 : vector<2048x1xf32>
    %get3A_14 = arith.constant 0 : index
    %get3A_15 = arith.constant 0 : index
    %get3A_16 = vector.load %arg1[%get3A_14, %get3A_15] : memref<2048x64xf32, #tpu.memory_space<vmem>>, vector<2048x64xf32>
    %mul3A = vector.broadcast %div3A_13 : vector<2048x1xf32> to vector<2048x64xf32>
    %mul3A_17 = arith.mulf %get3A_16, %mul3A : vector<2048x64xf32>
    %get3A_18 = arith.constant 0 : index
    %get3A_19 = arith.constant 0 : index
    %get3A_20 = vector.load %arg4[%get3A_18, %get3A_19] : memref<1x64xf32, #tpu.memory_space<vmem>>, vector<1x64xf32>
    %add3A_21 = vector.broadcast %get3A_20 : vector<1x64xf32> to vector<2048x64xf32>
    %add3A_22 = arith.addf %mul3A_17, %add3A_21 : vector<2048x64xf32>
    %max3A_23 = arith.constant 0.000000e+00 : f32
    %max3A_24 = vector.broadcast %max3A_23 : f32 to vector<2048x64xf32>
    %max3A_25 = arith.maximumf %add3A_22, %max3A_24 : vector<2048x64xf32>
    %get3A_26 = arith.constant 0 : index
    %get3A_27 = arith.constant 0 : index
    %get3A_28 = vector.load %arg3[%get3A_26, %get3A_27] : memref<2048x64xf32, #tpu.memory_space<vmem>>, vector<2048x64xf32>
    %concatenate3A = tpu.concatenate %get3A_28, %max3A_25 in 1 : vector<2048x64xf32>, vector<2048x64xf32> -> vector<2048x128xf32>
    %get3A_29 = arith.constant 0 : index
    %get3A_30 = arith.constant 0 : index
    %get3A_31 = vector.load %arg5[%get3A_29, %get3A_30] : memref<128x64xf32, #tpu.memory_space<vmem>>, vector<128x64xf32>
    %dot_general3A = arith.constant dense<0.000000e+00> : vector<2048x64xf32>
    %dot_general3A_32 = tpu.matmul %concatenate3A, %get3A_31, %dot_general3A {dimension_numbers = #tpu.dot_dimension_numbers<[1], [0], [0], [1], [0, 0, 1, 1], [], []>, precision = #tpu.contract_precision<fp32>, transpose_lhs_hint = false} : vector<2048x128xf32>, vector<128x64xf32>, vector<2048x64xf32> -> vector<2048x64xf32>
    %get3A_33 = arith.constant 0 : index
    %get3A_34 = arith.constant 0 : index
    %get3A_35 = vector.load %arg6[%get3A_33, %get3A_34] : memref<1x64xf32, #tpu.memory_space<vmem>>, vector<1x64xf32>
    %add3A_36 = vector.broadcast %get3A_35 : vector<1x64xf32> to vector<2048x64xf32>
    %add3A_37 = arith.addf %dot_general3A_32, %add3A_36 : vector<2048x64xf32>
    %max3A_38 = arith.constant 0.000000e+00 : f32
    %max3A_39 = vector.broadcast %max3A_38 : f32 to vector<2048x64xf32>
    %max3A_40 = arith.maximumf %add3A_37, %max3A_39 : vector<2048x64xf32>
    %swap3A = arith.constant 0 : index
    %swap3A_41 = arith.constant 0 : index
    %swap3A_42 = vector.load %arg8[%swap3A, %swap3A_41] : memref<2048x64xf32, #tpu.memory_space<vmem>>, vector<2048x64xf32>
    tpu.vector_store %arg8[%swap3A, %swap3A_41], %max3A_40 {strides = array<i32>} : memref<2048x64xf32, #tpu.memory_space<vmem>>, vector<2048x64xf32>,
    %get3A_43 = arith.constant 0 : index
    %get3A_44 = arith.constant 0 : index
    %get3A_45 = vector.load %arg7[%get3A_43, %get3A_44] : memref<128x64xf32, #tpu.memory_space<vmem>>, vector<128x64xf32>
    %dot_general3A_46 = arith.constant dense<0.000000e+00> : vector<2048x64xf32>
    %dot_general3A_47 = tpu.matmul %concatenate3A, %get3A_45, %dot_general3A_46 {dimension_numbers = #tpu.dot_dimension_numbers<[1], [0], [0], [1], [0, 0, 1, 1], [], []>, precision = #tpu.contract_precision<fp32>, transpose_lhs_hint = false} : vector<2048x128xf32>, vector<128x64xf32>, vector<2048x64xf32> -> vector<2048x64xf32>
    %slice3A_48 = vector.extract_strided_slice %dot_general3A_47 {offsets = [0, 0], sizes = [2048, 16], strides = [1, 1]} : vector<2048x64xf32> to vector<2048x16xf32>
    %swap3A_49 = arith.constant 0 : index
    %swap3A_50 = arith.constant 0 : index
    %swap3A_51 = arith.constant 0 : index
    %swap3A_52 = vector.load %arg9[%swap3A_49, %swap3A_50, %swap3A_51] : memref<4x2048x16xf32, #tpu.memory_space<vmem>>, vector<1x2048x16xf32>
    %swap3A_53 = vector.shape_cast %swap3A_52 : vector<1x2048x16xf32> to vector<2048x16xf32>
    %swap3A_54 = vector.shape_cast %slice3A_48 : vector<2048x16xf32> to vector<1x2048x16xf32>
    tpu.vector_store %arg9[%swap3A_49, %swap3A_50, %swap3A_51], %swap3A_54 {strides = array<i32>} : memref<4x2048x16xf32, #tpu.memory_space<vmem>>, vector<1x2048x16xf32>,
    %slice3A_55 = vector.extract_strided_slice %dot_general3A_47 {offsets = [0, 16], sizes = [2048, 16], strides = [1, 1]} : vector<2048x64xf32> to vector<2048x16xf32>
    %swap3A_56 = arith.constant 1 : index
    %swap3A_57 = arith.constant 0 : index
    %swap3A_58 = arith.constant 0 : index
    %swap3A_59 = vector.load %arg9[%swap3A_56, %swap3A_57, %swap3A_58] : memref<4x2048x16xf32, #tpu.memory_space<vmem>>, vector<1x2048x16xf32>
    %swap3A_60 = vector.shape_cast %swap3A_59 : vector<1x2048x16xf32> to vector<2048x16xf32>
    %swap3A_61 = vector.shape_cast %slice3A_55 : vector<2048x16xf32> to vector<1x2048x16xf32>
    tpu.vector_store %arg9[%swap3A_56, %swap3A_57, %swap3A_58], %swap3A_61 {strides = array<i32>} : memref<4x2048x16xf32, #tpu.memory_space<vmem>>, vector<1x2048x16xf32>,
    %slice3A_62 = vector.extract_strided_slice %dot_general3A_47 {offsets = [0, 32], sizes = [2048, 16], strides = [1, 1]} : vector<2048x64xf32> to vector<2048x16xf32>
    %swap3A_63 = arith.constant 2 : index
    %swap3A_64 = arith.constant 0 : index
    %swap3A_65 = arith.constant 0 : index
    %swap3A_66 = vector.load %arg9[%swap3A_63, %swap3A_64, %swap3A_65] : memref<4x2048x16xf32, #tpu.memory_space<vmem>>, vector<1x2048x16xf32>
    %swap3A_67 = vector.shape_cast %swap3A_66 : vector<1x2048x16xf32> to vector<2048x16xf32>
    %swap3A_68 = vector.shape_cast %slice3A_62 : vector<2048x16xf32> to vector<1x2048x16xf32>
    tpu.vector_store %arg9[%swap3A_63, %swap3A_64, %swap3A_65], %swap3A_68 {strides = array<i32>} : memref<4x2048x16xf32, #tpu.memory_space<vmem>>, vector<1x2048x16xf32>,
    %slice3A_69 = vector.extract_strided_slice %dot_general3A_47 {offsets = [0, 48], sizes = [2048, 16], strides = [1, 1]} : vector<2048x64xf32> to vector<2048x16xf32>
    %swap3A_70 = arith.constant 3 : index
    %swap3A_71 = arith.constant 0 : index
    %swap3A_72 = arith.constant 0 : index
    %swap3A_73 = vector.load %arg9[%swap3A_70, %swap3A_71, %swap3A_72] : memref<4x2048x16xf32, #tpu.memory_space<vmem>>, vector<1x2048x16xf32>
    %swap3A_74 = vector.shape_cast %swap3A_73 : vector<1x2048x16xf32> to vector<2048x16xf32>
    %swap3A_75 = vector.shape_cast %slice3A_69 : vector<2048x16xf32> to vector<1x2048x16xf32>
    tpu.vector_store %arg9[%swap3A_70, %swap3A_71, %swap3A_72], %swap3A_75 {strides = array<i32>} : memref<4x2048x16xf32, #tpu.memory_space<vmem>>, vector<1x2048x16xf32>,
    return
  }
  func.func @transform_0(%arg0: i32) -> (i32, i32) {
    %c0_i32 = arith.constant 0 : i32
    %c0_i32_0 = arith.constant 0 : i32
    return %arg0, %c0_i32 : i32, i32
  }
  func.func @transform_1(%arg0: i32) -> (i32, i32, i32) {
    %c0_i32 = arith.constant 0 : i32
    %c0_i32_0 = arith.constant 0 : i32
    %c0_i32_1 = arith.constant 0 : i32
    return %c0_i32, %arg0, %c0_i32_0 : i32, i32, i32
  }
  func.func @transform_2(%arg0: i32) -> (i32, i32) {
    %c0_i32 = arith.constant 0 : i32
    %c0_i32_0 = arith.constant 0 : i32
    return %arg0, %c0_i32 : i32, i32
  }
  func.func @transform_3(%arg0: i32) -> (i32, i32) {
    %c0_i32 = arith.constant 0 : i32
    %c0_i32_0 = arith.constant 0 : i32
    %c0_i32_1 = arith.constant 0 : i32
    return %c0_i32, %c0_i32_0 : i32, i32
  }
  func.func @transform_4(%arg0: i32) -> (i32, i32) {
    %c0_i32 = arith.constant 0 : i32
    %c0_i32_0 = arith.constant 0 : i32
    %c0_i32_1 = arith.constant 0 : i32
    return %c0_i32, %c0_i32_0 : i32, i32
  }
  func.func @transform_5(%arg0: i32) -> (i32, i32) {
    %c0_i32 = arith.constant 0 : i32
    %c0_i32_0 = arith.constant 0 : i32
    %c0_i32_1 = arith.constant 0 : i32
    return %c0_i32, %c0_i32_0 : i32, i32
  }
  func.func @transform_6(%arg0: i32) -> (i32, i32) {
    %c0_i32 = arith.constant 0 : i32
    %c0_i32_0 = arith.constant 0 : i32
    %c0_i32_1 = arith.constant 0 : i32
    return %c0_i32, %c0_i32_0 : i32, i32
  }
  func.func @transform_7(%arg0: i32) -> (i32, i32) {
    %c0_i32 = arith.constant 0 : i32
    %c0_i32_0 = arith.constant 0 : i32
    return %arg0, %c0_i32 : i32, i32
  }
  func.func @transform_8(%arg0: i32) -> (i32, i32, i32) {
    %c0_i32 = arith.constant 0 : i32
    %c0_i32_0 = arith.constant 0 : i32
    %c0_i32_1 = arith.constant 0 : i32
    return %c0_i32, %arg0, %c0_i32_0 : i32, i32, i32
  }
}

module attributes {stable_mosaic.version = 14 : i64} {
  func.func @_tc_head_body(%arg0: i32, %arg1: memref<1024x256xf32, #tpu.memory_space<vmem>>, %arg2: memref<1024x256xf32, #tpu.memory_space<vmem>>, %arg3: memref<1024x256xf32, #tpu.memory_space<vmem>>, %arg4: memref<1x256xf32, #tpu.memory_space<vmem>>, %arg5: memref<256x256xf32, #tpu.memory_space<vmem>>, %arg6: memref<256x256xf32, #tpu.memory_space<vmem>>, %arg7: memref<1x256xf32, #tpu.memory_space<vmem>>, %arg8: memref<256x256xf32, #tpu.memory_space<vmem>>, %arg9: memref<1x256xf32, #tpu.memory_space<vmem>>, %arg10: memref<1x256xf32, #tpu.memory_space<vmem>>, %arg11: memref<1x1xf32, #tpu.memory_space<vmem>>, %arg12: memref<1024x1xf32, #tpu.memory_space<vmem>>) attributes {dimension_semantics = [#tpu.dimension_semantics<arbitrary>], iteration_bounds = array<i64: 8>, scalar_prefetch = 0 : i64, scratch_operands = 0 : i64, tpu.core_type = #tpu.core_type<tc>, window_params = [{transform_indices = @transform_0, window_bounds = array<i64: 1024, 256>}, {transform_indices = @transform_1, window_bounds = array<i64: 1024, 256>}, {transform_indices = @transform_2, window_bounds = array<i64: 1024, 256>}, {pipeline_mode = #tpu.pipeline_mode<synchronous>, transform_indices = @transform_3, window_bounds = array<i64: 1, 256>}, {pipeline_mode = #tpu.pipeline_mode<synchronous>, transform_indices = @transform_4, window_bounds = array<i64: 256, 256>}, {pipeline_mode = #tpu.pipeline_mode<synchronous>, transform_indices = @transform_5, window_bounds = array<i64: 256, 256>}, {pipeline_mode = #tpu.pipeline_mode<synchronous>, transform_indices = @transform_6, window_bounds = array<i64: 1, 256>}, {pipeline_mode = #tpu.pipeline_mode<synchronous>, transform_indices = @transform_7, window_bounds = array<i64: 256, 256>}, {pipeline_mode = #tpu.pipeline_mode<synchronous>, transform_indices = @transform_8, window_bounds = array<i64: 1, 256>}, {pipeline_mode = #tpu.pipeline_mode<synchronous>, transform_indices = @transform_9, window_bounds = array<i64: 1, 256>}, {pipeline_mode = #tpu.pipeline_mode<synchronous>, transform_indices = @transform_10, window_bounds = array<i64: 1, 1>}, {transform_indices = @transform_11, window_bounds = array<i64: 1024, 1>}]} {
    %get3A = arith.constant 0 : index
    %get3A_0 = arith.constant 0 : index
    %get3A_1 = vector.load %arg2[%get3A, %get3A_0] : memref<1024x256xf32, #tpu.memory_space<vmem>>, vector<1024x256xf32>
    %get3A_2 = arith.constant 0 : index
    %get3A_3 = arith.constant 0 : index
    %get3A_4 = vector.load %arg3[%get3A_2, %get3A_3] : memref<1024x256xf32, #tpu.memory_space<vmem>>, vector<1024x256xf32>
    %mul3A = arith.mulf %get3A_1, %get3A_4 : vector<1024x256xf32>
    %get3A_5 = arith.constant 0 : index
    %get3A_6 = arith.constant 0 : index
    %get3A_7 = vector.load %arg4[%get3A_5, %get3A_6] : memref<1x256xf32, #tpu.memory_space<vmem>>, vector<1x256xf32>
    %add3A = vector.broadcast %get3A_7 : vector<1x256xf32> to vector<1024x256xf32>
    %add3A_8 = arith.addf %mul3A, %add3A : vector<1024x256xf32>
    %max3A = arith.constant 0.000000e+00 : f32
    %max3A_9 = vector.broadcast %max3A : f32 to vector<1024x256xf32>
    %max3A_10 = arith.maximumf %add3A_8, %max3A_9 : vector<1024x256xf32>
    %get3A_11 = arith.constant 0 : index
    %get3A_12 = arith.constant 0 : index
    %get3A_13 = vector.load %arg1[%get3A_11, %get3A_12] : memref<1024x256xf32, #tpu.memory_space<vmem>>, vector<1024x256xf32>
    %get3A_14 = arith.constant 0 : index
    %get3A_15 = arith.constant 0 : index
    %get3A_16 = vector.load %arg5[%get3A_14, %get3A_15] : memref<256x256xf32, #tpu.memory_space<vmem>>, vector<256x256xf32>
    %dot_general3A = arith.constant dense<0.000000e+00> : vector<1024x256xf32>
    %dot_general3A_17 = tpu.matmul %get3A_13, %get3A_16, %dot_general3A {dimension_numbers = #tpu.dot_dimension_numbers<[1], [0], [0], [1], [0, 0, 1, 1], [], []>, precision = #tpu.contract_precision<fp32>, transpose_lhs_hint = false} : vector<1024x256xf32>, vector<256x256xf32>, vector<1024x256xf32> -> vector<1024x256xf32>
    %get3A_18 = arith.constant 0 : index
    %get3A_19 = arith.constant 0 : index
    %get3A_20 = vector.load %arg6[%get3A_18, %get3A_19] : memref<256x256xf32, #tpu.memory_space<vmem>>, vector<256x256xf32>
    %dot_general3A_21 = arith.constant dense<0.000000e+00> : vector<1024x256xf32>
    %dot_general3A_22 = tpu.matmul %max3A_10, %get3A_20, %dot_general3A_21 {dimension_numbers = #tpu.dot_dimension_numbers<[1], [0], [0], [1], [0, 0, 1, 1], [], []>, precision = #tpu.contract_precision<fp32>, transpose_lhs_hint = false} : vector<1024x256xf32>, vector<256x256xf32>, vector<1024x256xf32> -> vector<1024x256xf32>
    %add3A_23 = arith.addf %dot_general3A_17, %dot_general3A_22 : vector<1024x256xf32>
    %get3A_24 = arith.constant 0 : index
    %get3A_25 = arith.constant 0 : index
    %get3A_26 = vector.load %arg7[%get3A_24, %get3A_25] : memref<1x256xf32, #tpu.memory_space<vmem>>, vector<1x256xf32>
    %add3A_27 = vector.broadcast %get3A_26 : vector<1x256xf32> to vector<1024x256xf32>
    %add3A_28 = arith.addf %add3A_23, %add3A_27 : vector<1024x256xf32>
    %tanh3A = math.tanh %add3A_28 : vector<1024x256xf32>
    %get3A_29 = arith.constant 0 : index
    %get3A_30 = arith.constant 0 : index
    %get3A_31 = vector.load %arg8[%get3A_29, %get3A_30] : memref<256x256xf32, #tpu.memory_space<vmem>>, vector<256x256xf32>
    %dot_general3A_32 = arith.constant dense<0.000000e+00> : vector<1024x256xf32>
    %dot_general3A_33 = tpu.matmul %tanh3A, %get3A_31, %dot_general3A_32 {dimension_numbers = #tpu.dot_dimension_numbers<[1], [0], [0], [1], [0, 0, 1, 1], [], []>, precision = #tpu.contract_precision<fp32>, transpose_lhs_hint = false} : vector<1024x256xf32>, vector<256x256xf32>, vector<1024x256xf32> -> vector<1024x256xf32>
    %get3A_34 = arith.constant 0 : index
    %get3A_35 = arith.constant 0 : index
    %get3A_36 = vector.load %arg9[%get3A_34, %get3A_35] : memref<1x256xf32, #tpu.memory_space<vmem>>, vector<1x256xf32>
    %add3A_37 = vector.broadcast %get3A_36 : vector<1x256xf32> to vector<1024x256xf32>
    %add3A_38 = arith.addf %dot_general3A_33, %add3A_37 : vector<1024x256xf32>
    %tanh3A_39 = math.tanh %add3A_38 : vector<1024x256xf32>
    %get3A_40 = arith.constant 0 : index
    %get3A_41 = arith.constant 0 : index
    %get3A_42 = vector.load %arg10[%get3A_40, %get3A_41] : memref<1x256xf32, #tpu.memory_space<vmem>>, vector<1x256xf32>
    %mul3A_43 = vector.broadcast %get3A_42 : vector<1x256xf32> to vector<1024x256xf32>
    %mul3A_44 = arith.mulf %tanh3A_39, %mul3A_43 : vector<1024x256xf32>
    %reduce_sum3A = arith.constant dense<0.000000e+00> : vector<1024xf32>
    %reduce_sum3A_45 = vector.multi_reduction <add>, %mul3A_44, %reduce_sum3A [1] : vector<1024x256xf32> to vector<1024xf32>
    %broadcast_in_dim3A = vector.shape_cast %reduce_sum3A_45 : vector<1024xf32> to vector<1024x1xf32>
    %get3A_46 = arith.constant 0 : index
    %get3A_47 = arith.constant 0 : index
    %get3A_48 = vector.load %arg11[%get3A_46, %get3A_47] : memref<1x1xf32, #tpu.memory_space<vmem>>, vector<1x1xf32>
    %add3A_49 = vector.broadcast %get3A_48 : vector<1x1xf32> to vector<1024x1xf32>
    %add3A_50 = arith.addf %broadcast_in_dim3A, %add3A_49 : vector<1024x1xf32>
    %swap3A = arith.constant 0 : index
    %swap3A_51 = arith.constant 0 : index
    %swap3A_52 = vector.load %arg12[%swap3A, %swap3A_51] : memref<1024x1xf32, #tpu.memory_space<vmem>>, vector<1024x1xf32>
    tpu.vector_store %arg12[%swap3A, %swap3A_51], %add3A_50 {strides = array<i32>} : memref<1024x1xf32, #tpu.memory_space<vmem>>, vector<1024x1xf32>,
    return
  }
  func.func @transform_0(%arg0: i32) -> (i32, i32) {
    %c0_i32 = arith.constant 0 : i32
    %c0_i32_0 = arith.constant 0 : i32
    return %arg0, %c0_i32 : i32, i32
  }
  func.func @transform_1(%arg0: i32) -> (i32, i32) {
    %c0_i32 = arith.constant 0 : i32
    %c0_i32_0 = arith.constant 0 : i32
    return %arg0, %c0_i32 : i32, i32
  }
  func.func @transform_2(%arg0: i32) -> (i32, i32) {
    %c0_i32 = arith.constant 0 : i32
    %c0_i32_0 = arith.constant 0 : i32
    return %arg0, %c0_i32 : i32, i32
  }
  func.func @transform_3(%arg0: i32) -> (i32, i32) {
    %c0_i32 = arith.constant 0 : i32
    %c0_i32_0 = arith.constant 0 : i32
    %c0_i32_1 = arith.constant 0 : i32
    return %c0_i32, %c0_i32_0 : i32, i32
  }
  func.func @transform_4(%arg0: i32) -> (i32, i32) {
    %c0_i32 = arith.constant 0 : i32
    %c0_i32_0 = arith.constant 0 : i32
    %c0_i32_1 = arith.constant 0 : i32
    return %c0_i32, %c0_i32_0 : i32, i32
  }
  func.func @transform_5(%arg0: i32) -> (i32, i32) {
    %c0_i32 = arith.constant 0 : i32
    %c0_i32_0 = arith.constant 0 : i32
    %c0_i32_1 = arith.constant 0 : i32
    return %c0_i32, %c0_i32_0 : i32, i32
  }
  func.func @transform_6(%arg0: i32) -> (i32, i32) {
    %c0_i32 = arith.constant 0 : i32
    %c0_i32_0 = arith.constant 0 : i32
    %c0_i32_1 = arith.constant 0 : i32
    return %c0_i32, %c0_i32_0 : i32, i32
  }
  func.func @transform_7(%arg0: i32) -> (i32, i32) {
    %c0_i32 = arith.constant 0 : i32
    %c0_i32_0 = arith.constant 0 : i32
    %c0_i32_1 = arith.constant 0 : i32
    return %c0_i32, %c0_i32_0 : i32, i32
  }
  func.func @transform_8(%arg0: i32) -> (i32, i32) {
    %c0_i32 = arith.constant 0 : i32
    %c0_i32_0 = arith.constant 0 : i32
    %c0_i32_1 = arith.constant 0 : i32
    return %c0_i32, %c0_i32_0 : i32, i32
  }
  func.func @transform_9(%arg0: i32) -> (i32, i32) {
    %c0_i32 = arith.constant 0 : i32
    %c0_i32_0 = arith.constant 0 : i32
    %c0_i32_1 = arith.constant 0 : i32
    return %c0_i32, %c0_i32_0 : i32, i32
  }
  func.func @transform_10(%arg0: i32) -> (i32, i32) {
    %c0_i32 = arith.constant 0 : i32
    %c0_i32_0 = arith.constant 0 : i32
    %c0_i32_1 = arith.constant 0 : i32
    return %c0_i32, %c0_i32_0 : i32, i32
  }
  func.func @transform_11(%arg0: i32) -> (i32, i32) {
    %c0_i32 = arith.constant 0 : i32
    %c0_i32_0 = arith.constant 0 : i32
    return %arg0, %c0_i32 : i32, i32
  }
}

</mosaic_0001>

<sc_bundles>
// kernel: kernel.11.cloned.1.call-start
scs
__scs_entry_jumppad:
0x0: {  	(pc) =	sbr.rel $0x88, $3  }
0x1: {  	(tag) =	ssettag $0x0;
	lr =	simm.s32 $0x1  }
0x2: {  	[smem:$0x3F91] =	sst lr;
	_ =	strace $0xD0000000  }
0x3: {  	_ = 	snop  }
0x4: {  	_ = 	snop  }
0x5: {  	_ = 	snop  }
0x6: {  	_ = 	snop  }
0x7: {  	_ = 	snop  }
__scs_overlays_trampoline_lowered:
0x8: {  	[smem:$0x3FA0] =	sst s0  }
0x9: {  	[smem:$0x3FA1] =	sst s1  }
0xa: {  	[smem:$0x3FA2] =	sst s2  }
0xb: {  	[smem:$0x3FA3] =	sst s3  }
0xc: {  	[smem:$0x3FA4] =	sst s4  }
0xd: {  	[smem:$0x3FA5] =	sst s5  }
0xe: {  	[smem:$0x3FA6] =	sst s6  }
0xf: {  	[smem:$0x3FA7] =	sst s7  }
0x10: {  	[smem:$0x3FA8] =	sst s8  }
0x11: {  	[smem:$0x3FA9] =	sst s9;
	s0 =	simm.s32 @!p0 $0x0  }
0x12: {  	s1 =	sld [smem:$0x3F8F];
	s0 =	simm.s32 @p0 $0x1  }
0x13: {  	[smem:$0x3FAA] =	sst s0;
	s0 =	simm.s32 @!p1 $0x0  }
0x14: {  	s2 =	sld [smem:$0x3F8E];
	s0 =	simm.s32 @p1 $0x1  }
0x15: {  	[smem:$0x3FAB] =	sst s0;
	s0 =	simm.s32 @!p2 $0x0  }
0x16: {  	s3 =	sld [smem:$0x3FDB];
	s0 =	simm.s32 @p2 $0x1  }
0x17: {  	s4 =	simm.s32 $0x1BF5;
	[smem:$0x3FAD] =	sst s0  }
0x18: {  	s0 =	sld [smem:$0x3F90];
	_ =	swait.ge [sflag:s4], $0x0  }
0x19: {  	s7 =	sld [smem:$0x3F91]  }
0x1a: {  	s8 =	sadd.s32 $0xFFFFE003, lr  }
0x1b: {  	s9 =	sadd.s32 $0xFFFFFEF7, lr;
	s5 =	simm.s32 $0xFFFFFFFF;
	p2 =	slt.u32 s8, $0xFFFFF086  }
0x1c: {  	p1 =	slt.u32 s9, $0xF7A;
	s5 =	simm.s32 @!p2 $0x0  }
0x1d: {  	s5 =	simm.s32 @p1 $0x1;
	p0 =	seq.s32 s7, s2  }
0x1e: {  	s7 =	smul.u32 @!p0 $0xF7A, s2;
	p2 =	seq.s32 @!p0 s5, $0x0  }
0x1f: {  	s9 =	smul.u32 $0xF7A, s1;
	s8 =	simm.s32 @!p0 $0x1BF5;
	p2 =	por !p2, p0  }
0x20: {  	[sflag:s8] =	ssyncset.s32 @!p0 $0xFFFFF086;
	s6 =	sadd.s32 @!p0 s3, s7;
	s7 =	simm.s32 @!p0 $0x108  }
0x21: {  	s3 =	sadd.s32 s3, s9;
	s6 =	sadd.s32 @!p0 $0x88, s6;
	s7 =	simm.s32 @p2 $0x1082  }
0x22: {  	[simem:s7], [sflag:s8] =	dma.local @!p0 [hbm:s6], $0xF7A  }
0x23: {  	s9 =	sor.u32 $0xD0000000, s2;
	s6 =	simm.s32 $0x108;
	_ =	swait.ge @!p0 [sflag:s8], $0x0  }
0x24: {  	s3 =	sadd.s32 $0x88, s3;
	s6 =	simm.s32 @!p1 $0x1082;
	[sflag:s4] =	ssyncset.s32 $0xFFFFF086  }
0x25: {  	[simem:s6], [sflag:s4] =	dma.local [hbm:s3], $0xF7A  }
0x26: {  	[smem:$0x3F91] =	sst s1;
	(tag) =	ssettag s2;
	_ =	strace s9  }
0x27: {  	s1 =	sld [smem:$0x3FA1]  }
0x28: {  	s2 =	sld [smem:$0x3FA2]  }
0x29: {  	s4 =	sld [smem:$0x3FA4]  }
0x2a: {  	p0 =	seq.s32 s5, $0x0;
	s5 =	sld [smem:$0x3FA5]  }
0x2b: {  	s6 =	sld [smem:$0x3FA6]  }
0x2c: {  	s7 =	sld [smem:$0x3FA7]  }
0x2d: {  	s3 =	simm.s32 $0x108;
	s8 =	sld [smem:$0x3FA8]  }
0x2e: {  	s3 =	simm.s32 @!p0 $0x1082;
	s9 =	sld [smem:$0x3FA9]  }
0x2f: {  	lr =	sadd.s32 s0, s3;
	s0 =	sld [smem:$0x3FA0]  }
0x30: {  	s3 =	sld [smem:$0x3FA3]  }
0x31: {  	[smem:$0x3FAC] =	sst s10  }
0x32: {  	s10 =	sld [smem:$0x3FAA];
	_ =	sdelay $0x3  }
0x33: {  	p0 =	seq.s32 s10, $0x1;
	s10 =	sld [smem:$0x3FAC];
	_ =	sdelay $0x3  }
0x34: {  	[smem:$0x3FAC] =	sst s10  }
0x35: {  	s10 =	sld [smem:$0x3FAB];
	_ =	sdelay $0x3  }
0x36: {  	p1 =	seq.s32 s10, $0x1;
	s10 =	sld [smem:$0x3FAC];
	_ =	sdelay $0x3  }
0x37: {  	[smem:$0x3FAC] =	sst s10  }
0x38: {  	s10 =	sld [smem:$0x3FAD]  }
0x39: {  	_ = 	snop;
	(pc) =	sbr.ind lr, $3  }
0x3a: {  	_ = 	snop  }
0x3b: {  	_ = 	snop  }
0x3c: {  	p2 =	seq.s32 s10, $0x1;
	s10 =	sld [smem:$0x3FAC]  }
0x3d: {  	_ =	shalt  }
0x3e: {  	_ =	shalt  }
0x3f: {  	_ =	shalt  }
0x40: {  	_ =	shalt  }
0x41: {  	_ =	shalt  }
0x42: {  	_ =	shalt  }
0x43: {  	_ =	shalt  }
0x44: {  	_ =	shalt  }
0x45: {  	_ =	shalt  }
0x46: {  	_ =	shalt  }
0x47: {  	_ =	shalt  }
0x48: {  	_ =	shalt  }
0x49: {  	_ =	shalt  }
0x4a: {  	_ =	shalt  }
0x4b: {  	_ =	shalt  }
0x4c: {  	_ =	shalt  }
0x4d: {  	_ =	shalt  }
0x4e: {  	_ =	shalt  }
0x4f: {  	_ =	shalt  }
0x50: {  	_ =	shalt  }
0x51: {  	_ =	shalt  }
0x52: {  	_ =	shalt  }
0x53: {  	_ =	shalt  }
0x54: {  	_ =	shalt  }
0x55: {  	_ =	shalt  }
0x56: {  	_ =	shalt  }
0x57: {  	_ =	shalt  }
0x58: {  	_ =	shalt  }
0x59: {  	_ =	shalt  }
0x5a: {  	_ =	shalt  }
0x5b: {  	_ =	shalt  }
0x5c: {  	_ =	shalt  }
0x5d: {  	_ =	shalt  }
0x5e: {  	_ =	shalt  }
0x5f: {  	_ =	shalt  }
0x60: {  	_ =	shalt  }
0x61: {  	_ =	shalt  }
0x62: {  	_ =	shalt  }
0x63: {  	_ =	shalt  }
0x64: {  	_ =	shalt  }
0x65: {  	_ =	shalt  }
0x66: {  	_ =	shalt  }
0x67: {  	_ =	shalt  }
0x68: {  	_ =	shalt  }
0x69: {  	_ =	shalt  }
0x6a: {  	_ =	shalt  }
0x6b: {  	_ =	shalt  }
0x6c: {  	_ =	shalt  }
0x6d: {  	_ =	shalt  }
0x6e: {  	_ =	shalt  }
0x6f: {  	_ =	shalt  }
0x70: {  	_ =	shalt  }
0x71: {  	_ =	shalt  }
0x72: {  	_ =	shalt  }
0x73: {  	_ =	shalt  }
0x74: {  	_ =	shalt  }
0x75: {  	_ =	shalt  }
0x76: {  	_ =	shalt  }
0x77: {  	_ =	shalt  }
0x78: {  	_ =	shalt  }
0x79: {  	_ =	shalt  }
0x7a: {  	_ =	shalt  }
0x7b: {  	_ =	shalt  }
0x7c: {  	_ =	shalt  }
0x7d: {  	_ =	shalt  }
0x7e: {  	_ =	shalt  }
0x7f: {  	_ =	shalt  }
0x80: {  	_ =	shalt  }
0x81: {  	_ =	shalt  }
0x82: {  	_ =	shalt  }
0x83: {  	_ =	shalt  }
0x84: {  	_ =	shalt  }
0x85: {  	_ =	shalt  }
0x86: {  	_ =	shalt  }
0x87: {  	_ =	shalt  }
.Lfunc_end0:
.L_simem_size_0:
called_computation.1_lowered:
.L_overlay_start_0:
0x88: {  	s2 =	sld [smem:$0x3FD9]  }
0x89: {  	s3 =	sld [smem:$0x3FFE];
	_ =	sdelay $0x1  }
0x8a: {  	s1 =	srdreg.scid  }
0x8b: {  	s0 =	sand.u32 $0x1, s1  }
0x8c: {  	s16 =	sshll.u32 s0, $0xA;
	s2 =	sadd.s32 s3, s2  }
0x8d: {  	s2 =	sadd.s32 s2, s16  }
0x8e: {  	[smem:$0x3FB8] =	sst s2  }
0x8f: {  	_ = 	snop  }
0x90: {  	(tm) =	ssettm $0x1  }
0x91: {  	s17 =	sld [smem:$0x3FFB];
	_ =	sdelay $0x3  }
0x92: {  	_ =	strace s17  }
0x93: {  	s2 =	sld [smem:$0x3FFC];
	_ =	sdelay $0x3  }
0x94: {  	_ =	strace s2  }
0x95: {  	s2 =	sld [smem:$0x3FFD];
	_ =	sdelay $0x3  }
0x96: {  	_ =	strace s2  }
0x97: {  	_ =	strace $0x8FFFFFFF  }
0x98: {  	s18 =	sld [smem:$0x3FDB];
	_ =	sdelay $0x1  }
0x99: {  	s19 =	simm.s32 $_scs_section_size  }
0x9a: {  	s4 =	simm.s32 $_size__tile_overlayer_lowered;
	s5 =	simm.s32 $_tile_overlayer_lowered  }
0x9b: {  	s22 =	simm.s32 $0x1BFF;
	s21 =	sshll.u32 s5, $0x1;
	s2 =	sadd.s32 s19, s18  }
0x9c: {  	s6 =	simm.s32 $0x0;
	s20 =	sshll.u32 s4, $0x1;
	s4 =	sadd.s32 s21, s2  }
0x9d: {  	[timem:s6], [sflag:s22] =	dma.local [hbm:s4], s20  }
0x9e: {  	_ =	swait.ge [sflag:s22], s20  }
0x9f: {  	s3 =	ssub.s32 $0x0, s20;
	[sflag:s22] =	ssyncset.done $0x0  }
0xa0: {  	[sflag:s22] =	ssyncadd.s32 s3;
	_ =	sdelay $0x1  }
0xa1: {  	s23 =	simm.s32 $0x1B8B  }
0xa2: {  	_ =	swait.ge [sflag:s23], $0x1  }
0xa3: {  	[sflag:s23] =	ssyncset.done $0x0  }
0xa4: {  	s25 =	simm.s32 $0x1B8E;
	s24 =	sld [smem:$0x3FFE];
	[sflag:s23] =	ssyncadd.s32 $0xFFFFFFFF  }
0xa5: {  	s26 =	simm.s32 $execute0_lowered;
	[smem:$0x3FD2] =	sst s25  }
0xa6: {  	s4 =	sshll.u32 s26, $0x1;
	_ =	strace $0x80000046;
	[dreg:$0x1] =	wrdreg $0xFFFFFFFF  }
0xa7: {  	s28 =	simm.s32 $_size_execute0_lowered;
	s2 =	sadd.s32 s2, s4;
	[dreg:$0x0] =	wrdreg $0x0  }
0xa8: {  	s4 =	sshll.u32 s28, $0x1;
	[dreg:$0x2] =	wrdreg s2  }
0xa9: {  	[dreg:$0x3] =	wrdreg s4  }
0xaa: {  	[dreg:$0x4] =	wrdreg $0xC0  }
0xab: {  	_ =	task [dreg:s6], $0x5FFFF  }
0xac: {  	[dreg:$0x1] =	wrdreg $0xFFFFFFFF  }
0xad: {  	[dreg:$0x0] =	wrdreg $0x60  }
0xae: {  	[dreg:$0x2] =	wrdreg s24  }
0xaf: {  	[dreg:$0x3] =	wrdreg $0x140000  }
0xb0: {  	[dreg:$0x4] =	wrdreg $0xA  }
0xb1: {  	_ =	task.clear_ibuf [dreg:s6], $0x5FFFF;
	_ =	strace $0x90000046  }
0xb2: {  	s29 =	simm.s32 $0xA;
	_ =	strace $0x80000048  }
0xb3: {  	_ =	swait.ge [sflag:s29], $0x1  }
0xb4: {  	[sflag:s29] =	ssyncadd.s32 $0xFFFFFFFF  }
0xb5: {  	_ =	strace $0x90000048  }
0xb6: {  	_ =	sfence  }
0xb7: {  	s30 =	sld [smem:$0x0];
	_ =	sdelay $0x2  }
0xb8: {  	s31 =	sshll.u32 s1, $0xD;
	s1 =	sshrl.u32 s1, $0x2  }
0xb9: {  	s3 =	sand.u32 $0x4000, s31;
	s1 =	sadd.s32 s1, s30  }
0xba: {  	s0 =	sor.u32 s3, s0;
	s1 =	sshll.u32 s1, $0x11  }
0xbb: {  	s0 =	sor.u32 s1, s0  }
0xbc: {  	s0 =	sadd.s32 $0x8F2B, s0  }
0xbd: {  	[sflag:s0] =	ssyncadd.remote.s32 $0x1  }
0xbe: {  	_ =	sfence.sel $0xFFFF  }
0xbf: {  	[dreg:$0x0] =	wrdreg $0xFFFFFFFF;
	(pc) =	sbr.abs _section_cstart, $3  }
0xc0: {  	[dreg:$0x1] =	wrdreg $0xFFFFFFFF  }
0xc1: {  	_ =	task.clear_ibuf [dreg:s6], $0x2FFFF;
	_ =	strace $0x9FFFFFFF  }
0xc2: {  	(tm) =	ssettm $0x7FFFFFFF  }
0xc3: {  	_ =	shalt  }
tec
execute0_lowered:
.L_overlay_start_1:
0x0: {  	(tag) =	ssettag $0x1  }
0x1: {  	s0 =	rddreg [dreg:$0x0]  }
0x2: {  	s2 =	rddreg [dreg:$0x1];
	s3 =	simm.s32 $0x0;
	s11 =	stileid.u32  }
0x3: {  	s1 =	srdreg.scid;
	s12 =	simm.s32 $0x9;
	s16 =	simm.s32 $0x100  }
0x4: {  	s17 =	simm.s32 $0x10000;
	s28 =	simm.s32 $0x5;
	s29 =	simm.s32 $0x6  }
0x5: {  	s30 =	simm.s32 $0x7;
	s31 =	simm.s32 $0x8;
	[smem:$0x7FF] =	sst s3  }
0x6: {  	s4 =	sshll.u32 s11, $0xC;
	s1 =	sand.u32 $0x1, s1;
	s5 =	sadd.s32 $0x2A2600, s0  }
0x7: {  	s8 =	sshll.u32 s11, $0x11;
	s26 =	sshll.u32 s11, $0x6;
	_ =	strace $0x80000047  }
0x8: {  	s4 =	sadd.s32 s4, s0;
	s6 =	ssub.s32 $0x2, s1;
	s0 =	sadd.s32 $0x32600, s0  }
0x9: {  	s19 =	sshrl.u32 s8, $0x2;
	s21 =	sshll.u32 s1, $0x11;
	s9 =	sshll.u32 s1, $0x5  }
0xa: {  	s1 =	sshllo.u32 s1, $0x1;
	s14 =	sor.u32 $0x1C09, s26;
	s26 =	simm.s32 $0x4  }
0xb: {  	s7 =	sshrl.u32 s6, $0x1;
	s18 =	sadd.s32 $0x12600, s4;
	s20 =	sadd.s32 $0x2600, s4  }
0xc: {  	s13 =	sadd.s32 s19, s2;
	s22 =	sor.u32 s9, s8;
	s23 =	sshll.u32 s1, $0x4  }
0xd: {  	s1 =	sshll.u32 s1, $0x10;
	s19 =	simm.s32 $0x200;
	[dreg:$0x3] =	wrdreg s18  }
0xe: {  	s10 =	ssub.s32 s6, s7;
	[dreg:$0x4] =	wrdreg s20;
	s6 =	sadd.s32 $0x22600, s4  }
0xf: {  	s7 =	sadd.s32 s5, s21;
	s4 =	sshrl.u32 s22, $0x3;
	s8 =	sor.u32 s8, s23  }
0x10: {  	s9 =	sadd.s32 s5, s1;
	s15 =	sshrl.u32 s13, $0x3;
	s18 =	simm.s32 $0x11000  }
0x11: {  	s20 =	simm.s32 $0x12000;
	s21 =	simm.s32 $0x300;
	s22 =	simm.s32 $0x13000  }
0x12: {  	s23 =	simm.s32 $0x1;
	s1 =	simm.s32 $0xFD00;
	s13 =	simm.s32 $0xFE00  }
0x13: {  	s5 =	simm.s32 $0x0;
	s4 =	sadd.s32 s0, s4;
	s24 =	sshrl.u32 s8, $0x3  }
0x14: {  	s25 =	smax.u32 s10, $0x1;
	[dreg:$0x5] =	wrdreg s4;
	s0 =	sadd.s32 s0, s24  }
0x15: {  	[dreg:$0x7] =	wrdreg s25;
	s24 =	simm.s32 $0x2;
	s25 =	simm.s32 $0x3  }
0x16: {  	s4 =	simm.s32 $0xFF00;
	[dreg:$0x6] =	wrdreg s0;
	s0 =	simm.s32 $0xFC00  }
.LBB2_1:
0x17: {  	s8 =	rddreg [dreg:$0x3]  }
0x18: {  	[tilespmem:s3], [sflag:$0x9] =	stream.linear.gather [hbm4b:s8+s3], $0x8000, $0x38;
	[tilespmem:$0x1C000] =	vst v63  }
0x19: {  	_ =	swait.ge [sflag:s12], $0x8000  }
0x1a: {  	[sflag:s12] =	ssyncset.done $0x0  }
0x1b: {  	s10 =	simm.s32 $0x8000;
	s11 =	rddreg [dreg:$0x4];
	[sflag:s12] =	ssyncadd.s32 $0xFFFF8000  }
0x1c: {  	[tilespmem:s10], [sflag:$0x9] =	stream.linear.gather [hbm4b:s11+s3], $0x8000, $0x38;
	[tilespmem:$0x1C000] =	vst v63  }
0x1d: {  	_ =	swait.ge [sflag:s12], $0x8000  }
0x1e: {  	[sflag:s12] =	ssyncset.done $0x0  }
0x1f: {  	[sflag:s12] =	ssyncadd.s32 $0xFFFF8000  }
0x20: {  	[spmem:s15], [sflag:s14] =	dma.local [hbm:s6], $0x1000  }
0x21: {  	_ =	swait.ge [sflag:s12], $0x1000  }
0x22: {  	[sflag:s12] =	ssyncset.done $0x0  }
0x23: {  	[sflag:s12] =	ssyncadd.s32 $0xFFFFF000  }
0x24: {  	[bflag:$0x0] =	sbarrier.arrive $0xFFFF  }
0x25: {  	[tilespmem:s17], [sflag:$0x1] =	stream.indirect.gather [hbm4b:s7+s16], $0x10, s3, s16, $0xb8;
	[tilespmem:$0x1C000] =	vst v63  }
0x26: {  	_ = 	snop  }
0x27: {  	[tilespmem:s18], [sflag:$0x2] =	stream.indirect.gather [hbm4b:s7+s16], $0x10, s16, s16, $0xb8;
	[tilespmem:$0x1C000] =	vst v63  }
0x28: {  	_ = 	snop  }
0x29: {  	[tilespmem:s20], [sflag:$0x3] =	stream.indirect.gather [hbm4b:s7+s16], $0x10, s19, s16, $0xb8;
	[tilespmem:$0x1C000] =	vst v63  }
0x2a: {  	_ = 	snop  }
0x2b: {  	[tilespmem:s22], [sflag:$0x4] =	stream.indirect.gather [hbm4b:s7+s16], $0x10, s21, s16, $0xb8;
	[tilespmem:$0x1C000] =	vst v63  }
0x2c: {  	_ =	swait.ge [sflag:s23], $0x1000  }
0x2d: {  	[sflag:s23] =	ssyncset.done $0x0  }
0x2e: {  	s11 =	simm.s32 $0x8000;
	[sflag:s23] =	ssyncadd.s32 $0xFFFFF000  }
0x2f: {  	[spmem:s2] =	stream.indirect.scatter.add.f32 [tilespmem:s17], [sflag:$0x5], $0x10, s11, s16, $0xb8;
	[tilespmem:$0x1C000] =	vst v63  }
0x30: {  	_ =	swait.ge [sflag:s24], $0x1000  }
0x31: {  	[sflag:s24] =	ssyncset.done $0x0  }
0x32: {  	s10 =	simm.s32 $0x8100;
	[sflag:s24] =	ssyncadd.s32 $0xFFFFF000  }
0x33: {  	[spmem:s2] =	stream.indirect.scatter.add.f32 [tilespmem:s18], [sflag:$0x6], $0x10, s10, s16, $0xb8;
	[tilespmem:$0x1C000] =	vst v63  }
0x34: {  	_ =	swait.ge [sflag:s25], $0x1000  }
0x35: {  	[sflag:s25] =	ssyncset.done $0x0  }
0x36: {  	s11 =	simm.s32 $0x8200;
	[sflag:s25] =	ssyncadd.s32 $0xFFFFF000  }
0x37: {  	[spmem:s2] =	stream.indirect.scatter.add.f32 [tilespmem:s20], [sflag:$0x7], $0x10, s11, s16, $0xb8;
	[tilespmem:$0x1C000] =	vst v63  }
0x38: {  	_ =	swait.ge [sflag:s26], $0x1000  }
0x39: {  	[sflag:s26] =	ssyncset.done $0x0  }
0x3a: {  	s10 =	simm.s32 $0x8300;
	[sflag:s26] =	ssyncadd.s32 $0xFFFFF000  }
0x3b: {  	[spmem:s2] =	stream.indirect.scatter.add.f32 [tilespmem:s22], [sflag:$0x8], $0x10, s10, s16, $0xb8;
	[tilespmem:$0x1C000] =	vst v63  }
0x3c: {  	_ =	swait.ge [sflag:s28], $0x1000  }
0x3d: {  	[sflag:s28] =	ssyncset.done $0x0  }
0x3e: {  	s11 =	simm.s32 $0x400;
	[sflag:s28] =	ssyncadd.s32 $0xFFFFF000  }
0x3f: {  	[tilespmem:s17], [sflag:$0x1] =	stream.indirect.gather [hbm4b:s7+s16], $0x10, s11, s16, $0xb8;
	[tilespmem:$0x1C000] =	vst v63  }
0x40: {  	_ =	swait.ge [sflag:s29], $0x1000  }
0x41: {  	[sflag:s29] =	ssyncset.done $0x0  }
0x42: {  	s10 =	simm.s32 $0x500;
	[sflag:s29] =	ssyncadd.s32 $0xFFFFF000  }
0x43: {  	[tilespmem:s18], [sflag:$0x2] =	stream.indirect.gather [hbm4b:s7+s16], $0x10, s10, s16, $0xb8;
	[tilespmem:$0x1C000] =	vst v63  }
0x44: {  	_ =	swait.ge [sflag:s30], $0x1000  }
0x45: {  	[sflag:s30] =	ssyncset.done $0x0  }
0x46: {  	s11 =	simm.s32 $0x600;
	[sflag:s30] =	ssyncadd.s32 $0xFFFFF000  }
0x47: {  	[tilespmem:s20], [sflag:$0x3] =	stream.indirect.gather [hbm4b:s7+s16], $0x10, s11, s16, $0xb8;
	[tilespmem:$0x1C000] =	vst v63  }
0x48: {  	_ =	swait.ge [sflag:s31], $0x1000  }
0x49: {  	[sflag:s31] =	ssyncset.done $0x0  }
0x4a: {  	s8 =	simm.s32 $0x1000;
	s10 =	simm.s32 $0x700;
	[sflag:s31] =	ssyncadd.s32 $0xFFFFF000  }
.LBB2_2:
0x4b: {  	[tilespmem:s22], [sflag:$0x4] =	stream.indirect.gather [hbm4b:s7+s16], $0x10, s10, s16, $0xb8;
	[tilespmem:$0x1C000] =	vst v63  }
0x4c: {  	s10 =	smov.u32 s8  }
0x4d: {  	p0 =	sne.s32 s8, $0x1E000;
	s8 =	sadd.s32 $0x1000, s8;
	_ =	swait.ge [sflag:s23], $0x1000  }
0x4e: {  	s10 =	sshra.s32 s10, $0x2;
	[sflag:s23] =	ssyncset.done $0x0  }
0x4f: {  	s11 =	sadd.s32 $0x8000, s10;
	[sflag:s23] =	ssyncadd.s32 $0xFFFFF000  }
0x50: {  	[spmem:s2] =	stream.indirect.scatter.add.f32 [tilespmem:s17], [sflag:$0x5], $0x10, s11, s16, $0xb8;
	[tilespmem:$0x1C000] =	vst v63  }
0x51: {  	_ =	swait.ge [sflag:s24], $0x1000  }
0x52: {  	[sflag:s24] =	ssyncset.done $0x0  }
0x53: {  	s11 =	sadd.s32 $0x8100, s10;
	[sflag:s24] =	ssyncadd.s32 $0xFFFFF000  }
0x54: {  	[spmem:s2] =	stream.indirect.scatter.add.f32 [tilespmem:s18], [sflag:$0x6], $0x10, s11, s16, $0xb8;
	[tilespmem:$0x1C000] =	vst v63  }
0x55: {  	_ =	swait.ge [sflag:s25], $0x1000  }
0x56: {  	[sflag:s25] =	ssyncset.done $0x0  }
0x57: {  	s11 =	sadd.s32 $0x8200, s10;
	[sflag:s25] =	ssyncadd.s32 $0xFFFFF000  }
0x58: {  	[spmem:s2] =	stream.indirect.scatter.add.f32 [tilespmem:s20], [sflag:$0x7], $0x10, s11, s16, $0xb8;
	[tilespmem:$0x1C000] =	vst v63  }
0x59: {  	_ =	swait.ge [sflag:s26], $0x1000  }
0x5a: {  	[sflag:s26] =	ssyncset.done $0x0  }
0x5b: {  	s11 =	sadd.s32 $0x8300, s10;
	[sflag:s26] =	ssyncadd.s32 $0xFFFFF000  }
0x5c: {  	[spmem:s2] =	stream.indirect.scatter.add.f32 [tilespmem:s22], [sflag:$0x8], $0x10, s11, s16, $0xb8;
	[tilespmem:$0x1C000] =	vst v63  }
0x5d: {  	_ =	swait.ge [sflag:s28], $0x1000  }
0x5e: {  	[sflag:s28] =	ssyncset.done $0x0  }
0x5f: {  	s11 =	sadd.s32 $0x400, s10;
	[sflag:s28] =	ssyncadd.s32 $0xFFFFF000  }
0x60: {  	[tilespmem:s17], [sflag:$0x1] =	stream.indirect.gather [hbm4b:s7+s16], $0x10, s11, s16, $0xb8;
	[tilespmem:$0x1C000] =	vst v63  }
0x61: {  	_ =	swait.ge [sflag:s29], $0x1000  }
0x62: {  	[sflag:s29] =	ssyncset.done $0x0  }
0x63: {  	s11 =	sadd.s32 $0x500, s10;
	[sflag:s29] =	ssyncadd.s32 $0xFFFFF000  }
0x64: {  	[tilespmem:s18], [sflag:$0x2] =	stream.indirect.gather [hbm4b:s7+s16], $0x10, s11, s16, $0xb8;
	[tilespmem:$0x1C000] =	vst v63  }
0x65: {  	_ =	swait.ge [sflag:s30], $0x1000  }
0x66: {  	[sflag:s30] =	ssyncset.done $0x0  }
.Ltmp0:
0x67: {  	s11 =	sadd.s32 $0x600, s10;
	[sflag:s30] =	ssyncadd.s32 $0xFFFFF000;
	(pc) =	sbr.rel @p0 .LBB2_2-.Ltmp0, $4  }
0x68: {  	[tilespmem:s20], [sflag:$0x3] =	stream.indirect.gather [hbm4b:s7+s16], $0x10, s11, s16, $0xb8;
	[tilespmem:$0x1C000] =	vst v63  }
0x69: {  	_ =	swait.ge [sflag:s31], $0x1000  }
0x6a: {  	[sflag:s31] =	ssyncset.done $0x0  }
0x6b: {  	s10 =	sadd.s32 $0x700, s10;
	[sflag:s31] =	ssyncadd.s32 $0xFFFFF000  }
0x6c: {  	[tilespmem:s22], [sflag:$0x4] =	stream.indirect.gather [hbm4b:s7+s16], $0x10, s10, s16, $0xb8;
	[tilespmem:$0x1C000] =	vst v63  }
0x6d: {  	_ =	swait.ge [sflag:s23], $0x1000  }
0x6e: {  	[sflag:s23] =	ssyncset.done $0x0  }
0x6f: {  	[sflag:s23] =	ssyncadd.s32 $0xFFFFF000  }
0x70: {  	[spmem:s2] =	stream.indirect.scatter.add.f32 [tilespmem:s17], [sflag:$0x5], $0x10, s0, s16, $0xb8;
	[tilespmem:$0x1C000] =	vst v63  }
0x71: {  	_ =	swait.ge [sflag:s24], $0x1000  }
0x72: {  	[sflag:s24] =	ssyncset.done $0x0  }
0x73: {  	[sflag:s24] =	ssyncadd.s32 $0xFFFFF000  }
0x74: {  	[spmem:s2] =	stream.indirect.scatter.add.f32 [tilespmem:s18], [sflag:$0x6], $0x10, s1, s16, $0xb8;
	[tilespmem:$0x1C000] =	vst v63  }
0x75: {  	_ =	swait.ge [sflag:s25], $0x1000  }
0x76: {  	[sflag:s25] =	ssyncset.done $0x0  }
0x77: {  	[sflag:s25] =	ssyncadd.s32 $0xFFFFF000  }
0x78: {  	[spmem:s2] =	stream.indirect.scatter.add.f32 [tilespmem:s20], [sflag:$0x7], $0x10, s13, s16, $0xb8;
	[tilespmem:$0x1C000] =	vst v63  }
0x79: {  	_ =	swait.ge [sflag:s26], $0x1000  }
0x7a: {  	[sflag:s26] =	ssyncset.done $0x0  }
0x7b: {  	[sflag:s26] =	ssyncadd.s32 $0xFFFFF000  }
0x7c: {  	[spmem:s2] =	stream.indirect.scatter.add.f32 [tilespmem:s22], [sflag:$0x8], $0x10, s4, s16, $0xb8;
	[tilespmem:$0x1C000] =	vst v63  }
0x7d: {  	_ =	swait.ge [sflag:s28], $0x1000  }
0x7e: {  	[sflag:s28] =	ssyncset.done $0x0  }
0x7f: {  	[sflag:s28] =	ssyncadd.s32 $0xFFFFF000  }
0x80: {  	_ =	swait.ge [sflag:s29], $0x1000  }
0x81: {  	[sflag:s29] =	ssyncset.done $0x0  }
0x82: {  	[sflag:s29] =	ssyncadd.s32 $0xFFFFF000  }
0x83: {  	_ =	swait.ge [sflag:s30], $0x1000  }
0x84: {  	[sflag:s30] =	ssyncset.done $0x0  }
0x85: {  	[sflag:s30] =	ssyncadd.s32 $0xFFFFF000  }
0x86: {  	_ =	swait.ge [sflag:s31], $0x1000  }
0x87: {  	[sflag:s31] =	ssyncset.done $0x0  }
0x88: {  	[sflag:s31] =	ssyncadd.s32 $0xFFFFF000  }
0x89: {  	[bflag:$0x0] =	sbarrier.arrive $0xFFFF  }
0x8a: {  	s8 =	rddreg [dreg:$0x5]  }
0x8b: {  	[hbm:s8@s31], [sflag:s14] =	dma.strided [spmem:s15@s24], $0x1000, s23, $0x2   }
0x8c: {  	_ =	swait.ge [sflag:s12], $0x1000  }
0x8d: {  	[sflag:s12] =	ssyncset.done $0x0  }
0x8e: {  	[sflag:s12] =	ssyncadd.s32 $0xFFFFF000  }
0x8f: {  	[bflag:$0x0] =	sbarrier.arrive $0xFFFF  }
0x90: {  	[spmem:s15], [sflag:s14] =	dma.local [hbm:s6], $0x1000  }
0x91: {  	_ =	swait.ge [sflag:s12], $0x1000  }
0x92: {  	[sflag:s12] =	ssyncset.done $0x0  }
0x93: {  	[sflag:s12] =	ssyncadd.s32 $0xFFFFF000  }
0x94: {  	s10 =	simm.s32 $0x0;
	[bflag:$0x0] =	sbarrier.arrive $0xFFFF  }
0x95: {  	[tilespmem:s17], [sflag:$0x1] =	stream.indirect.gather [hbm4b:s9+s16], $0x10, s10, s16, $0xb8;
	[tilespmem:$0x1C000] =	vst v63  }
0x96: {  	_ = 	snop  }
0x97: {  	[tilespmem:s18], [sflag:$0x2] =	stream.indirect.gather [hbm4b:s9+s16], $0x10, s16, s16, $0xb8;
	[tilespmem:$0x1C000] =	vst v63  }
0x98: {  	_ = 	snop  }
0x99: {  	[tilespmem:s20], [sflag:$0x3] =	stream.indirect.gather [hbm4b:s9+s16], $0x10, s19, s16, $0xb8;
	[tilespmem:$0x1C000] =	vst v63  }
0x9a: {  	_ = 	snop  }
0x9b: {  	[tilespmem:s22], [sflag:$0x4] =	stream.indirect.gather [hbm4b:s9+s16], $0x10, s21, s16, $0xb8;
	[tilespmem:$0x1C000] =	vst v63  }
0x9c: {  	_ =	swait.ge [sflag:s23], $0x1000  }
0x9d: {  	[sflag:s23] =	ssyncset.done $0x0  }
0x9e: {  	s11 =	simm.s32 $0x8000;
	[sflag:s23] =	ssyncadd.s32 $0xFFFFF000  }
0x9f: {  	[spmem:s2] =	stream.indirect.scatter.add.f32 [tilespmem:s17], [sflag:$0x5], $0x10, s11, s16, $0xb8;
	[tilespmem:$0x1C000] =	vst v63  }
0xa0: {  	_ =	swait.ge [sflag:s24], $0x1000  }
0xa1: {  	[sflag:s24] =	ssyncset.done $0x0  }
0xa2: {  	s10 =	simm.s32 $0x8100;
	[sflag:s24] =	ssyncadd.s32 $0xFFFFF000  }
0xa3: {  	[spmem:s2] =	stream.indirect.scatter.add.f32 [tilespmem:s18], [sflag:$0x6], $0x10, s10, s16, $0xb8;
	[tilespmem:$0x1C000] =	vst v63  }
0xa4: {  	_ =	swait.ge [sflag:s25], $0x1000  }
0xa5: {  	[sflag:s25] =	ssyncset.done $0x0  }
0xa6: {  	s11 =	simm.s32 $0x8200;
	[sflag:s25] =	ssyncadd.s32 $0xFFFFF000  }
0xa7: {  	[spmem:s2] =	stream.indirect.scatter.add.f32 [tilespmem:s20], [sflag:$0x7], $0x10, s11, s16, $0xb8;
	[tilespmem:$0x1C000] =	vst v63  }
0xa8: {  	_ =	swait.ge [sflag:s26], $0x1000  }
0xa9: {  	[sflag:s26] =	ssyncset.done $0x0  }
0xaa: {  	s10 =	simm.s32 $0x8300;
	[sflag:s26] =	ssyncadd.s32 $0xFFFFF000  }
0xab: {  	[spmem:s2] =	stream.indirect.scatter.add.f32 [tilespmem:s22], [sflag:$0x8], $0x10, s10, s16, $0xb8;
	[tilespmem:$0x1C000] =	vst v63  }
0xac: {  	_ =	swait.ge [sflag:s28], $0x1000  }
0xad: {  	[sflag:s28] =	ssyncset.done $0x0  }
0xae: {  	s11 =	simm.s32 $0x400;
	[sflag:s28] =	ssyncadd.s32 $0xFFFFF000  }
0xaf: {  	[tilespmem:s17], [sflag:$0x1] =	stream.indirect.gather [hbm4b:s9+s16], $0x10, s11, s16, $0xb8;
	[tilespmem:$0x1C000] =	vst v63  }
0xb0: {  	_ =	swait.ge [sflag:s29], $0x1000  }
0xb1: {  	[sflag:s29] =	ssyncset.done $0x0  }
0xb2: {  	s10 =	simm.s32 $0x500;
	[sflag:s29] =	ssyncadd.s32 $0xFFFFF000  }
0xb3: {  	[tilespmem:s18], [sflag:$0x2] =	stream.indirect.gather [hbm4b:s9+s16], $0x10, s10, s16, $0xb8;
	[tilespmem:$0x1C000] =	vst v63  }
0xb4: {  	_ =	swait.ge [sflag:s30], $0x1000  }
0xb5: {  	[sflag:s30] =	ssyncset.done $0x0  }
0xb6: {  	s11 =	simm.s32 $0x600;
	[sflag:s30] =	ssyncadd.s32 $0xFFFFF000  }
0xb7: {  	[tilespmem:s20], [sflag:$0x3] =	stream.indirect.gather [hbm4b:s9+s16], $0x10, s11, s16, $0xb8;
	[tilespmem:$0x1C000] =	vst v63  }
0xb8: {  	_ =	swait.ge [sflag:s31], $0x1000  }
0xb9: {  	[sflag:s31] =	ssyncset.done $0x0  }
0xba: {  	s8 =	simm.s32 $0x1000;
	s10 =	simm.s32 $0x700;
	[sflag:s31] =	ssyncadd.s32 $0xFFFFF000  }
.LBB2_4:
0xbb: {  	[tilespmem:s22], [sflag:$0x4] =	stream.indirect.gather [hbm4b:s9+s16], $0x10, s10, s16, $0xb8;
	[tilespmem:$0x1C000] =	vst v63  }
0xbc: {  	s10 =	smov.u32 s8  }
0xbd: {  	p0 =	sne.s32 s8, $0x1E000;
	s8 =	sadd.s32 $0x1000, s8;
	_ =	swait.ge [sflag:s23], $0x1000  }
0xbe: {  	s10 =	sshra.s32 s10, $0x2;
	[sflag:s23] =	ssyncset.done $0x0  }
0xbf: {  	s11 =	sadd.s32 $0x8000, s10;
	[sflag:s23] =	ssyncadd.s32 $0xFFFFF000  }
0xc0: {  	[spmem:s2] =	stream.indirect.scatter.add.f32 [tilespmem:s17], [sflag:$0x5], $0x10, s11, s16, $0xb8;
	[tilespmem:$0x1C000] =	vst v63  }
0xc1: {  	_ =	swait.ge [sflag:s24], $0x1000  }
0xc2: {  	[sflag:s24] =	ssyncset.done $0x0  }
0xc3: {  	s11 =	sadd.s32 $0x8100, s10;
	[sflag:s24] =	ssyncadd.s32 $0xFFFFF000  }
0xc4: {  	[spmem:s2] =	stream.indirect.scatter.add.f32 [tilespmem:s18], [sflag:$0x6], $0x10, s11, s16, $0xb8;
	[tilespmem:$0x1C000] =	vst v63  }
0xc5: {  	_ =	swait.ge [sflag:s25], $0x1000  }
0xc6: {  	[sflag:s25] =	ssyncset.done $0x0  }
0xc7: {  	s11 =	sadd.s32 $0x8200, s10;
	[sflag:s25] =	ssyncadd.s32 $0xFFFFF000  }
0xc8: {  	[spmem:s2] =	stream.indirect.scatter.add.f32 [tilespmem:s20], [sflag:$0x7], $0x10, s11, s16, $0xb8;
	[tilespmem:$0x1C000] =	vst v63  }
0xc9: {  	_ =	swait.ge [sflag:s26], $0x1000  }
0xca: {  	[sflag:s26] =	ssyncset.done $0x0  }
0xcb: {  	s11 =	sadd.s32 $0x8300, s10;
	[sflag:s26] =	ssyncadd.s32 $0xFFFFF000  }
0xcc: {  	[spmem:s2] =	stream.indirect.scatter.add.f32 [tilespmem:s22], [sflag:$0x8], $0x10, s11, s16, $0xb8;
	[tilespmem:$0x1C000] =	vst v63  }
0xcd: {  	_ =	swait.ge [sflag:s28], $0x1000  }
0xce: {  	[sflag:s28] =	ssyncset.done $0x0  }
0xcf: {  	s11 =	sadd.s32 $0x400, s10;
	[sflag:s28] =	ssyncadd.s32 $0xFFFFF000  }
0xd0: {  	[tilespmem:s17], [sflag:$0x1] =	stream.indirect.gather [hbm4b:s9+s16], $0x10, s11, s16, $0xb8;
	[tilespmem:$0x1C000] =	vst v63  }
0xd1: {  	_ =	swait.ge [sflag:s29], $0x1000  }
0xd2: {  	[sflag:s29] =	ssyncset.done $0x0  }
0xd3: {  	s11 =	sadd.s32 $0x500, s10;
	[sflag:s29] =	ssyncadd.s32 $0xFFFFF000  }
0xd4: {  	[tilespmem:s18], [sflag:$0x2] =	stream.indirect.gather [hbm4b:s9+s16], $0x10, s11, s16, $0xb8;
	[tilespmem:$0x1C000] =	vst v63  }
0xd5: {  	_ =	swait.ge [sflag:s30], $0x1000  }
0xd6: {  	[sflag:s30] =	ssyncset.done $0x0  }
.Ltmp1:
0xd7: {  	s11 =	sadd.s32 $0x600, s10;
	[sflag:s30] =	ssyncadd.s32 $0xFFFFF000;
	(pc) =	sbr.rel @p0 .LBB2_4-.Ltmp1, $4  }
0xd8: {  	[tilespmem:s20], [sflag:$0x3] =	stream.indirect.gather [hbm4b:s9+s16], $0x10, s11, s16, $0xb8;
	[tilespmem:$0x1C000] =	vst v63  }
0xd9: {  	_ =	swait.ge [sflag:s31], $0x1000  }
0xda: {  	[sflag:s31] =	ssyncset.done $0x0  }
0xdb: {  	s10 =	sadd.s32 $0x700, s10;
	[sflag:s31] =	ssyncadd.s32 $0xFFFFF000  }
0xdc: {  	[tilespmem:s22], [sflag:$0x4] =	stream.indirect.gather [hbm4b:s9+s16], $0x10, s10, s16, $0xb8;
	[tilespmem:$0x1C000] =	vst v63  }
0xdd: {  	_ =	swait.ge [sflag:s23], $0x1000  }
0xde: {  	[sflag:s23] =	ssyncset.done $0x0  }
0xdf: {  	[sflag:s23] =	ssyncadd.s32 $0xFFFFF000  }
0xe0: {  	[spmem:s2] =	stream.indirect.scatter.add.f32 [tilespmem:s17], [sflag:$0x5], $0x10, s0, s16, $0xb8;
	[tilespmem:$0x1C000] =	vst v63  }
0xe1: {  	_ =	swait.ge [sflag:s24], $0x1000  }
0xe2: {  	[sflag:s24] =	ssyncset.done $0x0  }
0xe3: {  	[sflag:s24] =	ssyncadd.s32 $0xFFFFF000  }
0xe4: {  	[spmem:s2] =	stream.indirect.scatter.add.f32 [tilespmem:s18], [sflag:$0x6], $0x10, s1, s16, $0xb8;
	[tilespmem:$0x1C000] =	vst v63  }
0xe5: {  	_ =	swait.ge [sflag:s25], $0x1000  }
0xe6: {  	[sflag:s25] =	ssyncset.done $0x0  }
0xe7: {  	[sflag:s25] =	ssyncadd.s32 $0xFFFFF000  }
0xe8: {  	[spmem:s2] =	stream.indirect.scatter.add.f32 [tilespmem:s20], [sflag:$0x7], $0x10, s13, s16, $0xb8;
	[tilespmem:$0x1C000] =	vst v63  }
0xe9: {  	_ =	swait.ge [sflag:s26], $0x1000  }
0xea: {  	[sflag:s26] =	ssyncset.done $0x0  }
0xeb: {  	[sflag:s26] =	ssyncadd.s32 $0xFFFFF000  }
0xec: {  	[spmem:s2] =	stream.indirect.scatter.add.f32 [tilespmem:s22], [sflag:$0x8], $0x10, s4, s16, $0xb8;
	[tilespmem:$0x1C000] =	vst v63  }
0xed: {  	_ =	swait.ge [sflag:s28], $0x1000  }
0xee: {  	[sflag:s28] =	ssyncset.done $0x0  }
0xef: {  	[sflag:s28] =	ssyncadd.s32 $0xFFFFF000  }
0xf0: {  	_ =	swait.ge [sflag:s29], $0x1000  }
0xf1: {  	[sflag:s29] =	ssyncset.done $0x0  }
0xf2: {  	[sflag:s29] =	ssyncadd.s32 $0xFFFFF000  }
0xf3: {  	_ =	swait.ge [sflag:s30], $0x1000  }
0xf4: {  	[sflag:s30] =	ssyncset.done $0x0  }
0xf5: {  	[sflag:s30] =	ssyncadd.s32 $0xFFFFF000  }
0xf6: {  	_ =	swait.ge [sflag:s31], $0x1000  }
0xf7: {  	[sflag:s31] =	ssyncset.done $0x0  }
0xf8: {  	[sflag:s31] =	ssyncadd.s32 $0xFFFFF000  }
0xf9: {  	[bflag:$0x0] =	sbarrier.arrive $0xFFFF  }
0xfa: {  	s8 =	rddreg [dreg:$0x6]  }
0xfb: {  	[hbm:s8@s31], [sflag:s14] =	dma.strided [spmem:s15@s24], $0x1000, s23, $0x2   }
0xfc: {  	_ =	swait.ge [sflag:s12], $0x1000  }
0xfd: {  	s5 =	sadd.s32 $0x1, s5;
	s11 =	rddreg [dreg:$0x7]  }
0xfe: {  	p0 =	sne.s32 s5, s11  }
.Ltmp2:
0xff: {  	_ = 	snop;
	(pc) =	sbr.rel @p0 .LBB2_1-.Ltmp2, $3  }
0x100: {  	[sflag:s12] =	ssyncset.done $0x0  }
0x101: {  	[sflag:s12] =	ssyncadd.s32 $0xFFFFF000  }
0x102: {  	[bflag:$0x0] =	sbarrier.arrive $0xFFFF;
	_ =	sdelay $0x1  }
0x103: {  	_ =	sfence.sel $0x180000  }
0x104: {  	[bflag:$0x0] =	sbarrier.arrive $0xFFFF  }
0x105: {  	_ =	strace $0x90000047  }
0x106: {  	s0 =	stileid.u32;
	[bflag:$0x2] =	sbarrier.arrive $0xFFFF  }
0x107: {  	p0 =	sne.s32 s0, $0x0;
	s0 =	rddreg [dreg:$0x2]  }
0x108: {  	s0 =	sadd.s32 @!p0 $0x100000, s0  }
0x109: {  	[sflag:s0] =	ssyncadd.tile.s32 @!p0 $0x1;
	_ =	shalt  }
.Lfunc_end2:
_tile_overlayer_lowered:
.L_overlay_start_2:
0x10a: {  	(tag) =	ssettag $0x2  }
0x10b: {  	s0 =	rddreg [dreg:$0x0];
	s2 =	stileid.u32  }
0x10c: {  	s1 =	rddreg [dreg:$0x1];
	p0 =	sne.s32 s2, $0x0  }
0x10d: {  	s3 =	rddreg [dreg:$0x2];
	[bflag:$0x3] =	sbarrier.arrive $0xFFFF;
	s2 =	simm.s32 @!p0 $0x1C09  }
0x10e: {  	[timem:s3], [sflag:s2] =	dma.local @!p0 [hbm:s0], s1  }
0x10f: {  	s0 =	simm.s32 @!p0 $0x9  }
0x110: {  	_ =	swait.ge @!p0 [sflag:s0], s1  }
0x111: {  	s1 =	ssub.s32 @!p0 $0x0, s1;
	[sflag:s0] =	ssyncset.done @!p0 $0x0  }
0x112: {  	[sflag:s0] =	ssyncadd.s32 @!p0 s1  }
0x113: {  	[bflag:$0x3] =	sbarrier.arrive $0xFFFF  }
0x114: {  	_ =	shalt  }

// kernel: kernel.14.cloned.1.call-start
scs
__scs_entry_jumppad:
0x0: {  	(pc) =	sbr.rel $0x88, $3  }
0x1: {  	(tag) =	ssettag $0x0;
	lr =	simm.s32 $0x1  }
0x2: {  	[smem:$0x3F91] =	sst lr;
	_ =	strace $0xD0000000  }
0x3: {  	_ = 	snop  }
0x4: {  	_ = 	snop  }
0x5: {  	_ = 	snop  }
0x6: {  	_ = 	snop  }
0x7: {  	_ = 	snop  }
__scs_overlays_trampoline_lowered:
0x8: {  	[smem:$0x3FA0] =	sst s0  }
0x9: {  	[smem:$0x3FA1] =	sst s1  }
0xa: {  	[smem:$0x3FA2] =	sst s2  }
0xb: {  	[smem:$0x3FA3] =	sst s3  }
0xc: {  	[smem:$0x3FA4] =	sst s4  }
0xd: {  	[smem:$0x3FA5] =	sst s5  }
0xe: {  	[smem:$0x3FA6] =	sst s6  }
0xf: {  	[smem:$0x3FA7] =	sst s7  }
0x10: {  	[smem:$0x3FA8] =	sst s8  }
0x11: {  	[smem:$0x3FA9] =	sst s9;
	s0 =	simm.s32 @!p0 $0x0  }
0x12: {  	s1 =	sld [smem:$0x3F8F];
	s0 =	simm.s32 @p0 $0x1  }
0x13: {  	[smem:$0x3FAA] =	sst s0;
	s0 =	simm.s32 @!p1 $0x0  }
0x14: {  	s2 =	sld [smem:$0x3F8E];
	s0 =	simm.s32 @p1 $0x1  }
0x15: {  	[smem:$0x3FAB] =	sst s0;
	s0 =	simm.s32 @!p2 $0x0  }
0x16: {  	s3 =	sld [smem:$0x3FDB];
	s0 =	simm.s32 @p2 $0x1  }
0x17: {  	s4 =	simm.s32 $0x1BF5;
	[smem:$0x3FAD] =	sst s0  }
0x18: {  	s0 =	sld [smem:$0x3F90];
	_ =	swait.ge [sflag:s4], $0x0  }
0x19: {  	s7 =	sld [smem:$0x3F91]  }
0x1a: {  	s8 =	sadd.s32 $0xFFFFE003, lr  }
0x1b: {  	s9 =	sadd.s32 $0xFFFFFEF7, lr;
	s5 =	simm.s32 $0xFFFFFFFF;
	p2 =	slt.u32 s8, $0xFFFFF086  }
0x1c: {  	p1 =	slt.u32 s9, $0xF7A;
	s5 =	simm.s32 @!p2 $0x0  }
0x1d: {  	s5 =	simm.s32 @p1 $0x1;
	p0 =	seq.s32 s7, s2  }
0x1e: {  	s7 =	smul.u32 @!p0 $0xF7A, s2;
	p2 =	seq.s32 @!p0 s5, $0x0  }
0x1f: {  	s9 =	smul.u32 $0xF7A, s1;
	s8 =	simm.s32 @!p0 $0x1BF5;
	p2 =	por !p2, p0  }
0x20: {  	[sflag:s8] =	ssyncset.s32 @!p0 $0xFFFFF086;
	s6 =	sadd.s32 @!p0 s3, s7;
	s7 =	simm.s32 @!p0 $0x108  }
0x21: {  	s3 =	sadd.s32 s3, s9;
	s6 =	sadd.s32 @!p0 $0x88, s6;
	s7 =	simm.s32 @p2 $0x1082  }
0x22: {  	[simem:s7], [sflag:s8] =	dma.local @!p0 [hbm:s6], $0xF7A  }
0x23: {  	s9 =	sor.u32 $0xD0000000, s2;
	s6 =	simm.s32 $0x108;
	_ =	swait.ge @!p0 [sflag:s8], $0x0  }
0x24: {  	s3 =	sadd.s32 $0x88, s3;
	s6 =	simm.s32 @!p1 $0x1082;
	[sflag:s4] =	ssyncset.s32 $0xFFFFF086  }
0x25: {  	[simem:s6], [sflag:s4] =	dma.local [hbm:s3], $0xF7A  }
0x26: {  	[smem:$0x3F91] =	sst s1;
	(tag) =	ssettag s2;
	_ =	strace s9  }
0x27: {  	s1 =	sld [smem:$0x3FA1]  }
0x28: {  	s2 =	sld [smem:$0x3FA2]  }
0x29: {  	s4 =	sld [smem:$0x3FA4]  }
0x2a: {  	p0 =	seq.s32 s5, $0x0;
	s5 =	sld [smem:$0x3FA5]  }
0x2b: {  	s6 =	sld [smem:$0x3FA6]  }
0x2c: {  	s7 =	sld [smem:$0x3FA7]  }
0x2d: {  	s3 =	simm.s32 $0x108;
	s8 =	sld [smem:$0x3FA8]  }
0x2e: {  	s3 =	simm.s32 @!p0 $0x1082;
	s9 =	sld [smem:$0x3FA9]  }
0x2f: {  	lr =	sadd.s32 s0, s3;
	s0 =	sld [smem:$0x3FA0]  }
0x30: {  	s3 =	sld [smem:$0x3FA3]  }
0x31: {  	[smem:$0x3FAC] =	sst s10  }
0x32: {  	s10 =	sld [smem:$0x3FAA];
	_ =	sdelay $0x3  }
0x33: {  	p0 =	seq.s32 s10, $0x1;
	s10 =	sld [smem:$0x3FAC];
	_ =	sdelay $0x3  }
0x34: {  	[smem:$0x3FAC] =	sst s10  }
0x35: {  	s10 =	sld [smem:$0x3FAB];
	_ =	sdelay $0x3  }
0x36: {  	p1 =	seq.s32 s10, $0x1;
	s10 =	sld [smem:$0x3FAC];
	_ =	sdelay $0x3  }
0x37: {  	[smem:$0x3FAC] =	sst s10  }
0x38: {  	s10 =	sld [smem:$0x3FAD]  }
0x39: {  	_ = 	snop;
	(pc) =	sbr.ind lr, $3  }
0x3a: {  	_ = 	snop  }
0x3b: {  	_ = 	snop  }
0x3c: {  	p2 =	seq.s32 s10, $0x1;
	s10 =	sld [smem:$0x3FAC]  }
0x3d: {  	_ =	shalt  }
0x3e: {  	_ =	shalt  }
0x3f: {  	_ =	shalt  }
0x40: {  	_ =	shalt  }
0x41: {  	_ =	shalt  }
0x42: {  	_ =	shalt  }
0x43: {  	_ =	shalt  }
0x44: {  	_ =	shalt  }
0x45: {  	_ =	shalt  }
0x46: {  	_ =	shalt  }
0x47: {  	_ =	shalt  }
0x48: {  	_ =	shalt  }
0x49: {  	_ =	shalt  }
0x4a: {  	_ =	shalt  }
0x4b: {  	_ =	shalt  }
0x4c: {  	_ =	shalt  }
0x4d: {  	_ =	shalt  }
0x4e: {  	_ =	shalt  }
0x4f: {  	_ =	shalt  }
0x50: {  	_ =	shalt  }
0x51: {  	_ =	shalt  }
0x52: {  	_ =	shalt  }
0x53: {  	_ =	shalt  }
0x54: {  	_ =	shalt  }
0x55: {  	_ =	shalt  }
0x56: {  	_ =	shalt  }
0x57: {  	_ =	shalt  }
0x58: {  	_ =	shalt  }
0x59: {  	_ =	shalt  }
0x5a: {  	_ =	shalt  }
0x5b: {  	_ =	shalt  }
0x5c: {  	_ =	shalt  }
0x5d: {  	_ =	shalt  }
0x5e: {  	_ =	shalt  }
0x5f: {  	_ =	shalt  }
0x60: {  	_ =	shalt  }
0x61: {  	_ =	shalt  }
0x62: {  	_ =	shalt  }
0x63: {  	_ =	shalt  }
0x64: {  	_ =	shalt  }
0x65: {  	_ =	shalt  }
0x66: {  	_ =	shalt  }
0x67: {  	_ =	shalt  }
0x68: {  	_ =	shalt  }
0x69: {  	_ =	shalt  }
0x6a: {  	_ =	shalt  }
0x6b: {  	_ =	shalt  }
0x6c: {  	_ =	shalt  }
0x6d: {  	_ =	shalt  }
0x6e: {  	_ =	shalt  }
0x6f: {  	_ =	shalt  }
0x70: {  	_ =	shalt  }
0x71: {  	_ =	shalt  }
0x72: {  	_ =	shalt  }
0x73: {  	_ =	shalt  }
0x74: {  	_ =	shalt  }
0x75: {  	_ =	shalt  }
0x76: {  	_ =	shalt  }
0x77: {  	_ =	shalt  }
0x78: {  	_ =	shalt  }
0x79: {  	_ =	shalt  }
0x7a: {  	_ =	shalt  }
0x7b: {  	_ =	shalt  }
0x7c: {  	_ =	shalt  }
0x7d: {  	_ =	shalt  }
0x7e: {  	_ =	shalt  }
0x7f: {  	_ =	shalt  }
0x80: {  	_ =	shalt  }
0x81: {  	_ =	shalt  }
0x82: {  	_ =	shalt  }
0x83: {  	_ =	shalt  }
0x84: {  	_ =	shalt  }
0x85: {  	_ =	shalt  }
0x86: {  	_ =	shalt  }
0x87: {  	_ =	shalt  }
.Lfunc_end0:
.L_simem_size_0:
called_computation.2_lowered:
.L_overlay_start_0:
0x88: {  	s2 =	sld [smem:$0x3FD9]  }
0x89: {  	s3 =	sld [smem:$0x3FFE];
	_ =	sdelay $0x1  }
0x8a: {  	s1 =	srdreg.scid  }
0x8b: {  	s0 =	sand.u32 $0x1, s1  }
0x8c: {  	s16 =	sshll.u32 s0, $0xA;
	s2 =	sadd.s32 s3, s2  }
0x8d: {  	s2 =	sadd.s32 s2, s16  }
0x8e: {  	[smem:$0x3FB8] =	sst s2  }
0x8f: {  	_ = 	snop  }
0x90: {  	(tm) =	ssettm $0x1  }
0x91: {  	s17 =	sld [smem:$0x3FFB];
	_ =	sdelay $0x3  }
0x92: {  	_ =	strace s17  }
0x93: {  	s2 =	sld [smem:$0x3FFC];
	_ =	sdelay $0x3  }
0x94: {  	_ =	strace s2  }
0x95: {  	s2 =	sld [smem:$0x3FFD];
	_ =	sdelay $0x3  }
0x96: {  	_ =	strace s2  }
0x97: {  	_ =	strace $0x8FFFFFFF  }
0x98: {  	s18 =	sld [smem:$0x3FDB];
	_ =	sdelay $0x1  }
0x99: {  	s19 =	simm.s32 $_scs_section_size  }
0x9a: {  	s4 =	simm.s32 $_size__tile_overlayer_lowered;
	s5 =	simm.s32 $_tile_overlayer_lowered  }
0x9b: {  	s22 =	simm.s32 $0x1BFF;
	s21 =	sshll.u32 s5, $0x1;
	s2 =	sadd.s32 s19, s18  }
0x9c: {  	s6 =	simm.s32 $0x0;
	s20 =	sshll.u32 s4, $0x1;
	s4 =	sadd.s32 s21, s2  }
0x9d: {  	[timem:s6], [sflag:s22] =	dma.local [hbm:s4], s20  }
0x9e: {  	_ =	swait.ge [sflag:s22], s20  }
0x9f: {  	s3 =	ssub.s32 $0x0, s20;
	[sflag:s22] =	ssyncset.done $0x0  }
0xa0: {  	[sflag:s22] =	ssyncadd.s32 s3;
	_ =	sdelay $0x1  }
0xa1: {  	s23 =	simm.s32 $0x1B8B  }
0xa2: {  	_ =	swait.ge [sflag:s23], $0x1  }
0xa3: {  	[sflag:s23] =	ssyncset.done $0x0  }
0xa4: {  	s25 =	simm.s32 $0x1B8E;
	s24 =	sld [smem:$0x3FFE];
	[sflag:s23] =	ssyncadd.s32 $0xFFFFFFFF  }
0xa5: {  	s26 =	simm.s32 $execute0_lowered;
	[smem:$0x3FD2] =	sst s25  }
0xa6: {  	s4 =	sshll.u32 s26, $0x1;
	_ =	strace $0x8000004C;
	[dreg:$0x1] =	wrdreg $0xFFFFFFFF  }
0xa7: {  	s28 =	simm.s32 $_size_execute0_lowered;
	s2 =	sadd.s32 s2, s4;
	[dreg:$0x0] =	wrdreg $0x0  }
0xa8: {  	s4 =	sshll.u32 s28, $0x1;
	[dreg:$0x2] =	wrdreg s2  }
0xa9: {  	[dreg:$0x3] =	wrdreg s4  }
0xaa: {  	[dreg:$0x4] =	wrdreg $0xC0  }
0xab: {  	_ =	task [dreg:s6], $0x5FFFF  }
0xac: {  	[dreg:$0x1] =	wrdreg $0xFFFFFFFF  }
0xad: {  	[dreg:$0x0] =	wrdreg $0x60  }
0xae: {  	[dreg:$0x2] =	wrdreg s24  }
0xaf: {  	[dreg:$0x3] =	wrdreg $0x140000  }
0xb0: {  	[dreg:$0x4] =	wrdreg $0x9  }
0xb1: {  	_ =	task.clear_ibuf [dreg:s6], $0x5FFFF;
	_ =	strace $0x9000004C  }
0xb2: {  	s29 =	simm.s32 $0x9;
	_ =	strace $0x8000004E  }
0xb3: {  	_ =	swait.ge [sflag:s29], $0x1  }
0xb4: {  	[sflag:s29] =	ssyncadd.s32 $0xFFFFFFFF  }
0xb5: {  	_ =	strace $0x9000004E  }
0xb6: {  	_ =	sfence  }
0xb7: {  	s30 =	sld [smem:$0x0];
	_ =	sdelay $0x2  }
0xb8: {  	s31 =	sshll.u32 s1, $0xD;
	s1 =	sshrl.u32 s1, $0x2  }
0xb9: {  	s3 =	sand.u32 $0x4000, s31;
	s1 =	sadd.s32 s1, s30  }
0xba: {  	s0 =	sor.u32 s3, s0;
	s1 =	sshll.u32 s1, $0x11  }
0xbb: {  	s0 =	sor.u32 s1, s0  }
0xbc: {  	s0 =	sadd.s32 $0x8F2B, s0  }
0xbd: {  	[sflag:s0] =	ssyncadd.remote.s32 $0x1  }
0xbe: {  	_ =	sfence.sel $0xFFFF  }
0xbf: {  	[dreg:$0x0] =	wrdreg $0xFFFFFFFF;
	(pc) =	sbr.abs _section_cstart, $3  }
0xc0: {  	[dreg:$0x1] =	wrdreg $0xFFFFFFFF  }
0xc1: {  	_ =	task.clear_ibuf [dreg:s6], $0x2FFFF;
	_ =	strace $0x9FFFFFFF  }
0xc2: {  	(tm) =	ssettm $0x7FFFFFFF  }
0xc3: {  	_ =	shalt  }
tec
execute0_lowered:
.L_overlay_start_1:
0x0: {  	(tag) =	ssettag $0x1  }
0x1: {  	s0 =	rddreg [dreg:$0x0]  }
0x2: {  	s2 =	rddreg [dreg:$0x1];
	s3 =	simm.s32 $0x0;
	s11 =	stileid.u32  }
0x3: {  	s1 =	srdreg.scid;
	s12 =	simm.s32 $0x9;
	s16 =	simm.s32 $0x100  }
0x4: {  	s17 =	simm.s32 $0x10000;
	s28 =	simm.s32 $0x5;
	s29 =	simm.s32 $0x6  }
0x5: {  	s30 =	simm.s32 $0x7;
	s31 =	simm.s32 $0x8;
	[smem:$0x7FF] =	sst s3  }
0x6: {  	s4 =	sshll.u32 s11, $0xC;
	s1 =	sand.u32 $0x1, s1;
	s5 =	sadd.s32 $0x212600, s0  }
0x7: {  	s8 =	sshll.u32 s11, $0x11;
	s26 =	sshll.u32 s11, $0x6;
	_ =	strace $0x8000004D  }
0x8: {  	s4 =	sadd.s32 s4, s0;
	s6 =	ssub.s32 $0x2, s1;
	s0 =	sadd.s32 $0x32600, s0  }
0x9: {  	s19 =	sshrl.u32 s8, $0x2;
	s21 =	sshll.u32 s1, $0x11;
	s9 =	sshll.u32 s1, $0x5  }
0xa: {  	s1 =	sshllo.u32 s1, $0x1;
	s14 =	sor.u32 $0x1C09, s26;
	s26 =	simm.s32 $0x4  }
0xb: {  	s7 =	sshrl.u32 s6, $0x1;
	s18 =	sadd.s32 $0x12600, s4;
	s20 =	sadd.s32 $0x2600, s4  }
0xc: {  	s13 =	sadd.s32 s19, s2;
	s22 =	sor.u32 s9, s8;
	s23 =	sshll.u32 s1, $0x4  }
0xd: {  	s1 =	sshll.u32 s1, $0x10;
	s19 =	simm.s32 $0x200;
	[dreg:$0x3] =	wrdreg s18  }
0xe: {  	s10 =	ssub.s32 s6, s7;
	[dreg:$0x4] =	wrdreg s20;
	s6 =	sadd.s32 $0x22600, s4  }
0xf: {  	s7 =	sadd.s32 s5, s21;
	s4 =	sshrl.u32 s22, $0x3;
	s8 =	sor.u32 s8, s23  }
0x10: {  	s9 =	sadd.s32 s5, s1;
	s15 =	sshrl.u32 s13, $0x3;
	s18 =	simm.s32 $0x11000  }
0x11: {  	s20 =	simm.s32 $0x12000;
	s21 =	simm.s32 $0x300;
	s22 =	simm.s32 $0x13000  }
0x12: {  	s23 =	simm.s32 $0x1;
	s1 =	simm.s32 $0xFD00;
	s13 =	simm.s32 $0xFE00  }
0x13: {  	s5 =	simm.s32 $0x0;
	s4 =	sadd.s32 s0, s4;
	s24 =	sshrl.u32 s8, $0x3  }
0x14: {  	s25 =	smax.u32 s10, $0x1;
	[dreg:$0x5] =	wrdreg s4;
	s0 =	sadd.s32 s0, s24  }
0x15: {  	[dreg:$0x7] =	wrdreg s25;
	s24 =	simm.s32 $0x2;
	s25 =	simm.s32 $0x3  }
0x16: {  	s4 =	simm.s32 $0xFF00;
	[dreg:$0x6] =	wrdreg s0;
	s0 =	simm.s32 $0xFC00  }
.LBB2_1:
0x17: {  	s8 =	rddreg [dreg:$0x3]  }
0x18: {  	[tilespmem:s3], [sflag:$0x9] =	stream.linear.gather [hbm4b:s8+s3], $0x8000, $0x38;
	[tilespmem:$0x1C000] =	vst v63  }
0x19: {  	_ =	swait.ge [sflag:s12], $0x8000  }
0x1a: {  	[sflag:s12] =	ssyncset.done $0x0  }
0x1b: {  	s10 =	simm.s32 $0x8000;
	s11 =	rddreg [dreg:$0x4];
	[sflag:s12] =	ssyncadd.s32 $0xFFFF8000  }
0x1c: {  	[tilespmem:s10], [sflag:$0x9] =	stream.linear.gather [hbm4b:s11+s3], $0x8000, $0x38;
	[tilespmem:$0x1C000] =	vst v63  }
0x1d: {  	_ =	swait.ge [sflag:s12], $0x8000  }
0x1e: {  	[sflag:s12] =	ssyncset.done $0x0  }
0x1f: {  	[sflag:s12] =	ssyncadd.s32 $0xFFFF8000  }
0x20: {  	[spmem:s15], [sflag:s14] =	dma.local [hbm:s6], $0x1000  }
0x21: {  	_ =	swait.ge [sflag:s12], $0x1000  }
0x22: {  	[sflag:s12] =	ssyncset.done $0x0  }
0x23: {  	[sflag:s12] =	ssyncadd.s32 $0xFFFFF000  }
0x24: {  	[bflag:$0x0] =	sbarrier.arrive $0xFFFF  }
0x25: {  	[tilespmem:s17], [sflag:$0x1] =	stream.indirect.gather [hbm4b:s7+s16], $0x10, s3, s16, $0xb8;
	[tilespmem:$0x1C000] =	vst v63  }
0x26: {  	_ = 	snop  }
0x27: {  	[tilespmem:s18], [sflag:$0x2] =	stream.indirect.gather [hbm4b:s7+s16], $0x10, s16, s16, $0xb8;
	[tilespmem:$0x1C000] =	vst v63  }
0x28: {  	_ = 	snop  }
0x29: {  	[tilespmem:s20], [sflag:$0x3] =	stream.indirect.gather [hbm4b:s7+s16], $0x10, s19, s16, $0xb8;
	[tilespmem:$0x1C000] =	vst v63  }
0x2a: {  	_ = 	snop  }
0x2b: {  	[tilespmem:s22], [sflag:$0x4] =	stream.indirect.gather [hbm4b:s7+s16], $0x10, s21, s16, $0xb8;
	[tilespmem:$0x1C000] =	vst v63  }
0x2c: {  	_ =	swait.ge [sflag:s23], $0x1000  }
0x2d: {  	[sflag:s23] =	ssyncset.done $0x0  }
0x2e: {  	s11 =	simm.s32 $0x8000;
	[sflag:s23] =	ssyncadd.s32 $0xFFFFF000  }
0x2f: {  	[spmem:s2] =	stream.indirect.scatter.add.f32 [tilespmem:s17], [sflag:$0x5], $0x10, s11, s16, $0xb8;
	[tilespmem:$0x1C000] =	vst v63  }
0x30: {  	_ =	swait.ge [sflag:s24], $0x1000  }
0x31: {  	[sflag:s24] =	ssyncset.done $0x0  }
0x32: {  	s10 =	simm.s32 $0x8100;
	[sflag:s24] =	ssyncadd.s32 $0xFFFFF000  }
0x33: {  	[spmem:s2] =	stream.indirect.scatter.add.f32 [tilespmem:s18], [sflag:$0x6], $0x10, s10, s16, $0xb8;
	[tilespmem:$0x1C000] =	vst v63  }
0x34: {  	_ =	swait.ge [sflag:s25], $0x1000  }
0x35: {  	[sflag:s25] =	ssyncset.done $0x0  }
0x36: {  	s11 =	simm.s32 $0x8200;
	[sflag:s25] =	ssyncadd.s32 $0xFFFFF000  }
0x37: {  	[spmem:s2] =	stream.indirect.scatter.add.f32 [tilespmem:s20], [sflag:$0x7], $0x10, s11, s16, $0xb8;
	[tilespmem:$0x1C000] =	vst v63  }
0x38: {  	_ =	swait.ge [sflag:s26], $0x1000  }
0x39: {  	[sflag:s26] =	ssyncset.done $0x0  }
0x3a: {  	s10 =	simm.s32 $0x8300;
	[sflag:s26] =	ssyncadd.s32 $0xFFFFF000  }
0x3b: {  	[spmem:s2] =	stream.indirect.scatter.add.f32 [tilespmem:s22], [sflag:$0x8], $0x10, s10, s16, $0xb8;
	[tilespmem:$0x1C000] =	vst v63  }
0x3c: {  	_ =	swait.ge [sflag:s28], $0x1000  }
0x3d: {  	[sflag:s28] =	ssyncset.done $0x0  }
0x3e: {  	s11 =	simm.s32 $0x400;
	[sflag:s28] =	ssyncadd.s32 $0xFFFFF000  }
0x3f: {  	[tilespmem:s17], [sflag:$0x1] =	stream.indirect.gather [hbm4b:s7+s16], $0x10, s11, s16, $0xb8;
	[tilespmem:$0x1C000] =	vst v63  }
0x40: {  	_ =	swait.ge [sflag:s29], $0x1000  }
0x41: {  	[sflag:s29] =	ssyncset.done $0x0  }
0x42: {  	s10 =	simm.s32 $0x500;
	[sflag:s29] =	ssyncadd.s32 $0xFFFFF000  }
0x43: {  	[tilespmem:s18], [sflag:$0x2] =	stream.indirect.gather [hbm4b:s7+s16], $0x10, s10, s16, $0xb8;
	[tilespmem:$0x1C000] =	vst v63  }
0x44: {  	_ =	swait.ge [sflag:s30], $0x1000  }
0x45: {  	[sflag:s30] =	ssyncset.done $0x0  }
0x46: {  	s11 =	simm.s32 $0x600;
	[sflag:s30] =	ssyncadd.s32 $0xFFFFF000  }
0x47: {  	[tilespmem:s20], [sflag:$0x3] =	stream.indirect.gather [hbm4b:s7+s16], $0x10, s11, s16, $0xb8;
	[tilespmem:$0x1C000] =	vst v63  }
0x48: {  	_ =	swait.ge [sflag:s31], $0x1000  }
0x49: {  	[sflag:s31] =	ssyncset.done $0x0  }
0x4a: {  	s8 =	simm.s32 $0x1000;
	s10 =	simm.s32 $0x700;
	[sflag:s31] =	ssyncadd.s32 $0xFFFFF000  }
.LBB2_2:
0x4b: {  	[tilespmem:s22], [sflag:$0x4] =	stream.indirect.gather [hbm4b:s7+s16], $0x10, s10, s16, $0xb8;
	[tilespmem:$0x1C000] =	vst v63  }
0x4c: {  	s10 =	smov.u32 s8  }
0x4d: {  	p0 =	sne.s32 s8, $0x1E000;
	s8 =	sadd.s32 $0x1000, s8;
	_ =	swait.ge [sflag:s23], $0x1000  }
0x4e: {  	s10 =	sshra.s32 s10, $0x2;
	[sflag:s23] =	ssyncset.done $0x0  }
0x4f: {  	s11 =	sadd.s32 $0x8000, s10;
	[sflag:s23] =	ssyncadd.s32 $0xFFFFF000  }
0x50: {  	[spmem:s2] =	stream.indirect.scatter.add.f32 [tilespmem:s17], [sflag:$0x5], $0x10, s11, s16, $0xb8;
	[tilespmem:$0x1C000] =	vst v63  }
0x51: {  	_ =	swait.ge [sflag:s24], $0x1000  }
0x52: {  	[sflag:s24] =	ssyncset.done $0x0  }
0x53: {  	s11 =	sadd.s32 $0x8100, s10;
	[sflag:s24] =	ssyncadd.s32 $0xFFFFF000  }
0x54: {  	[spmem:s2] =	stream.indirect.scatter.add.f32 [tilespmem:s18], [sflag:$0x6], $0x10, s11, s16, $0xb8;
	[tilespmem:$0x1C000] =	vst v63  }
0x55: {  	_ =	swait.ge [sflag:s25], $0x1000  }
0x56: {  	[sflag:s25] =	ssyncset.done $0x0  }
0x57: {  	s11 =	sadd.s32 $0x8200, s10;
	[sflag:s25] =	ssyncadd.s32 $0xFFFFF000  }
0x58: {  	[spmem:s2] =	stream.indirect.scatter.add.f32 [tilespmem:s20], [sflag:$0x7], $0x10, s11, s16, $0xb8;
	[tilespmem:$0x1C000] =	vst v63  }
0x59: {  	_ =	swait.ge [sflag:s26], $0x1000  }
0x5a: {  	[sflag:s26] =	ssyncset.done $0x0  }
0x5b: {  	s11 =	sadd.s32 $0x8300, s10;
	[sflag:s26] =	ssyncadd.s32 $0xFFFFF000  }
0x5c: {  	[spmem:s2] =	stream.indirect.scatter.add.f32 [tilespmem:s22], [sflag:$0x8], $0x10, s11, s16, $0xb8;
	[tilespmem:$0x1C000] =	vst v63  }
0x5d: {  	_ =	swait.ge [sflag:s28], $0x1000  }
0x5e: {  	[sflag:s28] =	ssyncset.done $0x0  }
0x5f: {  	s11 =	sadd.s32 $0x400, s10;
	[sflag:s28] =	ssyncadd.s32 $0xFFFFF000  }
0x60: {  	[tilespmem:s17], [sflag:$0x1] =	stream.indirect.gather [hbm4b:s7+s16], $0x10, s11, s16, $0xb8;
	[tilespmem:$0x1C000] =	vst v63  }
0x61: {  	_ =	swait.ge [sflag:s29], $0x1000  }
0x62: {  	[sflag:s29] =	ssyncset.done $0x0  }
0x63: {  	s11 =	sadd.s32 $0x500, s10;
	[sflag:s29] =	ssyncadd.s32 $0xFFFFF000  }
0x64: {  	[tilespmem:s18], [sflag:$0x2] =	stream.indirect.gather [hbm4b:s7+s16], $0x10, s11, s16, $0xb8;
	[tilespmem:$0x1C000] =	vst v63  }
0x65: {  	_ =	swait.ge [sflag:s30], $0x1000  }
0x66: {  	[sflag:s30] =	ssyncset.done $0x0  }
.Ltmp0:
0x67: {  	s11 =	sadd.s32 $0x600, s10;
	[sflag:s30] =	ssyncadd.s32 $0xFFFFF000;
	(pc) =	sbr.rel @p0 .LBB2_2-.Ltmp0, $4  }
0x68: {  	[tilespmem:s20], [sflag:$0x3] =	stream.indirect.gather [hbm4b:s7+s16], $0x10, s11, s16, $0xb8;
	[tilespmem:$0x1C000] =	vst v63  }
0x69: {  	_ =	swait.ge [sflag:s31], $0x1000  }
0x6a: {  	[sflag:s31] =	ssyncset.done $0x0  }
0x6b: {  	s10 =	sadd.s32 $0x700, s10;
	[sflag:s31] =	ssyncadd.s32 $0xFFFFF000  }
0x6c: {  	[tilespmem:s22], [sflag:$0x4] =	stream.indirect.gather [hbm4b:s7+s16], $0x10, s10, s16, $0xb8;
	[tilespmem:$0x1C000] =	vst v63  }
0x6d: {  	_ =	swait.ge [sflag:s23], $0x1000  }
0x6e: {  	[sflag:s23] =	ssyncset.done $0x0  }
0x6f: {  	[sflag:s23] =	ssyncadd.s32 $0xFFFFF000  }
0x70: {  	[spmem:s2] =	stream.indirect.scatter.add.f32 [tilespmem:s17], [sflag:$0x5], $0x10, s0, s16, $0xb8;
	[tilespmem:$0x1C000] =	vst v63  }
0x71: {  	_ =	swait.ge [sflag:s24], $0x1000  }
0x72: {  	[sflag:s24] =	ssyncset.done $0x0  }
0x73: {  	[sflag:s24] =	ssyncadd.s32 $0xFFFFF000  }
0x74: {  	[spmem:s2] =	stream.indirect.scatter.add.f32 [tilespmem:s18], [sflag:$0x6], $0x10, s1, s16, $0xb8;
	[tilespmem:$0x1C000] =	vst v63  }
0x75: {  	_ =	swait.ge [sflag:s25], $0x1000  }
0x76: {  	[sflag:s25] =	ssyncset.done $0x0  }
0x77: {  	[sflag:s25] =	ssyncadd.s32 $0xFFFFF000  }
0x78: {  	[spmem:s2] =	stream.indirect.scatter.add.f32 [tilespmem:s20], [sflag:$0x7], $0x10, s13, s16, $0xb8;
	[tilespmem:$0x1C000] =	vst v63  }
0x79: {  	_ =	swait.ge [sflag:s26], $0x1000  }
0x7a: {  	[sflag:s26] =	ssyncset.done $0x0  }
0x7b: {  	[sflag:s26] =	ssyncadd.s32 $0xFFFFF000  }
0x7c: {  	[spmem:s2] =	stream.indirect.scatter.add.f32 [tilespmem:s22], [sflag:$0x8], $0x10, s4, s16, $0xb8;
	[tilespmem:$0x1C000] =	vst v63  }
0x7d: {  	_ =	swait.ge [sflag:s28], $0x1000  }
0x7e: {  	[sflag:s28] =	ssyncset.done $0x0  }
0x7f: {  	[sflag:s28] =	ssyncadd.s32 $0xFFFFF000  }
0x80: {  	_ =	swait.ge [sflag:s29], $0x1000  }
0x81: {  	[sflag:s29] =	ssyncset.done $0x0  }
0x82: {  	[sflag:s29] =	ssyncadd.s32 $0xFFFFF000  }
0x83: {  	_ =	swait.ge [sflag:s30], $0x1000  }
0x84: {  	[sflag:s30] =	ssyncset.done $0x0  }
0x85: {  	[sflag:s30] =	ssyncadd.s32 $0xFFFFF000  }
0x86: {  	_ =	swait.ge [sflag:s31], $0x1000  }
0x87: {  	[sflag:s31] =	ssyncset.done $0x0  }
0x88: {  	[sflag:s31] =	ssyncadd.s32 $0xFFFFF000  }
0x89: {  	[bflag:$0x0] =	sbarrier.arrive $0xFFFF  }
0x8a: {  	s8 =	rddreg [dreg:$0x5]  }
0x8b: {  	[hbm:s8@s31], [sflag:s14] =	dma.strided [spmem:s15@s24], $0x1000, s23, $0x2   }
0x8c: {  	_ =	swait.ge [sflag:s12], $0x1000  }
0x8d: {  	[sflag:s12] =	ssyncset.done $0x0  }
0x8e: {  	[sflag:s12] =	ssyncadd.s32 $0xFFFFF000  }
0x8f: {  	[bflag:$0x0] =	sbarrier.arrive $0xFFFF  }
0x90: {  	[spmem:s15], [sflag:s14] =	dma.local [hbm:s6], $0x1000  }
0x91: {  	_ =	swait.ge [sflag:s12], $0x1000  }
0x92: {  	[sflag:s12] =	ssyncset.done $0x0  }
0x93: {  	[sflag:s12] =	ssyncadd.s32 $0xFFFFF000  }
0x94: {  	s10 =	simm.s32 $0x0;
	[bflag:$0x0] =	sbarrier.arrive $0xFFFF  }
0x95: {  	[tilespmem:s17], [sflag:$0x1] =	stream.indirect.gather [hbm4b:s9+s16], $0x10, s10, s16, $0xb8;
	[tilespmem:$0x1C000] =	vst v63  }
0x96: {  	_ = 	snop  }
0x97: {  	[tilespmem:s18], [sflag:$0x2] =	stream.indirect.gather [hbm4b:s9+s16], $0x10, s16, s16, $0xb8;
	[tilespmem:$0x1C000] =	vst v63  }
0x98: {  	_ = 	snop  }
0x99: {  	[tilespmem:s20], [sflag:$0x3] =	stream.indirect.gather [hbm4b:s9+s16], $0x10, s19, s16, $0xb8;
	[tilespmem:$0x1C000] =	vst v63  }
0x9a: {  	_ = 	snop  }
0x9b: {  	[tilespmem:s22], [sflag:$0x4] =	stream.indirect.gather [hbm4b:s9+s16], $0x10, s21, s16, $0xb8;
	[tilespmem:$0x1C000] =	vst v63  }
0x9c: {  	_ =	swait.ge [sflag:s23], $0x1000  }
0x9d: {  	[sflag:s23] =	ssyncset.done $0x0  }
0x9e: {  	s11 =	simm.s32 $0x8000;
	[sflag:s23] =	ssyncadd.s32 $0xFFFFF000  }
0x9f: {  	[spmem:s2] =	stream.indirect.scatter.add.f32 [tilespmem:s17], [sflag:$0x5], $0x10, s11, s16, $0xb8;
	[tilespmem:$0x1C000] =	vst v63  }
0xa0: {  	_ =	swait.ge [sflag:s24], $0x1000  }
0xa1: {  	[sflag:s24] =	ssyncset.done $0x0  }
0xa2: {  	s10 =	simm.s32 $0x8100;
	[sflag:s24] =	ssyncadd.s32 $0xFFFFF000  }
0xa3: {  	[spmem:s2] =	stream.indirect.scatter.add.f32 [tilespmem:s18], [sflag:$0x6], $0x10, s10, s16, $0xb8;
	[tilespmem:$0x1C000] =	vst v63  }
0xa4: {  	_ =	swait.ge [sflag:s25], $0x1000  }
0xa5: {  	[sflag:s25] =	ssyncset.done $0x0  }
0xa6: {  	s11 =	simm.s32 $0x8200;
	[sflag:s25] =	ssyncadd.s32 $0xFFFFF000  }
0xa7: {  	[spmem:s2] =	stream.indirect.scatter.add.f32 [tilespmem:s20], [sflag:$0x7], $0x10, s11, s16, $0xb8;
	[tilespmem:$0x1C000] =	vst v63  }
0xa8: {  	_ =	swait.ge [sflag:s26], $0x1000  }
0xa9: {  	[sflag:s26] =	ssyncset.done $0x0  }
0xaa: {  	s10 =	simm.s32 $0x8300;
	[sflag:s26] =	ssyncadd.s32 $0xFFFFF000  }
0xab: {  	[spmem:s2] =	stream.indirect.scatter.add.f32 [tilespmem:s22], [sflag:$0x8], $0x10, s10, s16, $0xb8;
	[tilespmem:$0x1C000] =	vst v63  }
0xac: {  	_ =	swait.ge [sflag:s28], $0x1000  }
0xad: {  	[sflag:s28] =	ssyncset.done $0x0  }
0xae: {  	s11 =	simm.s32 $0x400;
	[sflag:s28] =	ssyncadd.s32 $0xFFFFF000  }
0xaf: {  	[tilespmem:s17], [sflag:$0x1] =	stream.indirect.gather [hbm4b:s9+s16], $0x10, s11, s16, $0xb8;
	[tilespmem:$0x1C000] =	vst v63  }
0xb0: {  	_ =	swait.ge [sflag:s29], $0x1000  }
0xb1: {  	[sflag:s29] =	ssyncset.done $0x0  }
0xb2: {  	s10 =	simm.s32 $0x500;
	[sflag:s29] =	ssyncadd.s32 $0xFFFFF000  }
0xb3: {  	[tilespmem:s18], [sflag:$0x2] =	stream.indirect.gather [hbm4b:s9+s16], $0x10, s10, s16, $0xb8;
	[tilespmem:$0x1C000] =	vst v63  }
0xb4: {  	_ =	swait.ge [sflag:s30], $0x1000  }
0xb5: {  	[sflag:s30] =	ssyncset.done $0x0  }
0xb6: {  	s11 =	simm.s32 $0x600;
	[sflag:s30] =	ssyncadd.s32 $0xFFFFF000  }
0xb7: {  	[tilespmem:s20], [sflag:$0x3] =	stream.indirect.gather [hbm4b:s9+s16], $0x10, s11, s16, $0xb8;
	[tilespmem:$0x1C000] =	vst v63  }
0xb8: {  	_ =	swait.ge [sflag:s31], $0x1000  }
0xb9: {  	[sflag:s31] =	ssyncset.done $0x0  }
0xba: {  	s8 =	simm.s32 $0x1000;
	s10 =	simm.s32 $0x700;
	[sflag:s31] =	ssyncadd.s32 $0xFFFFF000  }
.LBB2_4:
0xbb: {  	[tilespmem:s22], [sflag:$0x4] =	stream.indirect.gather [hbm4b:s9+s16], $0x10, s10, s16, $0xb8;
	[tilespmem:$0x1C000] =	vst v63  }
0xbc: {  	s10 =	smov.u32 s8  }
0xbd: {  	p0 =	sne.s32 s8, $0x1E000;
	s8 =	sadd.s32 $0x1000, s8;
	_ =	swait.ge [sflag:s23], $0x1000  }
0xbe: {  	s10 =	sshra.s32 s10, $0x2;
	[sflag:s23] =	ssyncset.done $0x0  }
0xbf: {  	s11 =	sadd.s32 $0x8000, s10;
	[sflag:s23] =	ssyncadd.s32 $0xFFFFF000  }
0xc0: {  	[spmem:s2] =	stream.indirect.scatter.add.f32 [tilespmem:s17], [sflag:$0x5], $0x10, s11, s16, $0xb8;
	[tilespmem:$0x1C000] =	vst v63  }
0xc1: {  	_ =	swait.ge [sflag:s24], $0x1000  }
0xc2: {  	[sflag:s24] =	ssyncset.done $0x0  }
0xc3: {  	s11 =	sadd.s32 $0x8100, s10;
	[sflag:s24] =	ssyncadd.s32 $0xFFFFF000  }
0xc4: {  	[spmem:s2] =	stream.indirect.scatter.add.f32 [tilespmem:s18], [sflag:$0x6], $0x10, s11, s16, $0xb8;
	[tilespmem:$0x1C000] =	vst v63  }
0xc5: {  	_ =	swait.ge [sflag:s25], $0x1000  }
0xc6: {  	[sflag:s25] =	ssyncset.done $0x0  }
0xc7: {  	s11 =	sadd.s32 $0x8200, s10;
	[sflag:s25] =	ssyncadd.s32 $0xFFFFF000  }
0xc8: {  	[spmem:s2] =	stream.indirect.scatter.add.f32 [tilespmem:s20], [sflag:$0x7], $0x10, s11, s16, $0xb8;
	[tilespmem:$0x1C000] =	vst v63  }
0xc9: {  	_ =	swait.ge [sflag:s26], $0x1000  }
0xca: {  	[sflag:s26] =	ssyncset.done $0x0  }
0xcb: {  	s11 =	sadd.s32 $0x8300, s10;
	[sflag:s26] =	ssyncadd.s32 $0xFFFFF000  }
0xcc: {  	[spmem:s2] =	stream.indirect.scatter.add.f32 [tilespmem:s22], [sflag:$0x8], $0x10, s11, s16, $0xb8;
	[tilespmem:$0x1C000] =	vst v63  }
0xcd: {  	_ =	swait.ge [sflag:s28], $0x1000  }
0xce: {  	[sflag:s28] =	ssyncset.done $0x0  }
0xcf: {  	s11 =	sadd.s32 $0x400, s10;
	[sflag:s28] =	ssyncadd.s32 $0xFFFFF000  }
0xd0: {  	[tilespmem:s17], [sflag:$0x1] =	stream.indirect.gather [hbm4b:s9+s16], $0x10, s11, s16, $0xb8;
	[tilespmem:$0x1C000] =	vst v63  }
0xd1: {  	_ =	swait.ge [sflag:s29], $0x1000  }
0xd2: {  	[sflag:s29] =	ssyncset.done $0x0  }
0xd3: {  	s11 =	sadd.s32 $0x500, s10;
	[sflag:s29] =	ssyncadd.s32 $0xFFFFF000  }
0xd4: {  	[tilespmem:s18], [sflag:$0x2] =	stream.indirect.gather [hbm4b:s9+s16], $0x10, s11, s16, $0xb8;
	[tilespmem:$0x1C000] =	vst v63  }
0xd5: {  	_ =	swait.ge [sflag:s30], $0x1000  }
0xd6: {  	[sflag:s30] =	ssyncset.done $0x0  }
.Ltmp1:
0xd7: {  	s11 =	sadd.s32 $0x600, s10;
	[sflag:s30] =	ssyncadd.s32 $0xFFFFF000;
	(pc) =	sbr.rel @p0 .LBB2_4-.Ltmp1, $4  }
0xd8: {  	[tilespmem:s20], [sflag:$0x3] =	stream.indirect.gather [hbm4b:s9+s16], $0x10, s11, s16, $0xb8;
	[tilespmem:$0x1C000] =	vst v63  }
0xd9: {  	_ =	swait.ge [sflag:s31], $0x1000  }
0xda: {  	[sflag:s31] =	ssyncset.done $0x0  }
0xdb: {  	s10 =	sadd.s32 $0x700, s10;
	[sflag:s31] =	ssyncadd.s32 $0xFFFFF000  }
0xdc: {  	[tilespmem:s22], [sflag:$0x4] =	stream.indirect.gather [hbm4b:s9+s16], $0x10, s10, s16, $0xb8;
	[tilespmem:$0x1C000] =	vst v63  }
0xdd: {  	_ =	swait.ge [sflag:s23], $0x1000  }
0xde: {  	[sflag:s23] =	ssyncset.done $0x0  }
0xdf: {  	[sflag:s23] =	ssyncadd.s32 $0xFFFFF000  }
0xe0: {  	[spmem:s2] =	stream.indirect.scatter.add.f32 [tilespmem:s17], [sflag:$0x5], $0x10, s0, s16, $0xb8;
	[tilespmem:$0x1C000] =	vst v63  }
0xe1: {  	_ =	swait.ge [sflag:s24], $0x1000  }
0xe2: {  	[sflag:s24] =	ssyncset.done $0x0  }
0xe3: {  	[sflag:s24] =	ssyncadd.s32 $0xFFFFF000  }
0xe4: {  	[spmem:s2] =	stream.indirect.scatter.add.f32 [tilespmem:s18], [sflag:$0x6], $0x10, s1, s16, $0xb8;
	[tilespmem:$0x1C000] =	vst v63  }
0xe5: {  	_ =	swait.ge [sflag:s25], $0x1000  }
0xe6: {  	[sflag:s25] =	ssyncset.done $0x0  }
0xe7: {  	[sflag:s25] =	ssyncadd.s32 $0xFFFFF000  }
0xe8: {  	[spmem:s2] =	stream.indirect.scatter.add.f32 [tilespmem:s20], [sflag:$0x7], $0x10, s13, s16, $0xb8;
	[tilespmem:$0x1C000] =	vst v63  }
0xe9: {  	_ =	swait.ge [sflag:s26], $0x1000  }
0xea: {  	[sflag:s26] =	ssyncset.done $0x0  }
0xeb: {  	[sflag:s26] =	ssyncadd.s32 $0xFFFFF000  }
0xec: {  	[spmem:s2] =	stream.indirect.scatter.add.f32 [tilespmem:s22], [sflag:$0x8], $0x10, s4, s16, $0xb8;
	[tilespmem:$0x1C000] =	vst v63  }
0xed: {  	_ =	swait.ge [sflag:s28], $0x1000  }
0xee: {  	[sflag:s28] =	ssyncset.done $0x0  }
0xef: {  	[sflag:s28] =	ssyncadd.s32 $0xFFFFF000  }
0xf0: {  	_ =	swait.ge [sflag:s29], $0x1000  }
0xf1: {  	[sflag:s29] =	ssyncset.done $0x0  }
0xf2: {  	[sflag:s29] =	ssyncadd.s32 $0xFFFFF000  }
0xf3: {  	_ =	swait.ge [sflag:s30], $0x1000  }
0xf4: {  	[sflag:s30] =	ssyncset.done $0x0  }
0xf5: {  	[sflag:s30] =	ssyncadd.s32 $0xFFFFF000  }
0xf6: {  	_ =	swait.ge [sflag:s31], $0x1000  }
0xf7: {  	[sflag:s31] =	ssyncset.done $0x0  }
0xf8: {  	[sflag:s31] =	ssyncadd.s32 $0xFFFFF000  }
0xf9: {  	[bflag:$0x0] =	sbarrier.arrive $0xFFFF  }
0xfa: {  	s8 =	rddreg [dreg:$0x6]  }
0xfb: {  	[hbm:s8@s31], [sflag:s14] =	dma.strided [spmem:s15@s24], $0x1000, s23, $0x2   }
0xfc: {  	_ =	swait.ge [sflag:s12], $0x1000  }
0xfd: {  	s5 =	sadd.s32 $0x1, s5;
	s11 =	rddreg [dreg:$0x7]  }
0xfe: {  	p0 =	sne.s32 s5, s11  }
.Ltmp2:
0xff: {  	_ = 	snop;
	(pc) =	sbr.rel @p0 .LBB2_1-.Ltmp2, $3  }
0x100: {  	[sflag:s12] =	ssyncset.done $0x0  }
0x101: {  	[sflag:s12] =	ssyncadd.s32 $0xFFFFF000  }
0x102: {  	[bflag:$0x0] =	sbarrier.arrive $0xFFFF;
	_ =	sdelay $0x1  }
0x103: {  	_ =	sfence.sel $0x180000  }
0x104: {  	[bflag:$0x0] =	sbarrier.arrive $0xFFFF  }
0x105: {  	_ =	strace $0x9000004D  }
0x106: {  	s0 =	stileid.u32;
	[bflag:$0x2] =	sbarrier.arrive $0xFFFF  }
0x107: {  	p0 =	sne.s32 s0, $0x0;
	s0 =	rddreg [dreg:$0x2]  }
0x108: {  	s0 =	sadd.s32 @!p0 $0x100000, s0  }
0x109: {  	[sflag:s0] =	ssyncadd.tile.s32 @!p0 $0x1;
	_ =	shalt  }
.Lfunc_end2:
_tile_overlayer_lowered:
.L_overlay_start_2:
0x10a: {  	(tag) =	ssettag $0x2  }
0x10b: {  	s0 =	rddreg [dreg:$0x0];
	s2 =	stileid.u32  }
0x10c: {  	s1 =	rddreg [dreg:$0x1];
	p0 =	sne.s32 s2, $0x0  }
0x10d: {  	s3 =	rddreg [dreg:$0x2];
	[bflag:$0x3] =	sbarrier.arrive $0xFFFF;
	s2 =	simm.s32 @!p0 $0x1C09  }
0x10e: {  	[timem:s3], [sflag:s2] =	dma.local @!p0 [hbm:s0], s1  }
0x10f: {  	s0 =	simm.s32 @!p0 $0x9  }
0x110: {  	_ =	swait.ge @!p0 [sflag:s0], s1  }
0x111: {  	s1 =	ssub.s32 @!p0 $0x0, s1;
	[sflag:s0] =	ssyncset.done @!p0 $0x0  }
0x112: {  	[sflag:s0] =	ssyncadd.s32 @!p0 s1  }
0x113: {  	[bflag:$0x3] =	sbarrier.arrive $0xFFFF  }
0x114: {  	_ =	shalt  }

// kernel: kernel.8.cloned.1.call-start
scs
__scs_entry_jumppad:
0x0: {  	(pc) =	sbr.rel $0x88, $3  }
0x1: {  	(tag) =	ssettag $0x0;
	lr =	simm.s32 $0x1  }
0x2: {  	[smem:$0x3F91] =	sst lr;
	_ =	strace $0xD0000000  }
0x3: {  	_ = 	snop  }
0x4: {  	_ = 	snop  }
0x5: {  	_ = 	snop  }
0x6: {  	_ = 	snop  }
0x7: {  	_ = 	snop  }
__scs_overlays_trampoline_lowered:
0x8: {  	[smem:$0x3FA0] =	sst s0  }
0x9: {  	[smem:$0x3FA1] =	sst s1  }
0xa: {  	[smem:$0x3FA2] =	sst s2  }
0xb: {  	[smem:$0x3FA3] =	sst s3  }
0xc: {  	[smem:$0x3FA4] =	sst s4  }
0xd: {  	[smem:$0x3FA5] =	sst s5  }
0xe: {  	[smem:$0x3FA6] =	sst s6  }
0xf: {  	[smem:$0x3FA7] =	sst s7  }
0x10: {  	[smem:$0x3FA8] =	sst s8  }
0x11: {  	[smem:$0x3FA9] =	sst s9;
	s0 =	simm.s32 @!p0 $0x0  }
0x12: {  	s1 =	sld [smem:$0x3F8F];
	s0 =	simm.s32 @p0 $0x1  }
0x13: {  	[smem:$0x3FAA] =	sst s0;
	s0 =	simm.s32 @!p1 $0x0  }
0x14: {  	s2 =	sld [smem:$0x3F8E];
	s0 =	simm.s32 @p1 $0x1  }
0x15: {  	[smem:$0x3FAB] =	sst s0;
	s0 =	simm.s32 @!p2 $0x0  }
0x16: {  	s3 =	sld [smem:$0x3FDB];
	s0 =	simm.s32 @p2 $0x1  }
0x17: {  	s4 =	simm.s32 $0x1BF5;
	[smem:$0x3FAD] =	sst s0  }
0x18: {  	s0 =	sld [smem:$0x3F90];
	_ =	swait.ge [sflag:s4], $0x0  }
0x19: {  	s7 =	sld [smem:$0x3F91]  }
0x1a: {  	s8 =	sadd.s32 $0xFFFFE003, lr  }
0x1b: {  	s9 =	sadd.s32 $0xFFFFFEF7, lr;
	s5 =	simm.s32 $0xFFFFFFFF;
	p2 =	slt.u32 s8, $0xFFFFF086  }
0x1c: {  	p1 =	slt.u32 s9, $0xF7A;
	s5 =	simm.s32 @!p2 $0x0  }
0x1d: {  	s5 =	simm.s32 @p1 $0x1;
	p0 =	seq.s32 s7, s2  }
0x1e: {  	s7 =	smul.u32 @!p0 $0xF7A, s2;
	p2 =	seq.s32 @!p0 s5, $0x0  }
0x1f: {  	s9 =	smul.u32 $0xF7A, s1;
	s8 =	simm.s32 @!p0 $0x1BF5;
	p2 =	por !p2, p0  }
0x20: {  	[sflag:s8] =	ssyncset.s32 @!p0 $0xFFFFF086;
	s6 =	sadd.s32 @!p0 s3, s7;
	s7 =	simm.s32 @!p0 $0x108  }
0x21: {  	s3 =	sadd.s32 s3, s9;
	s6 =	sadd.s32 @!p0 $0x88, s6;
	s7 =	simm.s32 @p2 $0x1082  }
0x22: {  	[simem:s7], [sflag:s8] =	dma.local @!p0 [hbm:s6], $0xF7A  }
0x23: {  	s9 =	sor.u32 $0xD0000000, s2;
	s6 =	simm.s32 $0x108;
	_ =	swait.ge @!p0 [sflag:s8], $0x0  }
0x24: {  	s3 =	sadd.s32 $0x88, s3;
	s6 =	simm.s32 @!p1 $0x1082;
	[sflag:s4] =	ssyncset.s32 $0xFFFFF086  }
0x25: {  	[simem:s6], [sflag:s4] =	dma.local [hbm:s3], $0xF7A  }
0x26: {  	[smem:$0x3F91] =	sst s1;
	(tag) =	ssettag s2;
	_ =	strace s9  }
0x27: {  	s1 =	sld [smem:$0x3FA1]  }
0x28: {  	s2 =	sld [smem:$0x3FA2]  }
0x29: {  	s4 =	sld [smem:$0x3FA4]  }
0x2a: {  	p0 =	seq.s32 s5, $0x0;
	s5 =	sld [smem:$0x3FA5]  }
0x2b: {  	s6 =	sld [smem:$0x3FA6]  }
0x2c: {  	s7 =	sld [smem:$0x3FA7]  }
0x2d: {  	s3 =	simm.s32 $0x108;
	s8 =	sld [smem:$0x3FA8]  }
0x2e: {  	s3 =	simm.s32 @!p0 $0x1082;
	s9 =	sld [smem:$0x3FA9]  }
0x2f: {  	lr =	sadd.s32 s0, s3;
	s0 =	sld [smem:$0x3FA0]  }
0x30: {  	s3 =	sld [smem:$0x3FA3]  }
0x31: {  	[smem:$0x3FAC] =	sst s10  }
0x32: {  	s10 =	sld [smem:$0x3FAA];
	_ =	sdelay $0x3  }
0x33: {  	p0 =	seq.s32 s10, $0x1;
	s10 =	sld [smem:$0x3FAC];
	_ =	sdelay $0x3  }
0x34: {  	[smem:$0x3FAC] =	sst s10  }
0x35: {  	s10 =	sld [smem:$0x3FAB];
	_ =	sdelay $0x3  }
0x36: {  	p1 =	seq.s32 s10, $0x1;
	s10 =	sld [smem:$0x3FAC];
	_ =	sdelay $0x3  }
0x37: {  	[smem:$0x3FAC] =	sst s10  }
0x38: {  	s10 =	sld [smem:$0x3FAD]  }
0x39: {  	_ = 	snop;
	(pc) =	sbr.ind lr, $3  }
0x3a: {  	_ = 	snop  }
0x3b: {  	_ = 	snop  }
0x3c: {  	p2 =	seq.s32 s10, $0x1;
	s10 =	sld [smem:$0x3FAC]  }
0x3d: {  	_ =	shalt  }
0x3e: {  	_ =	shalt  }
0x3f: {  	_ =	shalt  }
0x40: {  	_ =	shalt  }
0x41: {  	_ =	shalt  }
0x42: {  	_ =	shalt  }
0x43: {  	_ =	shalt  }
0x44: {  	_ =	shalt  }
0x45: {  	_ =	shalt  }
0x46: {  	_ =	shalt  }
0x47: {  	_ =	shalt  }
0x48: {  	_ =	shalt  }
0x49: {  	_ =	shalt  }
0x4a: {  	_ =	shalt  }
0x4b: {  	_ =	shalt  }
0x4c: {  	_ =	shalt  }
0x4d: {  	_ =	shalt  }
0x4e: {  	_ =	shalt  }
0x4f: {  	_ =	shalt  }
0x50: {  	_ =	shalt  }
0x51: {  	_ =	shalt  }
0x52: {  	_ =	shalt  }
0x53: {  	_ =	shalt  }
0x54: {  	_ =	shalt  }
0x55: {  	_ =	shalt  }
0x56: {  	_ =	shalt  }
0x57: {  	_ =	shalt  }
0x58: {  	_ =	shalt  }
0x59: {  	_ =	shalt  }
0x5a: {  	_ =	shalt  }
0x5b: {  	_ =	shalt  }
0x5c: {  	_ =	shalt  }
0x5d: {  	_ =	shalt  }
0x5e: {  	_ =	shalt  }
0x5f: {  	_ =	shalt  }
0x60: {  	_ =	shalt  }
0x61: {  	_ =	shalt  }
0x62: {  	_ =	shalt  }
0x63: {  	_ =	shalt  }
0x64: {  	_ =	shalt  }
0x65: {  	_ =	shalt  }
0x66: {  	_ =	shalt  }
0x67: {  	_ =	shalt  }
0x68: {  	_ =	shalt  }
0x69: {  	_ =	shalt  }
0x6a: {  	_ =	shalt  }
0x6b: {  	_ =	shalt  }
0x6c: {  	_ =	shalt  }
0x6d: {  	_ =	shalt  }
0x6e: {  	_ =	shalt  }
0x6f: {  	_ =	shalt  }
0x70: {  	_ =	shalt  }
0x71: {  	_ =	shalt  }
0x72: {  	_ =	shalt  }
0x73: {  	_ =	shalt  }
0x74: {  	_ =	shalt  }
0x75: {  	_ =	shalt  }
0x76: {  	_ =	shalt  }
0x77: {  	_ =	shalt  }
0x78: {  	_ =	shalt  }
0x79: {  	_ =	shalt  }
0x7a: {  	_ =	shalt  }
0x7b: {  	_ =	shalt  }
0x7c: {  	_ =	shalt  }
0x7d: {  	_ =	shalt  }
0x7e: {  	_ =	shalt  }
0x7f: {  	_ =	shalt  }
0x80: {  	_ =	shalt  }
0x81: {  	_ =	shalt  }
0x82: {  	_ =	shalt  }
0x83: {  	_ =	shalt  }
0x84: {  	_ =	shalt  }
0x85: {  	_ =	shalt  }
0x86: {  	_ =	shalt  }
0x87: {  	_ =	shalt  }
.Lfunc_end0:
.L_simem_size_0:
called_computation_lowered:
.L_overlay_start_0:
0x88: {  	s2 =	sld [smem:$0x3FD9]  }
0x89: {  	s3 =	sld [smem:$0x3FFE];
	_ =	sdelay $0x1  }
0x8a: {  	s1 =	srdreg.scid  }
0x8b: {  	s0 =	sand.u32 $0x1, s1  }
0x8c: {  	s17 =	sshll.u32 s0, $0xA;
	s2 =	sadd.s32 s3, s2  }
0x8d: {  	s2 =	sadd.s32 s2, s17  }
0x8e: {  	[smem:$0x3FB8] =	sst s2  }
0x8f: {  	_ = 	snop  }
0x90: {  	s18 =	sld [smem:$0x3FD0];
	(tm) =	ssettm $0x1  }
0x91: {  	s19 =	sld [smem:$0x3FFB];
	_ =	sdelay $0x3  }
0x92: {  	_ =	strace s19  }
0x93: {  	s2 =	sld [smem:$0x3FFC];
	_ =	sdelay $0x3  }
0x94: {  	_ =	strace s2  }
0x95: {  	s2 =	sld [smem:$0x3FFD];
	_ =	sdelay $0x3  }
0x96: {  	_ =	strace s2  }
0x97: {  	_ =	strace $0x8FFFFFFF  }
0x98: {  	s20 =	sld [smem:$0x3FDB];
	_ =	sdelay $0x1  }
0x99: {  	s4 =	simm.s32 $_scs_section_size  }
0x9a: {  	s5 =	simm.s32 $_size__tile_overlayer_lowered;
	s6 =	simm.s32 $_tile_overlayer_lowered  }
0x9b: {  	s7 =	simm.s32 $0x1BFF;
	s21 =	sshll.u32 s6, $0x1;
	s4 =	sadd.s32 s4, s20  }
0x9c: {  	s22 =	simm.s32 $0x0;
	s5 =	sshll.u32 s5, $0x1;
	s6 =	sadd.s32 s21, s4  }
0x9d: {  	[timem:s22], [sflag:s7] =	dma.local [hbm:s6], s5  }
0x9e: {  	_ =	swait.ge [sflag:s7], s5  }
0x9f: {  	s5 =	ssub.s32 $0x0, s5;
	[sflag:s7] =	ssyncset.done $0x0  }
0xa0: {  	[sflag:s7] =	ssyncadd.s32 s5;
	_ =	sdelay $0x1  }
0xa1: {  	s23 =	simm.s32 $0x1B8B  }
0xa2: {  	_ =	swait.ge [sflag:s23], $0x1  }
0xa3: {  	[sflag:s23] =	ssyncset.done $0x0  }
0xa4: {  	[sflag:s23] =	ssyncadd.s32 $0xFFFFFFFF  }
0xa5: {  	s5 =	sld [smem:$0x0]  }
0xa6: {  	s6 =	sand.u32 $0xFFFFFFFE, s1  }
0xa7: {  	p0 =	sne.s32 s1, s6  }
0xa8: {  	s6 =	sshll.u32 @p0 s6, $0xE  }
0xa9: {  	s6 =	sadd.s32 @p0 $0x11B8D, s6;
	s7 =	sshll.u32 @p0 s5, $0x11  }
0xaa: {  	s6 =	sor.u32 @p0 s7, s6  }
0xab: {  	[sflag:s6] =	ssyncadd.remote.s32 @p0 $0x1;
	_ =	sdelay $0x1  }
0xac: {  	s6 =	simm.s32 @p0 $0x1B8D  }
0xad: {  	_ =	swait.eq @p0 [sflag:s6], $0x1  }
0xae: {  	[sflag:s6] =	ssyncadd.s32 @p0 $0xFFFFFFFF  }
0xaf: {  	s7 =	sshll.u32 @!p0 s1, $0xE  }
0xb0: {  	s7 =	sor.u32 @!p0 $0x4000, s7;
	s6 =	simm.s32 @!p0 $0x1B8D  }
0xb1: {  	s5 =	sshll.u32 @!p0 s5, $0x11;
	s7 =	sadd.s32 @!p0 $0x11B8D, s7;
	_ =	swait.eq @!p0 [sflag:s6], $0x1  }
0xb2: {  	s5 =	sor.u32 @!p0 s5, s7;
	[sflag:s6] =	ssyncadd.s32 @!p0 $0xFFFFFFFF  }
0xb3: {  	s25 =	simm.s32 $0x1B8E;
	s24 =	sld [smem:$0x3FFE];
	[sflag:s5] =	ssyncadd.remote.s32 @!p0 $0x1  }
0xb4: {  	s26 =	simm.s32 $execute0_lowered;
	[smem:$0x3FD2] =	sst s25  }
0xb5: {  	s6 =	sshll.u32 s26, $0x1;
	_ =	strace $0x80000049;
	[dreg:$0x1] =	wrdreg $0xFFFFFFFF  }
0xb6: {  	s28 =	simm.s32 $_size_execute0_lowered;
	s4 =	sadd.s32 s4, s6;
	[dreg:$0x0] =	wrdreg $0x0  }
0xb7: {  	s6 =	sshll.u32 s28, $0x1;
	[dreg:$0x2] =	wrdreg s4  }
0xb8: {  	[dreg:$0x3] =	wrdreg s6  }
0xb9: {  	[dreg:$0x4] =	wrdreg $0xC0  }
0xba: {  	_ =	task [dreg:s22], $0x5FFFF  }
0xbb: {  	[dreg:$0x1] =	wrdreg $0xFFFFFFFF  }
0xbc: {  	[dreg:$0x0] =	wrdreg $0x60  }
0xbd: {  	[dreg:$0x2] =	wrdreg s24  }
0xbe: {  	[dreg:$0x3] =	wrdreg s18  }
0xbf: {  	[dreg:$0x4] =	wrdreg $0x48000  }
0xc0: {  	[dreg:$0x5] =	wrdreg $0x9  }
0xc1: {  	_ =	task.clear_ibuf [dreg:s22], $0x6FFFF;
	_ =	strace $0x90000049  }
0xc2: {  	s29 =	simm.s32 $0x9;
	_ =	strace $0x8000004B  }
0xc3: {  	_ =	swait.ge [sflag:s29], $0x1  }
0xc4: {  	[sflag:s29] =	ssyncadd.s32 $0xFFFFFFFF  }
0xc5: {  	_ =	strace $0x9000004B  }
0xc6: {  	_ =	sfence  }
0xc7: {  	s30 =	sld [smem:$0x0];
	_ =	sdelay $0x2  }
0xc8: {  	s31 =	sshll.u32 s1, $0xD;
	s1 =	sshrl.u32 s1, $0x2  }
0xc9: {  	s4 =	sand.u32 $0x4000, s31;
	s1 =	sadd.s32 s1, s30  }
0xca: {  	s0 =	sor.u32 s4, s0;
	s1 =	sshll.u32 s1, $0x11  }
0xcb: {  	s0 =	sor.u32 s1, s0  }
0xcc: {  	s0 =	sadd.s32 $0x8F2B, s0  }
0xcd: {  	[sflag:s0] =	ssyncadd.remote.s32 $0x1  }
0xce: {  	_ =	sfence.sel $0xFFFF  }
0xcf: {  	[dreg:$0x0] =	wrdreg $0xFFFFFFFF;
	(pc) =	sbr.abs _section_cstart, $3  }
0xd0: {  	[dreg:$0x1] =	wrdreg $0xFFFFFFFF  }
0xd1: {  	_ =	task.clear_ibuf [dreg:s22], $0x2FFFF;
	_ =	strace $0x9FFFFFFF  }
0xd2: {  	(tm) =	ssettm $0x7FFFFFFF  }
0xd3: {  	_ =	shalt  }
tec
execute0_lowered:
.L_overlay_start_1:
0x0: {  	(tag) =	ssettag $0x1  }
0x1: {  	s5 =	rddreg [dreg:$0x0]  }
0x2: {  	s1 =	rddreg [dreg:$0x1]  }
0x3: {  	s2 =	rddreg [dreg:$0x2]  }
0x4: {  	s0 =	rddreg [dreg:$0x3];
	s4 =	simm.s32 $0x0;
	s6 =	srdreg.scid  }
0x5: {  	s3 =	stileid.u32;
	s13 =	simm.s32 $0x80;
	s14 =	simm.s32 $0x0  }
0x6: {  	[smem:$0x7FF] =	sst s4;
	s6 =	sand.u32 $0x1, s6;
	s7 =	sshll.u32 s3, $0xB  }
0x7: {  	s8 =	sshll.u32 s3, $0xF;
	s10 =	sshll.u32 s3, $0xC;
	s31 =	sshll.u32 s3, $0x6  }
0x8: {  	s9 =	sshll.u32 s6, $0x13;
	_ =	strace $0x8000004A;
	s7 =	sadd.s32 s7, s5  }
0x9: {  	s11 =	ssub.s32 $0x2, s6;
	s10 =	sadd.s32 s10, s5;
	s12 =	sadd.s32 s8, s2  }
0xa: {  	s6 =	sshll.u32 s6, $0xF;
	s9 =	sor.u32 s8, s9;
	s30 =	sshrl.u32 s11, $0x1  }
0xb: {  	s7 =	sadd.s32 s6, s7;
	s6 =	sor.u32 $0x1C01, s31;
	s9 =	sshrl.u32 s9, $0x3  }
0xc: {  	s11 =	ssub.s32 s11, s30;
	s7 =	sadd.s32 $0x2600, s7;
	s9 =	sadd.s32 s9, s5  }
0xd: {  	s5 =	sadd.s32 $0x22600, s10;
	s10 =	sshrl.u32 s12, $0x3;
	s12 =	simm.s32 $0x4000  }
0xe: {  	s8 =	sadd.s32 $0x72600, s9;
	s9 =	smax.u32 s11, $0x1;
	s11 =	simm.s32 $0x1  }
.LBB2_1:
0xf: {  	[spmem:s10], [sflag:s6] =	dma.local [hbm:s5], $0x1000  }
0x10: {  	_ =	swait.ge [sflag:s11], $0x1000  }
0x11: {  	[sflag:s11] =	ssyncset.done $0x0  }
0x12: {  	[sflag:s11] =	ssyncadd.s32 $0xFFFFF000  }
0x13: {  	[tilespmem:s4], [sflag:$0x1] =	stream.linear.gather [hbm4b:s7+s4], $0x4000, $0x38;
	[tilespmem:$0xC800] =	vst v63  }
0x14: {  	_ =	swait.ge [sflag:s11], $0x4000  }
0x15: {  	[sflag:s11] =	ssyncset.done $0x0  }
0x16: {  	[sflag:s11] =	ssyncadd.s32 $0xFFFFC000  }
0x17: {  	[tilespmem:s12], [sflag:$0x1] =	stream.linear.gather [hbm4b:s1+s4], $0x800, $0x38;
	[tilespmem:$0xC800] =	vst v63  }
0x18: {  	_ =	swait.ge [sflag:s11], $0x800  }
0x19: {  	[sflag:s11] =	ssyncset.done $0x0  }
0x1a: {  	[sflag:s11] =	ssyncadd.s32 $0xFFFFF800  }
0x1b: {  	s15 =	simm.s32 $0x0;
	[bflag:$0x0] =	sbarrier.arrive $0xFFFF  }
0x1c: {  	[spmem:s2] =	stream.indirect.scatter.add.f32 [tilespmem:s12], [sflag:$0x1], $0x10, s15, s13, $0xb8;
	[tilespmem:$0xC800] =	vst v63  }
0x1d: {  	_ =	swait.ge [sflag:s11], $0x800  }
0x1e: {  	s15 =	simm.s32 $0x200;
	[sflag:s11] =	ssyncset.done $0x0  }
.LBB2_2:
0x1f: {  	s16 =	sshra.s32 s15, $0x2;
	[sflag:s11] =	ssyncadd.s32 $0xFFFFF800;
	p0 =	sne.s32 s15, $0xFE00  }
0x20: {  	[spmem:s2] =	stream.indirect.scatter.add.f32 [tilespmem:s12], [sflag:$0x1], $0x10, s16, s13, $0xb8;
	[tilespmem:$0xC800] =	vst v63  }
.Ltmp0:
0x21: {  	_ = 	snop;
	(pc) =	sbr.rel @p0 .LBB2_2-.Ltmp0, $4  }
0x22: {  	_ = 	snop  }
0x23: {  	s15 =	sadd.s32 $0x200, s15  }
0x24: {  	_ =	swait.ge [sflag:s11], $0x800  }
0x25: {  	[sflag:s11] =	ssyncset.done $0x0  }
0x26: {  	s14 =	sadd.s32 $0x1, s14  }
0x27: {  	[sflag:s11] =	ssyncadd.s32 $0xFFFFF800;
	p0 =	sne.s32 s14, s9  }
.Ltmp1:
0x28: {  	[bflag:$0x0] =	sbarrier.arrive $0xFFFF;
	(pc) =	sbr.rel @p0 .LBB2_1-.Ltmp1, $4  }
0x29: {  	[hbm:s8], [sflag:s6] =	dma.local [spmem:s10], $0x1000  }
0x2a: {  	_ =	swait.ge [sflag:s11], $0x1000  }
0x2b: {  	[sflag:s11] =	ssyncset.done $0x0  }
0x2c: {  	[sflag:s11] =	ssyncadd.s32 $0xFFFFF000  }
0x2d: {  	_ =	sfence.sel $0x180000  }
0x2e: {  	[bflag:$0x0] =	sbarrier.arrive $0xFFFF  }
0x2f: {  	p0 =	sne.s32 s3, $0x0;
	_ =	strace $0x9000004A  }
0x30: {  	s0 =	sadd.s32 @!p0 $0x100000, s0;
	[bflag:$0x2] =	sbarrier.arrive $0xFFFF  }
0x31: {  	[sflag:s0] =	ssyncadd.tile.s32 @!p0 $0x1;
	_ =	shalt  }
.Lfunc_end2:
_tile_overlayer_lowered:
.L_overlay_start_2:
0x32: {  	(tag) =	ssettag $0x2  }
0x33: {  	s0 =	rddreg [dreg:$0x0];
	s2 =	stileid.u32  }
0x34: {  	s1 =	rddreg [dreg:$0x1];
	p0 =	sne.s32 s2, $0x0  }
0x35: {  	s3 =	rddreg [dreg:$0x2];
	[bflag:$0x3] =	sbarrier.arrive $0xFFFF;
	s2 =	simm.s32 @!p0 $0x1C01  }
0x36: {  	[timem:s3], [sflag:s2] =	dma.local @!p0 [hbm:s0], s1  }
0x37: {  	s0 =	simm.s32 @!p0 $0x1  }
0x38: {  	_ =	swait.ge @!p0 [sflag:s0], s1  }
0x39: {  	s1 =	ssub.s32 @!p0 $0x0, s1;
	[sflag:s0] =	ssyncset.done @!p0 $0x0  }
0x3a: {  	[sflag:s0] =	ssyncadd.s32 @!p0 s1  }
0x3b: {  	[bflag:$0x3] =	sbarrier.arrive $0xFFFF  }
0x3c: {  	_ =	shalt  }

</sc_bundles>
